<compile_context>
chip_gen: v7x
topology: tpu7x:2x2x1
jax: 0.10.2.dev20260603
libtpu: 0.0.44.dev20260713+nightly
codegen_flags: <defaults>
</compile_context>

<pallas_src>
import functools

import jax
import jax.numpy as jnp
from jax import lax
from jax.experimental import pallas as pl
from jax.experimental.pallas import tpu as pltpu
from jax.experimental.pallas import tpu_sc as plsc

BOX = 80
RES = 1.0
EPS_IN = 6.5
EPS_OUT = 79.0
B = 16
A = 8000

NSLAB = 4
SLABX = BOX // NSLAB
SLAB_WORDS = SLABX * BOX * BOX
PLANE = BOX * BOX

CHUNK = 256
APAD = 8192
NCHUNK = APAD // CHUNK
VREGS_PER_CHUNK = CHUNK // 16
GROWS = 8

NW = 32
NTASK = B * NSLAB

_mesh = plsc.VectorSubcoreMesh(
    core_axis_name="c", subcore_axis_name="s", num_cores=2, num_subcores=16)


@functools.partial(
    pl.kernel,
    out_type=jax.ShapeDtypeStruct((B * BOX * BOX * BOX,), jnp.float32),
    mesh=_mesh,
    scratch_types=[
        pltpu.VMEM((SLAB_WORDS,), jnp.float32),
        pltpu.VMEM((GROWS, 128), jnp.float32),
        pltpu.VMEM((GROWS, 128), jnp.float32),
        pltpu.VMEM((16,), jnp.int32),
        pltpu.SemaphoreType.DMA,
        pltpu.SemaphoreType.DMA,
    ],
    compiler_params=pltpu.CompilerParams(needs_layout_passes=False),
)
def _splat_eps(cw_hbm, num_hbm, out_hbm,
               slab, cbufA, cbufB, nbuf, semA, semB):
    wid = lax.axis_index("s") * 2 + lax.axis_index("c")
    pltpu.sync_copy(num_hbm, nbuf)

    iota = lax.iota(jnp.int32, 16)
    zeros = jnp.zeros((16,), jnp.float32)
    f_scale = jnp.full((16,), EPS_OUT - EPS_IN, jnp.float32)
    f_off = jnp.full((16,), EPS_IN, jnp.float32)
    ones = jnp.ones((16,), jnp.float32)

    def run_task(task):
        b = task // NSLAB
        slab_i = task - b * NSLAB
        x0 = slab_i * SLABX
        na = plsc.load_gather(nbuf, [jnp.broadcast_to(b, (16,)).astype(jnp.int32)])

        def zero_body(i, _):
            base = i * 512
            for k in range(32):
                slab[pl.ds(base + k * 16, 16)] = zeros
            return 0
        lax.fori_loop(0, SLAB_WORDS // 512, zero_body, 0)

        def c_src(ci):
            return cw_hbm.at[pl.ds(b * (NCHUNK * GROWS) + ci * GROWS, GROWS), :]

        def fire(ci, cb, sem):
            pltpu.async_copy(c_src(ci), cb, sem)

        def wait(ci, cb, sem):
            pltpu.make_async_copy(c_src(ci), cb, sem).wait()

        def process(ci, cb):
            def vreg_body(j, _):
                al = iota + j * 16
                aid = al + ci * CHUNK
                al3 = al * 3
                x = plsc.load_gather(cb, [al3 >> 7, al3 & 127])
                a1 = al3 + 1
                y = plsc.load_gather(cb, [a1 >> 7, a1 & 127])
                a2 = al3 + 2
                z = plsc.load_gather(cb, [a2 >> 7, a2 & 127])
                w = plsc.load_gather(cb, [(al >> 7) + 6, al & 127])

                ix = x.astype(jnp.int32)
                iy = y.astype(jnp.int32)
                iz = z.astype(jnp.int32)
                frx = x - ix.astype(jnp.float32)
                fry = y - iy.astype(jnp.float32)
                frz = z - iz.astype(jnp.float32)

                am = aid < na
                m0 = am & (ix >= x0) & (ix < x0 + SLABX)
                ixp = ix + 1
                m1 = am & (ixp >= x0) & (ixp < x0 + SLABX)

                s0 = jnp.clip(ix - x0, 0, SLABX - 1) * PLANE
                s1 = jnp.clip(ixp - x0, 0, SLABX - 1) * PLANE
                yb0 = iy * BOX
                yb1 = yb0 + BOX

                t0 = w * (ones - frx)
                t1 = w * frx
                wy0 = ones - fry
                wz0 = ones - frz
                p00 = t0 * wy0
                p01 = t0 * fry
                p10 = t1 * wy0
                p11 = t1 * fry

                i00 = s0 + yb0 + iz
                i01 = s0 + yb1 + iz
                i10 = s1 + yb0 + iz
                i11 = s1 + yb1 + iz
                plsc.addupdate_scatter(slab, [i00], p00 * wz0, mask=m0)
                plsc.addupdate_scatter(slab, [i00 + 1], p00 * frz, mask=m0)
                plsc.addupdate_scatter(slab, [i01], p01 * wz0, mask=m0)
                plsc.addupdate_scatter(slab, [i01 + 1], p01 * frz, mask=m0)
                plsc.addupdate_scatter(slab, [i10], p10 * wz0, mask=m1)
                plsc.addupdate_scatter(slab, [i10 + 1], p10 * frz, mask=m1)
                plsc.addupdate_scatter(slab, [i11], p11 * wz0, mask=m1)
                plsc.addupdate_scatter(slab, [i11 + 1], p11 * frz, mask=m1)
                return 0

            lax.fori_loop(0, VREGS_PER_CHUNK, vreg_body, 0)

        fire(0, cbufA, semA)

        def pair_body(k, _):
            ci0 = 2 * k
            ci1 = ci0 + 1
            fire(ci1, cbufB, semB)
            wait(ci0, cbufA, semA)
            process(ci0, cbufA)

            @pl.when(k < NCHUNK // 2 - 1)
            def _():
                fire(ci0 + 2, cbufA, semA)

            wait(ci1, cbufB, semB)
            process(ci1, cbufB)
            return 0

        lax.fori_loop(0, NCHUNK // 2, pair_body, 0)

        def eps_body(i, _):
            base = i * 512
            for k in range(32):
                off = base + k * 16
                v = slab[pl.ds(off, 16)]
                slab[pl.ds(off, 16)] = jnp.exp(-v) * f_scale + f_off
            return 0
        lax.fori_loop(0, SLAB_WORDS // 512, eps_body, 0)

        pltpu.sync_copy(
            slab,
            out_hbm.at[pl.ds(b * (BOX * BOX * BOX) + x0 * PLANE, SLAB_WORDS)])

    run_task(wid)
    run_task(wid + NW)


def _stage_body(cref, wref, out_ref):
    c3 = cref[...].reshape(8, NCHUNK, 6, 128)
    w3 = wref[...].reshape(8, NCHUNK, 2, 128)
    packed = jnp.concatenate([c3, w3], axis=2)
    out_ref[...] = packed.reshape(8 * NCHUNK * GROWS, 128)


def _stage(cpad, wpad):
    return pl.pallas_call(
        _stage_body,
        grid=(B // 8,),
        in_specs=[
            pl.BlockSpec((8, APAD * 3), lambda g: (g, 0)),
            pl.BlockSpec((8, APAD), lambda g: (g, 0)),
        ],
        out_specs=pl.BlockSpec((8 * NCHUNK * GROWS, 128), lambda g: (g, 0)),
        out_shape=jax.ShapeDtypeStruct((B * NCHUNK * GROWS, 128), jnp.float32),
    )(cpad, wpad)


def kernel(coords, assigned_params, num_atoms):
    cpad = jnp.pad(coords, ((0, 0), (0, APAD * 3 - A * 3)))
    wpad = jnp.pad(assigned_params[:, :, 1], ((0, 0), (0, APAD - A)))
    cw = _stage(cpad, wpad)
    out = _splat_eps(cw, num_atoms)
    return out.reshape(B, BOX, BOX, BOX)

# --- scband reference (transcript-rebuilt; emitter-appended) ---
"""Pipeline reference for scband-coords2-eps-88871463289418 (READ-ONLY COPY).

The authoritative reference and input builder live on the scoring server;
editing this copy changes nothing except your own understanding.
"""

import jax, jax.numpy as jnp
import numpy as np

BOX = 80
RES = 1.0
EPS_IN = 6.5
EPS_OUT = 79.0
B = 16
A = 8000


def setup_inputs(seed: int = 0) -> dict:
    key = jax.random.key(seed)
    k1, k2, k3 = jax.random.split(key, 3)
    # coords are flat [B, A*3], values inside the box [1, BOX*RES-1)
    coords = jax.random.uniform(k1, (B, A * 3), dtype=jnp.float32) * (BOX * RES - 2.0) + 1.0
    assigned_params = jax.random.uniform(k2, (B, A, 2), dtype=jnp.float32)
    num_atoms = jax.random.randint(k3, (B,), 1, A + 1).astype(jnp.int32)
    return {"coords": coords, "assigned_params": assigned_params, "num_atoms": num_atoms}


def _coords2rho(coords, weights, num_atoms):
    # coords: [B, A*3] flat xyz; weights: [B, A]; num_atoms: [B]
    Bs = coords.shape[0]
    As = weights.shape[1]
    c = coords.reshape(Bs, As, 3)
    mask = (jnp.arange(As)[None, :] < num_atoms[:, None]).astype(coords.dtype)
    g = c / RES
    base_f = jnp.floor(g)
    frac = g - base_f
    base = base_f.astype(jnp.int32)
    boff = (jnp.arange(Bs, dtype=jnp.int32) * (BOX * BOX * BOX))[:, None]
    rho = jnp.zeros((Bs * BOX * BOX * BOX,), dtype=coords.dtype)
    for dx in (0, 1):
        for dy in (0, 1):
            for dz in (0, 1):
                ix = jnp.clip(base[..., 0] + dx, 0, BOX - 1)
                iy = jnp.clip(base[..., 1] + dy, 0, BOX - 1)
                iz = jnp.clip(base[..., 2] + dz, 0, BOX - 1)
                wx = frac[..., 0] if dx else (1.0 - frac[..., 0])
                wy = frac[..., 1] if dy else (1.0 - frac[..., 1])
                wz = frac[..., 2] if dz else (1.0 - frac[..., 2])
                ww = weights * mask * wx * wy * wz
                flat = boff + (ix * BOX + iy) * BOX + iz
                rho = rho.at[flat.reshape(-1)].add(ww.reshape(-1))
    return rho.reshape(Bs, BOX, BOX, BOX)


def reference(coords, assigned_params, num_atoms):
    # Coords2Eps.forward: rho_sum = splat(coords, assigned_params[:,:,1], num_atoms)
    # eps = exp(-rho_sum) * (eps_out - eps_in) + eps_in
    weights = assigned_params[:, :, 1]
    rho_sum = _coords2rho(coords, weights, num_atoms)
    eps = jnp.exp(-rho_sum) * (EPS_OUT - EPS_IN) + EPS_IN
    return eps

if __name__ == "__main__":
    import jax
    _d = setup_inputs()
    print(jax.jit(kernel)(*tuple(_d.values())))

</pallas_src>

<mosaic_0001>
#map = affine_map<(d0, d1) -> (0, 0)>
#map1 = affine_map<(d0, d1) -> (0)>
module attributes {stable_mosaic.version = 14 : i64} {
  func.func @_splat_eps(%arg0: i32, %arg1: i32, %arg2: memref<4096x128xf32, #tpu.memory_space<hbm>>, %arg3: memref<16xi32, #tpu.memory_space<hbm>>, %arg4: memref<8192000xf32, #tpu.memory_space<hbm>>, %arg5: memref<128000xf32, #tpu.memory_space<vmem>>, %arg6: memref<8x128xf32, #tpu.memory_space<vmem>>, %arg7: memref<8x128xf32, #tpu.memory_space<vmem>>, %arg8: memref<16xi32, #tpu.memory_space<vmem>>, %arg9: memref<!tpu.dma_semaphore, #tpu.memory_space<semaphore_mem>>, %arg10: memref<!tpu.dma_semaphore, #tpu.memory_space<semaphore_mem>>) attributes {dimension_semantics = [#tpu.dimension_semantics<core_parallel>, #tpu.dimension_semantics<subcore_parallel>], iteration_bounds = array<i64: 2, 16>, scalar_prefetch = 0 : i64, scratch_operands = 6 : i64, tpu.core_type = #tpu.core_type<sc_vector_subcore>, window_params = [{transform_indices = #map}, {transform_indices = #map1}, {transform_indices = #map1}]} {
    %mul3A = arith.constant 2 : i32
    %mul3A_0 = arith.muli %arg1, %mul3A : i32
    %add3A = arith.addi %mul3A_0, %arg0 : i32
    "tpu.region"() ({
      %run_scoped3A = tpu.sem_alloc : memref<!tpu.dma_semaphore, #tpu.memory_space<semaphore_mem>>
      tpu.enqueue_dma source(%arg3 : memref<16xi32, #tpu.memory_space<hbm>>) target(%arg8 : memref<16xi32, #tpu.memory_space<vmem>>) target_semaphore(%run_scoped3A : memref<!tpu.dma_semaphore, #tpu.memory_space<semaphore_mem>>)
      tpu.wait_dma2 semaphore(%run_scoped3A : memref<!tpu.dma_semaphore, #tpu.memory_space<semaphore_mem>>) src(%arg3 : memref<16xi32, #tpu.memory_space<hbm>>) dst(%arg8 : memref<16xi32, #tpu.memory_space<vmem>>)
      tpu.yield
    }) : () -> ()
    %iota3A = tpu.iota {dimensions = array<i32: 0>} : vector<16xi32>
    %broadcast_in_dim3A = arith.constant 0.000000e+00 : f32
    %broadcast_in_dim3A_1 = vector.broadcast %broadcast_in_dim3A : f32 to vector<16xf32>
    %broadcast_in_dim3A_2 = arith.constant 7.250000e+01 : f32
    %broadcast_in_dim3A_3 = vector.broadcast %broadcast_in_dim3A_2 : f32 to vector<16xf32>
    %broadcast_in_dim3A_4 = arith.constant 6.500000e+00 : f32
    %broadcast_in_dim3A_5 = vector.broadcast %broadcast_in_dim3A_4 : f32 to vector<16xf32>
    %broadcast_in_dim3A_6 = arith.constant 1.000000e+00 : f32
    %broadcast_in_dim3A_7 = vector.broadcast %broadcast_in_dim3A_6 : f32 to vector<16xf32>
    %jit3A = arith.constant 4 : i32
    %div3A = arith.divsi %add3A, %jit3A : i32
    %sign3A = arith.constant 0 : i32
    %sign3A_8 = arith.cmpi sgt, %add3A, %sign3A : i32
    %sign3A_9 = arith.extui %sign3A_8 : i1 to i32
    %sign3A_10 = arith.constant 0 : i32
    %sign3A_11 = arith.cmpi slt, %add3A, %sign3A_10 : i32
    %sign3A_12 = arith.extui %sign3A_11 : i1 to i32
    %sign3A_13 = arith.subi %sign3A_9, %sign3A_12 : i32
    %sign3A_14 = arith.constant 0 : i32
    %sign3A_15 = arith.cmpi sgt, %jit3A, %sign3A_14 : i32
    %sign3A_16 = arith.extui %sign3A_15 : i1 to i32
    %sign3A_17 = arith.constant 0 : i32
    %sign3A_18 = arith.cmpi slt, %jit3A, %sign3A_17 : i32
    %sign3A_19 = arith.extui %sign3A_18 : i1 to i32
    %sign3A_20 = arith.subi %sign3A_16, %sign3A_19 : i32
    %ne3A = arith.cmpi ne, %sign3A_13, %sign3A_20 : i32
    %rem3A = arith.remsi %add3A, %jit3A : i32
    %ne3A_21 = arith.constant 0 : i32
    %ne3A_22 = arith.cmpi ne, %rem3A, %ne3A_21 : i32
    %and3A = arith.andi %ne3A, %ne3A_22 : i1
    %sub3A = arith.constant 1 : i32
    %sub3A_23 = arith.subi %div3A, %sub3A : i32
    %select_n3A = arith.select %and3A, %sub3A_23, %div3A : i32
    %mul3A_24 = arith.constant 4 : i32
    %mul3A_25 = arith.muli %select_n3A, %mul3A_24 : i32
    %sub3A_26 = arith.subi %add3A, %mul3A_25 : i32
    %mul3A_27 = arith.constant 20 : i32
    %mul3A_28 = arith.muli %sub3A_26, %mul3A_27 : i32
    %broadcast_in_dim3A_29 = vector.broadcast %select_n3A : i32 to vector<16xi32>
    %gather3A = tpu.vector_load_idx %arg8[%broadcast_in_dim3A_29] : memref<16xi32, #tpu.memory_space<vmem>>[vector<16xi32>], vector<16xi32>,
    %scan3A = arith.constant 0 : i32
    %scan3A_30 = arith.constant 0 : i32
    %scan3A_31 = arith.constant 250 : i32
    %scan3A_32 = arith.addi %scan3A_30, %scan3A_31 : i32
    %scan3A_33 = arith.constant 1 : i32
    %scan3A_34 = scf.for %scan3A_129 = %scan3A_30 to %scan3A_32 step %scan3A_33 iter_args(%scan3A_130 = %scan3A) -> (i32)  : i32 {
      %mul3A_131 = arith.constant 512 : i32
      %mul3A_132 = arith.muli %scan3A_129, %mul3A_131 : i32
      %add3A_133 = arith.constant 0 : i32
      %add3A_134 = arith.addi %mul3A_132, %add3A_133 : i32
      %swap3A = arith.index_cast %add3A_134 : i32 to index
      %swap3A_135 = tpu.vector_load %arg5[%swap3A] {strides = array<i32>} : memref<128000xf32, #tpu.memory_space<vmem>>, vector<16xf32>,
      tpu.vector_store %arg5[%swap3A], %broadcast_in_dim3A_1 {strides = array<i32>} : memref<128000xf32, #tpu.memory_space<vmem>>, vector<16xf32>,
      %add3A_136 = arith.constant 16 : i32
      %add3A_137 = arith.addi %mul3A_132, %add3A_136 : i32
      %swap3A_138 = arith.index_cast %add3A_137 : i32 to index
      %swap3A_139 = tpu.vector_load %arg5[%swap3A_138] {strides = array<i32>} : memref<128000xf32, #tpu.memory_space<vmem>>, vector<16xf32>,
      tpu.vector_store %arg5[%swap3A_138], %broadcast_in_dim3A_1 {strides = array<i32>} : memref<128000xf32, #tpu.memory_space<vmem>>, vector<16xf32>,
      %add3A_140 = arith.constant 32 : i32
      %add3A_141 = arith.addi %mul3A_132, %add3A_140 : i32
      %swap3A_142 = arith.index_cast %add3A_141 : i32 to index
      %swap3A_143 = tpu.vector_load %arg5[%swap3A_142] {strides = array<i32>} : memref<128000xf32, #tpu.memory_space<vmem>>, vector<16xf32>,
      tpu.vector_store %arg5[%swap3A_142], %broadcast_in_dim3A_1 {strides = array<i32>} : memref<128000xf32, #tpu.memory_space<vmem>>, vector<16xf32>,
      %add3A_144 = arith.constant 48 : i32
      %add3A_145 = arith.addi %mul3A_132, %add3A_144 : i32
      %swap3A_146 = arith.index_cast %add3A_145 : i32 to index
      %swap3A_147 = tpu.vector_load %arg5[%swap3A_146] {strides = array<i32>} : memref<128000xf32, #tpu.memory_space<vmem>>, vector<16xf32>,
      tpu.vector_store %arg5[%swap3A_146], %broadcast_in_dim3A_1 {strides = array<i32>} : memref<128000xf32, #tpu.memory_space<vmem>>, vector<16xf32>,
      %add3A_148 = arith.constant 64 : i32
      %add3A_149 = arith.addi %mul3A_132, %add3A_148 : i32
      %swap3A_150 = arith.index_cast %add3A_149 : i32 to index
      %swap3A_151 = tpu.vector_load %arg5[%swap3A_150] {strides = array<i32>} : memref<128000xf32, #tpu.memory_space<vmem>>, vector<16xf32>,
      tpu.vector_store %arg5[%swap3A_150], %broadcast_in_dim3A_1 {strides = array<i32>} : memref<128000xf32, #tpu.memory_space<vmem>>, vector<16xf32>,
      %add3A_152 = arith.constant 80 : i32
      %add3A_153 = arith.addi %mul3A_132, %add3A_152 : i32
      %swap3A_154 = arith.index_cast %add3A_153 : i32 to index
      %swap3A_155 = tpu.vector_load %arg5[%swap3A_154] {strides = array<i32>} : memref<128000xf32, #tpu.memory_space<vmem>>, vector<16xf32>,
      tpu.vector_store %arg5[%swap3A_154], %broadcast_in_dim3A_1 {strides = array<i32>} : memref<128000xf32, #tpu.memory_space<vmem>>, vector<16xf32>,
      %add3A_156 = arith.constant 96 : i32
      %add3A_157 = arith.addi %mul3A_132, %add3A_156 : i32
      %swap3A_158 = arith.index_cast %add3A_157 : i32 to index
      %swap3A_159 = tpu.vector_load %arg5[%swap3A_158] {strides = array<i32>} : memref<128000xf32, #tpu.memory_space<vmem>>, vector<16xf32>,
      tpu.vector_store %arg5[%swap3A_158], %broadcast_in_dim3A_1 {strides = array<i32>} : memref<128000xf32, #tpu.memory_space<vmem>>, vector<16xf32>,
      %add3A_160 = arith.constant 112 : i32
      %add3A_161 = arith.addi %mul3A_132, %add3A_160 : i32
      %swap3A_162 = arith.index_cast %add3A_161 : i32 to index
      %swap3A_163 = tpu.vector_load %arg5[%swap3A_162] {strides = array<i32>} : memref<128000xf32, #tpu.memory_space<vmem>>, vector<16xf32>,
      tpu.vector_store %arg5[%swap3A_162], %broadcast_in_dim3A_1 {strides = array<i32>} : memref<128000xf32, #tpu.memory_space<vmem>>, vector<16xf32>,
      %add3A_164 = arith.constant 128 : i32
      %add3A_165 = arith.addi %mul3A_132, %add3A_164 : i32
      %swap3A_166 = arith.index_cast %add3A_165 : i32 to index
      %swap3A_167 = tpu.vector_load %arg5[%swap3A_166] {strides = array<i32>} : memref<128000xf32, #tpu.memory_space<vmem>>, vector<16xf32>,
      tpu.vector_store %arg5[%swap3A_166], %broadcast_in_dim3A_1 {strides = array<i32>} : memref<128000xf32, #tpu.memory_space<vmem>>, vector<16xf32>,
      %add3A_168 = arith.constant 144 : i32
      %add3A_169 = arith.addi %mul3A_132, %add3A_168 : i32
      %swap3A_170 = arith.index_cast %add3A_169 : i32 to index
      %swap3A_171 = tpu.vector_load %arg5[%swap3A_170] {strides = array<i32>} : memref<128000xf32, #tpu.memory_space<vmem>>, vector<16xf32>,
      tpu.vector_store %arg5[%swap3A_170], %broadcast_in_dim3A_1 {strides = array<i32>} : memref<128000xf32, #tpu.memory_space<vmem>>, vector<16xf32>,
      %add3A_172 = arith.constant 160 : i32
      %add3A_173 = arith.addi %mul3A_132, %add3A_172 : i32
      %swap3A_174 = arith.index_cast %add3A_173 : i32 to index
      %swap3A_175 = tpu.vector_load %arg5[%swap3A_174] {strides = array<i32>} : memref<128000xf32, #tpu.memory_space<vmem>>, vector<16xf32>,
      tpu.vector_store %arg5[%swap3A_174], %broadcast_in_dim3A_1 {strides = array<i32>} : memref<128000xf32, #tpu.memory_space<vmem>>, vector<16xf32>,
      %add3A_176 = arith.constant 176 : i32
      %add3A_177 = arith.addi %mul3A_132, %add3A_176 : i32
      %swap3A_178 = arith.index_cast %add3A_177 : i32 to index
      %swap3A_179 = tpu.vector_load %arg5[%swap3A_178] {strides = array<i32>} : memref<128000xf32, #tpu.memory_space<vmem>>, vector<16xf32>,
      tpu.vector_store %arg5[%swap3A_178], %broadcast_in_dim3A_1 {strides = array<i32>} : memref<128000xf32, #tpu.memory_space<vmem>>, vector<16xf32>,
      %add3A_180 = arith.constant 192 : i32
      %add3A_181 = arith.addi %mul3A_132, %add3A_180 : i32
      %swap3A_182 = arith.index_cast %add3A_181 : i32 to index
      %swap3A_183 = tpu.vector_load %arg5[%swap3A_182] {strides = array<i32>} : memref<128000xf32, #tpu.memory_space<vmem>>, vector<16xf32>,
      tpu.vector_store %arg5[%swap3A_182], %broadcast_in_dim3A_1 {strides = array<i32>} : memref<128000xf32, #tpu.memory_space<vmem>>, vector<16xf32>,
      %add3A_184 = arith.constant 208 : i32
      %add3A_185 = arith.addi %mul3A_132, %add3A_184 : i32
      %swap3A_186 = arith.index_cast %add3A_185 : i32 to index
      %swap3A_187 = tpu.vector_load %arg5[%swap3A_186] {strides = array<i32>} : memref<128000xf32, #tpu.memory_space<vmem>>, vector<16xf32>,
      tpu.vector_store %arg5[%swap3A_186], %broadcast_in_dim3A_1 {strides = array<i32>} : memref<128000xf32, #tpu.memory_space<vmem>>, vector<16xf32>,
      %add3A_188 = arith.constant 224 : i32
      %add3A_189 = arith.addi %mul3A_132, %add3A_188 : i32
      %swap3A_190 = arith.index_cast %add3A_189 : i32 to index
      %swap3A_191 = tpu.vector_load %arg5[%swap3A_190] {strides = array<i32>} : memref<128000xf32, #tpu.memory_space<vmem>>, vector<16xf32>,
      tpu.vector_store %arg5[%swap3A_190], %broadcast_in_dim3A_1 {strides = array<i32>} : memref<128000xf32, #tpu.memory_space<vmem>>, vector<16xf32>,
      %add3A_192 = arith.constant 240 : i32
      %add3A_193 = arith.addi %mul3A_132, %add3A_192 : i32
      %swap3A_194 = arith.index_cast %add3A_193 : i32 to index
      %swap3A_195 = tpu.vector_load %arg5[%swap3A_194] {strides = array<i32>} : memref<128000xf32, #tpu.memory_space<vmem>>, vector<16xf32>,
      tpu.vector_store %arg5[%swap3A_194], %broadcast_in_dim3A_1 {strides = array<i32>} : memref<128000xf32, #tpu.memory_space<vmem>>, vector<16xf32>,
      %add3A_196 = arith.constant 256 : i32
      %add3A_197 = arith.addi %mul3A_132, %add3A_196 : i32
      %swap3A_198 = arith.index_cast %add3A_197 : i32 to index
      %swap3A_199 = tpu.vector_load %arg5[%swap3A_198] {strides = array<i32>} : memref<128000xf32, #tpu.memory_space<vmem>>, vector<16xf32>,
      tpu.vector_store %arg5[%swap3A_198], %broadcast_in_dim3A_1 {strides = array<i32>} : memref<128000xf32, #tpu.memory_space<vmem>>, vector<16xf32>,
      %add3A_200 = arith.constant 272 : i32
      %add3A_201 = arith.addi %mul3A_132, %add3A_200 : i32
      %swap3A_202 = arith.index_cast %add3A_201 : i32 to index
      %swap3A_203 = tpu.vector_load %arg5[%swap3A_202] {strides = array<i32>} : memref<128000xf32, #tpu.memory_space<vmem>>, vector<16xf32>,
      tpu.vector_store %arg5[%swap3A_202], %broadcast_in_dim3A_1 {strides = array<i32>} : memref<128000xf32, #tpu.memory_space<vmem>>, vector<16xf32>,
      %add3A_204 = arith.constant 288 : i32
      %add3A_205 = arith.addi %mul3A_132, %add3A_204 : i32
      %swap3A_206 = arith.index_cast %add3A_205 : i32 to index
      %swap3A_207 = tpu.vector_load %arg5[%swap3A_206] {strides = array<i32>} : memref<128000xf32, #tpu.memory_space<vmem>>, vector<16xf32>,
      tpu.vector_store %arg5[%swap3A_206], %broadcast_in_dim3A_1 {strides = array<i32>} : memref<128000xf32, #tpu.memory_space<vmem>>, vector<16xf32>,
      %add3A_208 = arith.constant 304 : i32
      %add3A_209 = arith.addi %mul3A_132, %add3A_208 : i32
      %swap3A_210 = arith.index_cast %add3A_209 : i32 to index
      %swap3A_211 = tpu.vector_load %arg5[%swap3A_210] {strides = array<i32>} : memref<128000xf32, #tpu.memory_space<vmem>>, vector<16xf32>,
      tpu.vector_store %arg5[%swap3A_210], %broadcast_in_dim3A_1 {strides = array<i32>} : memref<128000xf32, #tpu.memory_space<vmem>>, vector<16xf32>,
      %add3A_212 = arith.constant 320 : i32
      %add3A_213 = arith.addi %mul3A_132, %add3A_212 : i32
      %swap3A_214 = arith.index_cast %add3A_213 : i32 to index
      %swap3A_215 = tpu.vector_load %arg5[%swap3A_214] {strides = array<i32>} : memref<128000xf32, #tpu.memory_space<vmem>>, vector<16xf32>,
      tpu.vector_store %arg5[%swap3A_214], %broadcast_in_dim3A_1 {strides = array<i32>} : memref<128000xf32, #tpu.memory_space<vmem>>, vector<16xf32>,
      %add3A_216 = arith.constant 336 : i32
      %add3A_217 = arith.addi %mul3A_132, %add3A_216 : i32
      %swap3A_218 = arith.index_cast %add3A_217 : i32 to index
      %swap3A_219 = tpu.vector_load %arg5[%swap3A_218] {strides = array<i32>} : memref<128000xf32, #tpu.memory_space<vmem>>, vector<16xf32>,
      tpu.vector_store %arg5[%swap3A_218], %broadcast_in_dim3A_1 {strides = array<i32>} : memref<128000xf32, #tpu.memory_space<vmem>>, vector<16xf32>,
      %add3A_220 = arith.constant 352 : i32
      %add3A_221 = arith.addi %mul3A_132, %add3A_220 : i32
      %swap3A_222 = arith.index_cast %add3A_221 : i32 to index
      %swap3A_223 = tpu.vector_load %arg5[%swap3A_222] {strides = array<i32>} : memref<128000xf32, #tpu.memory_space<vmem>>, vector<16xf32>,
      tpu.vector_store %arg5[%swap3A_222], %broadcast_in_dim3A_1 {strides = array<i32>} : memref<128000xf32, #tpu.memory_space<vmem>>, vector<16xf32>,
      %add3A_224 = arith.constant 368 : i32
      %add3A_225 = arith.addi %mul3A_132, %add3A_224 : i32
      %swap3A_226 = arith.index_cast %add3A_225 : i32 to index
      %swap3A_227 = tpu.vector_load %arg5[%swap3A_226] {strides = array<i32>} : memref<128000xf32, #tpu.memory_space<vmem>>, vector<16xf32>,
      tpu.vector_store %arg5[%swap3A_226], %broadcast_in_dim3A_1 {strides = array<i32>} : memref<128000xf32, #tpu.memory_space<vmem>>, vector<16xf32>,
      %add3A_228 = arith.constant 384 : i32
      %add3A_229 = arith.addi %mul3A_132, %add3A_228 : i32
      %swap3A_230 = arith.index_cast %add3A_229 : i32 to index
      %swap3A_231 = tpu.vector_load %arg5[%swap3A_230] {strides = array<i32>} : memref<128000xf32, #tpu.memory_space<vmem>>, vector<16xf32>,
      tpu.vector_store %arg5[%swap3A_230], %broadcast_in_dim3A_1 {strides = array<i32>} : memref<128000xf32, #tpu.memory_space<vmem>>, vector<16xf32>,
      %add3A_232 = arith.constant 400 : i32
      %add3A_233 = arith.addi %mul3A_132, %add3A_232 : i32
      %swap3A_234 = arith.index_cast %add3A_233 : i32 to index
      %swap3A_235 = tpu.vector_load %arg5[%swap3A_234] {strides = array<i32>} : memref<128000xf32, #tpu.memory_space<vmem>>, vector<16xf32>,
      tpu.vector_store %arg5[%swap3A_234], %broadcast_in_dim3A_1 {strides = array<i32>} : memref<128000xf32, #tpu.memory_space<vmem>>, vector<16xf32>,
      %add3A_236 = arith.constant 416 : i32
      %add3A_237 = arith.addi %mul3A_132, %add3A_236 : i32
      %swap3A_238 = arith.index_cast %add3A_237 : i32 to index
      %swap3A_239 = tpu.vector_load %arg5[%swap3A_238] {strides = array<i32>} : memref<128000xf32, #tpu.memory_space<vmem>>, vector<16xf32>,
      tpu.vector_store %arg5[%swap3A_238], %broadcast_in_dim3A_1 {strides = array<i32>} : memref<128000xf32, #tpu.memory_space<vmem>>, vector<16xf32>,
      %add3A_240 = arith.constant 432 : i32
      %add3A_241 = arith.addi %mul3A_132, %add3A_240 : i32
      %swap3A_242 = arith.index_cast %add3A_241 : i32 to index
      %swap3A_243 = tpu.vector_load %arg5[%swap3A_242] {strides = array<i32>} : memref<128000xf32, #tpu.memory_space<vmem>>, vector<16xf32>,
      tpu.vector_store %arg5[%swap3A_242], %broadcast_in_dim3A_1 {strides = array<i32>} : memref<128000xf32, #tpu.memory_space<vmem>>, vector<16xf32>,
      %add3A_244 = arith.constant 448 : i32
      %add3A_245 = arith.addi %mul3A_132, %add3A_244 : i32
      %swap3A_246 = arith.index_cast %add3A_245 : i32 to index
      %swap3A_247 = tpu.vector_load %arg5[%swap3A_246] {strides = array<i32>} : memref<128000xf32, #tpu.memory_space<vmem>>, vector<16xf32>,
      tpu.vector_store %arg5[%swap3A_246], %broadcast_in_dim3A_1 {strides = array<i32>} : memref<128000xf32, #tpu.memory_space<vmem>>, vector<16xf32>,
      %add3A_248 = arith.constant 464 : i32
      %add3A_249 = arith.addi %mul3A_132, %add3A_248 : i32
      %swap3A_250 = arith.index_cast %add3A_249 : i32 to index
      %swap3A_251 = tpu.vector_load %arg5[%swap3A_250] {strides = array<i32>} : memref<128000xf32, #tpu.memory_space<vmem>>, vector<16xf32>,
      tpu.vector_store %arg5[%swap3A_250], %broadcast_in_dim3A_1 {strides = array<i32>} : memref<128000xf32, #tpu.memory_space<vmem>>, vector<16xf32>,
      %add3A_252 = arith.constant 480 : i32
      %add3A_253 = arith.addi %mul3A_132, %add3A_252 : i32
      %swap3A_254 = arith.index_cast %add3A_253 : i32 to index
      %swap3A_255 = tpu.vector_load %arg5[%swap3A_254] {strides = array<i32>} : memref<128000xf32, #tpu.memory_space<vmem>>, vector<16xf32>,
      tpu.vector_store %arg5[%swap3A_254], %broadcast_in_dim3A_1 {strides = array<i32>} : memref<128000xf32, #tpu.memory_space<vmem>>, vector<16xf32>,
      %add3A_256 = arith.constant 496 : i32
      %add3A_257 = arith.addi %mul3A_132, %add3A_256 : i32
      %swap3A_258 = arith.index_cast %add3A_257 : i32 to index
      %swap3A_259 = tpu.vector_load %arg5[%swap3A_258] {strides = array<i32>} : memref<128000xf32, #tpu.memory_space<vmem>>, vector<16xf32>,
      tpu.vector_store %arg5[%swap3A_258], %broadcast_in_dim3A_1 {strides = array<i32>} : memref<128000xf32, #tpu.memory_space<vmem>>, vector<16xf32>,
      %scan3A_260 = arith.constant 0 : i32
      scf.yield %scan3A_260 : i32
    }
    %scan3A_35 = arith.constant 250 : i32
    %mul3A_36 = arith.constant 256 : i32
    %mul3A_37 = arith.muli %select_n3A, %mul3A_36 : i32
    %add3A_38 = arith.constant 0 : i32
    %add3A_39 = arith.addi %mul3A_37, %add3A_38 : i32
    %dma_start3A = arith.constant 0 : i32
    %dma_start3A_40 = tpu.memref_slice %arg2[%add3A_39, %dma_start3A] : memref<4096x128xf32, #tpu.memory_space<hbm>> -> memref<8x128xf32, #tpu.memory_space<hbm>>
    %dma_start3A_41 = arith.constant 0 : i32
    %dma_start3A_42 = tpu.memref_slice %arg2[%add3A_39, %dma_start3A_41] : memref<4096x128xf32, #tpu.memory_space<hbm>> -> memref<8x128xf32, #tpu.memory_space<hbm>>
    tpu.enqueue_dma source(%dma_start3A_42 : memref<8x128xf32, #tpu.memory_space<hbm>>) target(%arg6 : memref<8x128xf32, #tpu.memory_space<vmem>>) target_semaphore(%arg9 : memref<!tpu.dma_semaphore, #tpu.memory_space<semaphore_mem>>)
    %scan3A_43 = arith.constant 0 : i32
    %scan3A_44 = arith.constant 0 : i32
    %scan3A_45 = arith.constant 16 : i32
    %scan3A_46 = arith.addi %scan3A_44, %scan3A_45 : i32
    %scan3A_47 = arith.constant 1 : i32
    %scan3A_48 = scf.for %scan3A_129 = %scan3A_44 to %scan3A_46 step %scan3A_47 iter_args(%scan3A_130 = %scan3A_43) -> (i32)  : i32 {
      %mul3A_131 = arith.constant 2 : i32
      %mul3A_132 = arith.muli %mul3A_131, %scan3A_129 : i32
      %add3A_133 = arith.constant 1 : i32
      %add3A_134 = arith.addi %mul3A_132, %add3A_133 : i32
      %mul3A_135 = arith.constant 256 : i32
      %mul3A_136 = arith.muli %select_n3A, %mul3A_135 : i32
      %mul3A_137 = arith.constant 8 : i32
      %mul3A_138 = arith.muli %add3A_134, %mul3A_137 : i32
      %add3A_139 = arith.addi %mul3A_136, %mul3A_138 : i32
      %dma_start3A_140 = arith.constant 0 : i32
      %dma_start3A_141 = tpu.memref_slice %arg2[%add3A_139, %dma_start3A_140] : memref<4096x128xf32, #tpu.memory_space<hbm>> -> memref<8x128xf32, #tpu.memory_space<hbm>>
      %dma_start3A_142 = arith.constant 0 : i32
      %dma_start3A_143 = tpu.memref_slice %arg2[%add3A_139, %dma_start3A_142] : memref<4096x128xf32, #tpu.memory_space<hbm>> -> memref<8x128xf32, #tpu.memory_space<hbm>>
      tpu.enqueue_dma source(%dma_start3A_143 : memref<8x128xf32, #tpu.memory_space<hbm>>) target(%arg7 : memref<8x128xf32, #tpu.memory_space<vmem>>) target_semaphore(%arg10 : memref<!tpu.dma_semaphore, #tpu.memory_space<semaphore_mem>>)
      %mul3A_144 = arith.constant 256 : i32
      %mul3A_145 = arith.muli %select_n3A, %mul3A_144 : i32
      %mul3A_146 = arith.constant 8 : i32
      %mul3A_147 = arith.muli %mul3A_132, %mul3A_146 : i32
      %add3A_148 = arith.addi %mul3A_145, %mul3A_147 : i32
      %dma_wait3A = arith.constant 0 : i32
      %dma_wait3A_149 = tpu.memref_slice %arg2[%add3A_148, %dma_wait3A] : memref<4096x128xf32, #tpu.memory_space<hbm>> -> memref<8x128xf32, #tpu.memory_space<hbm>>
      %dma_wait3A_150 = arith.constant 0 : i32
      %dma_wait3A_151 = tpu.memref_slice %arg2[%add3A_148, %dma_wait3A_150] : memref<4096x128xf32, #tpu.memory_space<hbm>> -> memref<8x128xf32, #tpu.memory_space<hbm>>
      tpu.wait_dma2 semaphore(%arg9 : memref<!tpu.dma_semaphore, #tpu.memory_space<semaphore_mem>>) src(%dma_wait3A_151 : memref<8x128xf32, #tpu.memory_space<hbm>>) dst(%arg6 : memref<8x128xf32, #tpu.memory_space<vmem>>)
      %scan3A_152 = arith.constant 0 : i32
      %scan3A_153 = arith.constant 0 : i32
      %scan3A_154 = arith.constant 16 : i32
      %scan3A_155 = arith.addi %scan3A_153, %scan3A_154 : i32
      %scan3A_156 = arith.constant 1 : i32
      %scan3A_157 = scf.for %scan3A_178 = %scan3A_153 to %scan3A_155 step %scan3A_156 iter_args(%scan3A_179 = %scan3A_152) -> (i32)  : i32 {
        %mul3A_180 = arith.constant 16 : i32
        %mul3A_181 = arith.muli %scan3A_178, %mul3A_180 : i32
        %add3A_182 = vector.broadcast %mul3A_181 : i32 to vector<16xi32>
        %add3A_183 = arith.addi %iota3A, %add3A_182 : vector<16xi32>
        %mul3A_184 = arith.constant 256 : i32
        %mul3A_185 = arith.muli %mul3A_132, %mul3A_184 : i32
        %add3A_186 = vector.broadcast %mul3A_185 : i32 to vector<16xi32>
        %add3A_187 = arith.addi %add3A_183, %add3A_186 : vector<16xi32>
        %mul3A_188 = arith.constant 3 : i32
        %mul3A_189 = vector.broadcast %mul3A_188 : i32 to vector<16xi32>
        %mul3A_190 = arith.muli %add3A_183, %mul3A_189 : vector<16xi32>
        %shift_right_arithmetic3A = arith.constant 7 : i32
        %shift_right_arithmetic3A_191 = vector.broadcast %shift_right_arithmetic3A : i32 to vector<16xi32>
        %shift_right_arithmetic3A_192 = arith.shrsi %mul3A_190, %shift_right_arithmetic3A_191 : vector<16xi32>
        %and3A_193 = arith.constant 127 : i32
        %and3A_194 = vector.broadcast %and3A_193 : i32 to vector<16xi32>
        %and3A_195 = arith.andi %mul3A_190, %and3A_194 : vector<16xi32>
        %gather3A_196 = tpu.vector_load_idx %arg6[%shift_right_arithmetic3A_192, %and3A_195] : memref<8x128xf32, #tpu.memory_space<vmem>>[vector<16xi32>, vector<16xi32>], vector<16xf32>,
        %add3A_197 = arith.constant 1 : i32
        %add3A_198 = vector.broadcast %add3A_197 : i32 to vector<16xi32>
        %add3A_199 = arith.addi %mul3A_190, %add3A_198 : vector<16xi32>
        %shift_right_arithmetic3A_200 = arith.constant 7 : i32
        %shift_right_arithmetic3A_201 = vector.broadcast %shift_right_arithmetic3A_200 : i32 to vector<16xi32>
        %shift_right_arithmetic3A_202 = arith.shrsi %add3A_199, %shift_right_arithmetic3A_201 : vector<16xi32>
        %and3A_203 = arith.constant 127 : i32
        %and3A_204 = vector.broadcast %and3A_203 : i32 to vector<16xi32>
        %and3A_205 = arith.andi %add3A_199, %and3A_204 : vector<16xi32>
        %gather3A_206 = tpu.vector_load_idx %arg6[%shift_right_arithmetic3A_202, %and3A_205] : memref<8x128xf32, #tpu.memory_space<vmem>>[vector<16xi32>, vector<16xi32>], vector<16xf32>,
        %add3A_207 = arith.constant 2 : i32
        %add3A_208 = vector.broadcast %add3A_207 : i32 to vector<16xi32>
        %add3A_209 = arith.addi %mul3A_190, %add3A_208 : vector<16xi32>
        %shift_right_arithmetic3A_210 = arith.constant 7 : i32
        %shift_right_arithmetic3A_211 = vector.broadcast %shift_right_arithmetic3A_210 : i32 to vector<16xi32>
        %shift_right_arithmetic3A_212 = arith.shrsi %add3A_209, %shift_right_arithmetic3A_211 : vector<16xi32>
        %and3A_213 = arith.constant 127 : i32
        %and3A_214 = vector.broadcast %and3A_213 : i32 to vector<16xi32>
        %and3A_215 = arith.andi %add3A_209, %and3A_214 : vector<16xi32>
        %gather3A_216 = tpu.vector_load_idx %arg6[%shift_right_arithmetic3A_212, %and3A_215] : memref<8x128xf32, #tpu.memory_space<vmem>>[vector<16xi32>, vector<16xi32>], vector<16xf32>,
        %shift_right_arithmetic3A_217 = arith.constant 7 : i32
        %shift_right_arithmetic3A_218 = vector.broadcast %shift_right_arithmetic3A_217 : i32 to vector<16xi32>
        %shift_right_arithmetic3A_219 = arith.shrsi %add3A_183, %shift_right_arithmetic3A_218 : vector<16xi32>
        %add3A_220 = arith.constant 6 : i32
        %add3A_221 = vector.broadcast %add3A_220 : i32 to vector<16xi32>
        %add3A_222 = arith.addi %shift_right_arithmetic3A_219, %add3A_221 : vector<16xi32>
        %and3A_223 = arith.constant 127 : i32
        %and3A_224 = vector.broadcast %and3A_223 : i32 to vector<16xi32>
        %and3A_225 = arith.andi %add3A_183, %and3A_224 : vector<16xi32>
        %gather3A_226 = tpu.vector_load_idx %arg6[%add3A_222, %and3A_225] : memref<8x128xf32, #tpu.memory_space<vmem>>[vector<16xi32>, vector<16xi32>], vector<16xf32>,
        %convert_element_type3A_227 = arith.fptosi %gather3A_196 : vector<16xf32> to vector<16xi32>
        %convert_element_type3A_228 = arith.fptosi %gather3A_206 : vector<16xf32> to vector<16xi32>
        %convert_element_type3A_229 = arith.fptosi %gather3A_216 : vector<16xf32> to vector<16xi32>
        %convert_element_type3A_230 = arith.sitofp %convert_element_type3A_227 : vector<16xi32> to vector<16xf32>
        %sub3A_231 = arith.subf %gather3A_196, %convert_element_type3A_230 : vector<16xf32>
        %convert_element_type3A_232 = arith.sitofp %convert_element_type3A_228 : vector<16xi32> to vector<16xf32>
        %sub3A_233 = arith.subf %gather3A_206, %convert_element_type3A_232 : vector<16xf32>
        %convert_element_type3A_234 = arith.sitofp %convert_element_type3A_229 : vector<16xi32> to vector<16xf32>
        %sub3A_235 = arith.subf %gather3A_216, %convert_element_type3A_234 : vector<16xf32>
        %lt3A_236 = arith.cmpi slt, %add3A_187, %gather3A : vector<16xi32>
        %ge3A = vector.broadcast %mul3A_28 : i32 to vector<16xi32>
        %ge3A_237 = arith.cmpi sge, %convert_element_type3A_227, %ge3A : vector<16xi32>
        %and3A_238 = arith.andi %lt3A_236, %ge3A_237 : vector<16xi1>
        %add3A_239 = arith.constant 20 : i32
        %add3A_240 = arith.addi %mul3A_28, %add3A_239 : i32
        %lt3A_241 = vector.broadcast %add3A_240 : i32 to vector<16xi32>
        %lt3A_242 = arith.cmpi slt, %convert_element_type3A_227, %lt3A_241 : vector<16xi32>
        %and3A_243 = arith.andi %and3A_238, %lt3A_242 : vector<16xi1>
        %add3A_244 = arith.constant 1 : i32
        %add3A_245 = vector.broadcast %add3A_244 : i32 to vector<16xi32>
        %add3A_246 = arith.addi %convert_element_type3A_227, %add3A_245 : vector<16xi32>
        %ge3A_247 = vector.broadcast %mul3A_28 : i32 to vector<16xi32>
        %ge3A_248 = arith.cmpi sge, %add3A_246, %ge3A_247 : vector<16xi32>
        %and3A_249 = arith.andi %lt3A_236, %ge3A_248 : vector<16xi1>
        %add3A_250 = arith.constant 20 : i32
        %add3A_251 = arith.addi %mul3A_28, %add3A_250 : i32
        %lt3A_252 = vector.broadcast %add3A_251 : i32 to vector<16xi32>
        %lt3A_253 = arith.cmpi slt, %add3A_246, %lt3A_252 : vector<16xi32>
        %and3A_254 = arith.andi %and3A_249, %lt3A_253 : vector<16xi1>
        %sub3A_255 = vector.broadcast %mul3A_28 : i32 to vector<16xi32>
        %sub3A_256 = arith.subi %convert_element_type3A_227, %sub3A_255 : vector<16xi32>
        %jit3A_257 = arith.constant 0 : i32
        %jit3A_258 = arith.constant 19 : i32
        %max3A = vector.broadcast %jit3A_257 : i32 to vector<16xi32>
        %max3A_259 = arith.maxsi %max3A, %sub3A_256 : vector<16xi32>
        %min3A = vector.broadcast %jit3A_258 : i32 to vector<16xi32>
        %min3A_260 = arith.minsi %min3A, %max3A_259 : vector<16xi32>
        %mul3A_261 = arith.constant 6400 : i32
        %mul3A_262 = vector.broadcast %mul3A_261 : i32 to vector<16xi32>
        %mul3A_263 = arith.muli %min3A_260, %mul3A_262 : vector<16xi32>
        %sub3A_264 = vector.broadcast %mul3A_28 : i32 to vector<16xi32>
        %sub3A_265 = arith.subi %add3A_246, %sub3A_264 : vector<16xi32>
        %jit3A_266 = arith.constant 0 : i32
        %jit3A_267 = arith.constant 19 : i32
        %max3A_268 = vector.broadcast %jit3A_266 : i32 to vector<16xi32>
        %max3A_269 = arith.maxsi %max3A_268, %sub3A_265 : vector<16xi32>
        %min3A_270 = vector.broadcast %jit3A_267 : i32 to vector<16xi32>
        %min3A_271 = arith.minsi %min3A_270, %max3A_269 : vector<16xi32>
        %mul3A_272 = arith.constant 6400 : i32
        %mul3A_273 = vector.broadcast %mul3A_272 : i32 to vector<16xi32>
        %mul3A_274 = arith.muli %min3A_271, %mul3A_273 : vector<16xi32>
        %mul3A_275 = arith.constant 80 : i32
        %mul3A_276 = vector.broadcast %mul3A_275 : i32 to vector<16xi32>
        %mul3A_277 = arith.muli %convert_element_type3A_228, %mul3A_276 : vector<16xi32>
        %add3A_278 = arith.constant 80 : i32
        %add3A_279 = vector.broadcast %add3A_278 : i32 to vector<16xi32>
        %add3A_280 = arith.addi %mul3A_277, %add3A_279 : vector<16xi32>
        %sub3A_281 = arith.subf %broadcast_in_dim3A_7, %sub3A_231 : vector<16xf32>
        %mul3A_282 = arith.mulf %gather3A_226, %sub3A_281 : vector<16xf32>
        %mul3A_283 = arith.mulf %gather3A_226, %sub3A_231 : vector<16xf32>
        %sub3A_284 = arith.subf %broadcast_in_dim3A_7, %sub3A_233 : vector<16xf32>
        %sub3A_285 = arith.subf %broadcast_in_dim3A_7, %sub3A_235 : vector<16xf32>
        %mul3A_286 = arith.mulf %mul3A_282, %sub3A_284 : vector<16xf32>
        %mul3A_287 = arith.mulf %mul3A_282, %sub3A_233 : vector<16xf32>
        %mul3A_288 = arith.mulf %mul3A_283, %sub3A_284 : vector<16xf32>
        %mul3A_289 = arith.mulf %mul3A_283, %sub3A_233 : vector<16xf32>
        %add3A_290 = arith.addi %mul3A_263, %mul3A_277 : vector<16xi32>
        %add3A_291 = arith.addi %add3A_290, %convert_element_type3A_229 : vector<16xi32>
        %add3A_292 = arith.addi %mul3A_263, %add3A_280 : vector<16xi32>
        %add3A_293 = arith.addi %add3A_292, %convert_element_type3A_229 : vector<16xi32>
        %add3A_294 = arith.addi %mul3A_274, %mul3A_277 : vector<16xi32>
        %add3A_295 = arith.addi %add3A_294, %convert_element_type3A_229 : vector<16xi32>
        %add3A_296 = arith.addi %mul3A_274, %add3A_280 : vector<16xi32>
        %add3A_297 = arith.addi %add3A_296, %convert_element_type3A_229 : vector<16xi32>
        %mul3A_298 = arith.mulf %mul3A_286, %sub3A_285 : vector<16xf32>
        tpu.vector_store_idx %arg5[%add3A_291], %mul3A_298 masked %and3A_243 {add = true} : memref<128000xf32, #tpu.memory_space<vmem>>[vector<16xi32>], vector<16xf32>, vector<16xi1>
        %add3A_299 = arith.constant 1 : i32
        %add3A_300 = vector.broadcast %add3A_299 : i32 to vector<16xi32>
        %add3A_301 = arith.addi %add3A_291, %add3A_300 : vector<16xi32>
        %mul3A_302 = arith.mulf %mul3A_286, %sub3A_235 : vector<16xf32>
        tpu.vector_store_idx %arg5[%add3A_301], %mul3A_302 masked %and3A_243 {add = true} : memref<128000xf32, #tpu.memory_space<vmem>>[vector<16xi32>], vector<16xf32>, vector<16xi1>
        %mul3A_303 = arith.mulf %mul3A_287, %sub3A_285 : vector<16xf32>
        tpu.vector_store_idx %arg5[%add3A_293], %mul3A_303 masked %and3A_243 {add = true} : memref<128000xf32, #tpu.memory_space<vmem>>[vector<16xi32>], vector<16xf32>, vector<16xi1>
        %add3A_304 = arith.constant 1 : i32
        %add3A_305 = vector.broadcast %add3A_304 : i32 to vector<16xi32>
        %add3A_306 = arith.addi %add3A_293, %add3A_305 : vector<16xi32>
        %mul3A_307 = arith.mulf %mul3A_287, %sub3A_235 : vector<16xf32>
        tpu.vector_store_idx %arg5[%add3A_306], %mul3A_307 masked %and3A_243 {add = true} : memref<128000xf32, #tpu.memory_space<vmem>>[vector<16xi32>], vector<16xf32>, vector<16xi1>
        %mul3A_308 = arith.mulf %mul3A_288, %sub3A_285 : vector<16xf32>
        tpu.vector_store_idx %arg5[%add3A_295], %mul3A_308 masked %and3A_254 {add = true} : memref<128000xf32, #tpu.memory_space<vmem>>[vector<16xi32>], vector<16xf32>, vector<16xi1>
        %add3A_309 = arith.constant 1 : i32
        %add3A_310 = vector.broadcast %add3A_309 : i32 to vector<16xi32>
        %add3A_311 = arith.addi %add3A_295, %add3A_310 : vector<16xi32>
        %mul3A_312 = arith.mulf %mul3A_288, %sub3A_235 : vector<16xf32>
        tpu.vector_store_idx %arg5[%add3A_311], %mul3A_312 masked %and3A_254 {add = true} : memref<128000xf32, #tpu.memory_space<vmem>>[vector<16xi32>], vector<16xf32>, vector<16xi1>
        %mul3A_313 = arith.mulf %mul3A_289, %sub3A_285 : vector<16xf32>
        tpu.vector_store_idx %arg5[%add3A_297], %mul3A_313 masked %and3A_254 {add = true} : memref<128000xf32, #tpu.memory_space<vmem>>[vector<16xi32>], vector<16xf32>, vector<16xi1>
        %add3A_314 = arith.constant 1 : i32
        %add3A_315 = vector.broadcast %add3A_314 : i32 to vector<16xi32>
        %add3A_316 = arith.addi %add3A_297, %add3A_315 : vector<16xi32>
        %mul3A_317 = arith.mulf %mul3A_289, %sub3A_235 : vector<16xf32>
        tpu.vector_store_idx %arg5[%add3A_316], %mul3A_317 masked %and3A_254 {add = true} : memref<128000xf32, #tpu.memory_space<vmem>>[vector<16xi32>], vector<16xf32>, vector<16xi1>
        %scan3A_318 = arith.constant 0 : i32
        scf.yield %scan3A_318 : i32
      }
      %scan3A_158 = arith.constant 16 : i32
      %lt3A = arith.constant 15 : i32
      %lt3A_159 = arith.cmpi slt, %scan3A_129, %lt3A : i32
      %convert_element_type3A = arith.extui %lt3A_159 : i1 to i32
      %cond3A = arith.constant 0 : i32
      %cond3A_160 = arith.cmpi ne, %convert_element_type3A, %cond3A : i32
      scf.if %cond3A_160 {
        %add3A_178 = arith.constant 2 : i32
        %add3A_179 = arith.addi %mul3A_132, %add3A_178 : i32
        %mul3A_180 = arith.constant 256 : i32
        %mul3A_181 = arith.muli %select_n3A, %mul3A_180 : i32
        %mul3A_182 = arith.constant 8 : i32
        %mul3A_183 = arith.muli %add3A_179, %mul3A_182 : i32
        %add3A_184 = arith.addi %mul3A_181, %mul3A_183 : i32
        %dma_start3A_185 = arith.constant 0 : i32
        %dma_start3A_186 = tpu.memref_slice %arg2[%add3A_184, %dma_start3A_185] : memref<4096x128xf32, #tpu.memory_space<hbm>> -> memref<8x128xf32, #tpu.memory_space<hbm>>
        %dma_start3A_187 = arith.constant 0 : i32
        %dma_start3A_188 = tpu.memref_slice %arg2[%add3A_184, %dma_start3A_187] : memref<4096x128xf32, #tpu.memory_space<hbm>> -> memref<8x128xf32, #tpu.memory_space<hbm>>
        tpu.enqueue_dma source(%dma_start3A_188 : memref<8x128xf32, #tpu.memory_space<hbm>>) target(%arg6 : memref<8x128xf32, #tpu.memory_space<vmem>>) target_semaphore(%arg9 : memref<!tpu.dma_semaphore, #tpu.memory_space<semaphore_mem>>)
      } else {
      }
      %mul3A_161 = arith.constant 256 : i32
      %mul3A_162 = arith.muli %select_n3A, %mul3A_161 : i32
      %mul3A_163 = arith.constant 8 : i32
      %mul3A_164 = arith.muli %add3A_134, %mul3A_163 : i32
      %add3A_165 = arith.addi %mul3A_162, %mul3A_164 : i32
      %dma_wait3A_166 = arith.constant 0 : i32
      %dma_wait3A_167 = tpu.memref_slice %arg2[%add3A_165, %dma_wait3A_166] : memref<4096x128xf32, #tpu.memory_space<hbm>> -> memref<8x128xf32, #tpu.memory_space<hbm>>
      %dma_wait3A_168 = arith.constant 0 : i32
      %dma_wait3A_169 = tpu.memref_slice %arg2[%add3A_165, %dma_wait3A_168] : memref<4096x128xf32, #tpu.memory_space<hbm>> -> memref<8x128xf32, #tpu.memory_space<hbm>>
      tpu.wait_dma2 semaphore(%arg10 : memref<!tpu.dma_semaphore, #tpu.memory_space<semaphore_mem>>) src(%dma_wait3A_169 : memref<8x128xf32, #tpu.memory_space<hbm>>) dst(%arg7 : memref<8x128xf32, #tpu.memory_space<vmem>>)
      %scan3A_170 = arith.constant 0 : i32
      %scan3A_171 = arith.constant 0 : i32
      %scan3A_172 = arith.constant 16 : i32
      %scan3A_173 = arith.addi %scan3A_171, %scan3A_172 : i32
      %scan3A_174 = arith.constant 1 : i32
      %scan3A_175 = scf.for %scan3A_178 = %scan3A_171 to %scan3A_173 step %scan3A_174 iter_args(%scan3A_179 = %scan3A_170) -> (i32)  : i32 {
        %mul3A_180 = arith.constant 16 : i32
        %mul3A_181 = arith.muli %scan3A_178, %mul3A_180 : i32
        %add3A_182 = vector.broadcast %mul3A_181 : i32 to vector<16xi32>
        %add3A_183 = arith.addi %iota3A, %add3A_182 : vector<16xi32>
        %mul3A_184 = arith.constant 256 : i32
        %mul3A_185 = arith.muli %add3A_134, %mul3A_184 : i32
        %add3A_186 = vector.broadcast %mul3A_185 : i32 to vector<16xi32>
        %add3A_187 = arith.addi %add3A_183, %add3A_186 : vector<16xi32>
        %mul3A_188 = arith.constant 3 : i32
        %mul3A_189 = vector.broadcast %mul3A_188 : i32 to vector<16xi32>
        %mul3A_190 = arith.muli %add3A_183, %mul3A_189 : vector<16xi32>
        %shift_right_arithmetic3A = arith.constant 7 : i32
        %shift_right_arithmetic3A_191 = vector.broadcast %shift_right_arithmetic3A : i32 to vector<16xi32>
        %shift_right_arithmetic3A_192 = arith.shrsi %mul3A_190, %shift_right_arithmetic3A_191 : vector<16xi32>
        %and3A_193 = arith.constant 127 : i32
        %and3A_194 = vector.broadcast %and3A_193 : i32 to vector<16xi32>
        %and3A_195 = arith.andi %mul3A_190, %and3A_194 : vector<16xi32>
        %gather3A_196 = tpu.vector_load_idx %arg7[%shift_right_arithmetic3A_192, %and3A_195] : memref<8x128xf32, #tpu.memory_space<vmem>>[vector<16xi32>, vector<16xi32>], vector<16xf32>,
        %add3A_197 = arith.constant 1 : i32
        %add3A_198 = vector.broadcast %add3A_197 : i32 to vector<16xi32>
        %add3A_199 = arith.addi %mul3A_190, %add3A_198 : vector<16xi32>
        %shift_right_arithmetic3A_200 = arith.constant 7 : i32
        %shift_right_arithmetic3A_201 = vector.broadcast %shift_right_arithmetic3A_200 : i32 to vector<16xi32>
        %shift_right_arithmetic3A_202 = arith.shrsi %add3A_199, %shift_right_arithmetic3A_201 : vector<16xi32>
        %and3A_203 = arith.constant 127 : i32
        %and3A_204 = vector.broadcast %and3A_203 : i32 to vector<16xi32>
        %and3A_205 = arith.andi %add3A_199, %and3A_204 : vector<16xi32>
        %gather3A_206 = tpu.vector_load_idx %arg7[%shift_right_arithmetic3A_202, %and3A_205] : memref<8x128xf32, #tpu.memory_space<vmem>>[vector<16xi32>, vector<16xi32>], vector<16xf32>,
        %add3A_207 = arith.constant 2 : i32
        %add3A_208 = vector.broadcast %add3A_207 : i32 to vector<16xi32>
        %add3A_209 = arith.addi %mul3A_190, %add3A_208 : vector<16xi32>
        %shift_right_arithmetic3A_210 = arith.constant 7 : i32
        %shift_right_arithmetic3A_211 = vector.broadcast %shift_right_arithmetic3A_210 : i32 to vector<16xi32>
        %shift_right_arithmetic3A_212 = arith.shrsi %add3A_209, %shift_right_arithmetic3A_211 : vector<16xi32>
        %and3A_213 = arith.constant 127 : i32
        %and3A_214 = vector.broadcast %and3A_213 : i32 to vector<16xi32>
        %and3A_215 = arith.andi %add3A_209, %and3A_214 : vector<16xi32>
        %gather3A_216 = tpu.vector_load_idx %arg7[%shift_right_arithmetic3A_212, %and3A_215] : memref<8x128xf32, #tpu.memory_space<vmem>>[vector<16xi32>, vector<16xi32>], vector<16xf32>,
        %shift_right_arithmetic3A_217 = arith.constant 7 : i32
        %shift_right_arithmetic3A_218 = vector.broadcast %shift_right_arithmetic3A_217 : i32 to vector<16xi32>
        %shift_right_arithmetic3A_219 = arith.shrsi %add3A_183, %shift_right_arithmetic3A_218 : vector<16xi32>
        %add3A_220 = arith.constant 6 : i32
        %add3A_221 = vector.broadcast %add3A_220 : i32 to vector<16xi32>
        %add3A_222 = arith.addi %shift_right_arithmetic3A_219, %add3A_221 : vector<16xi32>
        %and3A_223 = arith.constant 127 : i32
        %and3A_224 = vector.broadcast %and3A_223 : i32 to vector<16xi32>
        %and3A_225 = arith.andi %add3A_183, %and3A_224 : vector<16xi32>
        %gather3A_226 = tpu.vector_load_idx %arg7[%add3A_222, %and3A_225] : memref<8x128xf32, #tpu.memory_space<vmem>>[vector<16xi32>, vector<16xi32>], vector<16xf32>,
        %convert_element_type3A_227 = arith.fptosi %gather3A_196 : vector<16xf32> to vector<16xi32>
        %convert_element_type3A_228 = arith.fptosi %gather3A_206 : vector<16xf32> to vector<16xi32>
        %convert_element_type3A_229 = arith.fptosi %gather3A_216 : vector<16xf32> to vector<16xi32>
        %convert_element_type3A_230 = arith.sitofp %convert_element_type3A_227 : vector<16xi32> to vector<16xf32>
        %sub3A_231 = arith.subf %gather3A_196, %convert_element_type3A_230 : vector<16xf32>
        %convert_element_type3A_232 = arith.sitofp %convert_element_type3A_228 : vector<16xi32> to vector<16xf32>
        %sub3A_233 = arith.subf %gather3A_206, %convert_element_type3A_232 : vector<16xf32>
        %convert_element_type3A_234 = arith.sitofp %convert_element_type3A_229 : vector<16xi32> to vector<16xf32>
        %sub3A_235 = arith.subf %gather3A_216, %convert_element_type3A_234 : vector<16xf32>
        %lt3A_236 = arith.cmpi slt, %add3A_187, %gather3A : vector<16xi32>
        %ge3A = vector.broadcast %mul3A_28 : i32 to vector<16xi32>
        %ge3A_237 = arith.cmpi sge, %convert_element_type3A_227, %ge3A : vector<16xi32>
        %and3A_238 = arith.andi %lt3A_236, %ge3A_237 : vector<16xi1>
        %add3A_239 = arith.constant 20 : i32
        %add3A_240 = arith.addi %mul3A_28, %add3A_239 : i32
        %lt3A_241 = vector.broadcast %add3A_240 : i32 to vector<16xi32>
        %lt3A_242 = arith.cmpi slt, %convert_element_type3A_227, %lt3A_241 : vector<16xi32>
        %and3A_243 = arith.andi %and3A_238, %lt3A_242 : vector<16xi1>
        %add3A_244 = arith.constant 1 : i32
        %add3A_245 = vector.broadcast %add3A_244 : i32 to vector<16xi32>
        %add3A_246 = arith.addi %convert_element_type3A_227, %add3A_245 : vector<16xi32>
        %ge3A_247 = vector.broadcast %mul3A_28 : i32 to vector<16xi32>
        %ge3A_248 = arith.cmpi sge, %add3A_246, %ge3A_247 : vector<16xi32>
        %and3A_249 = arith.andi %lt3A_236, %ge3A_248 : vector<16xi1>
        %add3A_250 = arith.constant 20 : i32
        %add3A_251 = arith.addi %mul3A_28, %add3A_250 : i32
        %lt3A_252 = vector.broadcast %add3A_251 : i32 to vector<16xi32>
        %lt3A_253 = arith.cmpi slt, %add3A_246, %lt3A_252 : vector<16xi32>
        %and3A_254 = arith.andi %and3A_249, %lt3A_253 : vector<16xi1>
        %sub3A_255 = vector.broadcast %mul3A_28 : i32 to vector<16xi32>
        %sub3A_256 = arith.subi %convert_element_type3A_227, %sub3A_255 : vector<16xi32>
        %jit3A_257 = arith.constant 0 : i32
        %jit3A_258 = arith.constant 19 : i32
        %max3A = vector.broadcast %jit3A_257 : i32 to vector<16xi32>
        %max3A_259 = arith.maxsi %max3A, %sub3A_256 : vector<16xi32>
        %min3A = vector.broadcast %jit3A_258 : i32 to vector<16xi32>
        %min3A_260 = arith.minsi %min3A, %max3A_259 : vector<16xi32>
        %mul3A_261 = arith.constant 6400 : i32
        %mul3A_262 = vector.broadcast %mul3A_261 : i32 to vector<16xi32>
        %mul3A_263 = arith.muli %min3A_260, %mul3A_262 : vector<16xi32>
        %sub3A_264 = vector.broadcast %mul3A_28 : i32 to vector<16xi32>
        %sub3A_265 = arith.subi %add3A_246, %sub3A_264 : vector<16xi32>
        %jit3A_266 = arith.constant 0 : i32
        %jit3A_267 = arith.constant 19 : i32
        %max3A_268 = vector.broadcast %jit3A_266 : i32 to vector<16xi32>
        %max3A_269 = arith.maxsi %max3A_268, %sub3A_265 : vector<16xi32>
        %min3A_270 = vector.broadcast %jit3A_267 : i32 to vector<16xi32>
        %min3A_271 = arith.minsi %min3A_270, %max3A_269 : vector<16xi32>
        %mul3A_272 = arith.constant 6400 : i32
        %mul3A_273 = vector.broadcast %mul3A_272 : i32 to vector<16xi32>
        %mul3A_274 = arith.muli %min3A_271, %mul3A_273 : vector<16xi32>
        %mul3A_275 = arith.constant 80 : i32
        %mul3A_276 = vector.broadcast %mul3A_275 : i32 to vector<16xi32>
        %mul3A_277 = arith.muli %convert_element_type3A_228, %mul3A_276 : vector<16xi32>
        %add3A_278 = arith.constant 80 : i32
        %add3A_279 = vector.broadcast %add3A_278 : i32 to vector<16xi32>
        %add3A_280 = arith.addi %mul3A_277, %add3A_279 : vector<16xi32>
        %sub3A_281 = arith.subf %broadcast_in_dim3A_7, %sub3A_231 : vector<16xf32>
        %mul3A_282 = arith.mulf %gather3A_226, %sub3A_281 : vector<16xf32>
        %mul3A_283 = arith.mulf %gather3A_226, %sub3A_231 : vector<16xf32>
        %sub3A_284 = arith.subf %broadcast_in_dim3A_7, %sub3A_233 : vector<16xf32>
        %sub3A_285 = arith.subf %broadcast_in_dim3A_7, %sub3A_235 : vector<16xf32>
        %mul3A_286 = arith.mulf %mul3A_282, %sub3A_284 : vector<16xf32>
        %mul3A_287 = arith.mulf %mul3A_282, %sub3A_233 : vector<16xf32>
        %mul3A_288 = arith.mulf %mul3A_283, %sub3A_284 : vector<16xf32>
        %mul3A_289 = arith.mulf %mul3A_283, %sub3A_233 : vector<16xf32>
        %add3A_290 = arith.addi %mul3A_263, %mul3A_277 : vector<16xi32>
        %add3A_291 = arith.addi %add3A_290, %convert_element_type3A_229 : vector<16xi32>
        %add3A_292 = arith.addi %mul3A_263, %add3A_280 : vector<16xi32>
        %add3A_293 = arith.addi %add3A_292, %convert_element_type3A_229 : vector<16xi32>
        %add3A_294 = arith.addi %mul3A_274, %mul3A_277 : vector<16xi32>
        %add3A_295 = arith.addi %add3A_294, %convert_element_type3A_229 : vector<16xi32>
        %add3A_296 = arith.addi %mul3A_274, %add3A_280 : vector<16xi32>
        %add3A_297 = arith.addi %add3A_296, %convert_element_type3A_229 : vector<16xi32>
        %mul3A_298 = arith.mulf %mul3A_286, %sub3A_285 : vector<16xf32>
        tpu.vector_store_idx %arg5[%add3A_291], %mul3A_298 masked %and3A_243 {add = true} : memref<128000xf32, #tpu.memory_space<vmem>>[vector<16xi32>], vector<16xf32>, vector<16xi1>
        %add3A_299 = arith.constant 1 : i32
        %add3A_300 = vector.broadcast %add3A_299 : i32 to vector<16xi32>
        %add3A_301 = arith.addi %add3A_291, %add3A_300 : vector<16xi32>
        %mul3A_302 = arith.mulf %mul3A_286, %sub3A_235 : vector<16xf32>
        tpu.vector_store_idx %arg5[%add3A_301], %mul3A_302 masked %and3A_243 {add = true} : memref<128000xf32, #tpu.memory_space<vmem>>[vector<16xi32>], vector<16xf32>, vector<16xi1>
        %mul3A_303 = arith.mulf %mul3A_287, %sub3A_285 : vector<16xf32>
        tpu.vector_store_idx %arg5[%add3A_293], %mul3A_303 masked %and3A_243 {add = true} : memref<128000xf32, #tpu.memory_space<vmem>>[vector<16xi32>], vector<16xf32>, vector<16xi1>
        %add3A_304 = arith.constant 1 : i32
        %add3A_305 = vector.broadcast %add3A_304 : i32 to vector<16xi32>
        %add3A_306 = arith.addi %add3A_293, %add3A_305 : vector<16xi32>
        %mul3A_307 = arith.mulf %mul3A_287, %sub3A_235 : vector<16xf32>
        tpu.vector_store_idx %arg5[%add3A_306], %mul3A_307 masked %and3A_243 {add = true} : memref<128000xf32, #tpu.memory_space<vmem>>[vector<16xi32>], vector<16xf32>, vector<16xi1>
        %mul3A_308 = arith.mulf %mul3A_288, %sub3A_285 : vector<16xf32>
        tpu.vector_store_idx %arg5[%add3A_295], %mul3A_308 masked %and3A_254 {add = true} : memref<128000xf32, #tpu.memory_space<vmem>>[vector<16xi32>], vector<16xf32>, vector<16xi1>
        %add3A_309 = arith.constant 1 : i32
        %add3A_310 = vector.broadcast %add3A_309 : i32 to vector<16xi32>
        %add3A_311 = arith.addi %add3A_295, %add3A_310 : vector<16xi32>
        %mul3A_312 = arith.mulf %mul3A_288, %sub3A_235 : vector<16xf32>
        tpu.vector_store_idx %arg5[%add3A_311], %mul3A_312 masked %and3A_254 {add = true} : memref<128000xf32, #tpu.memory_space<vmem>>[vector<16xi32>], vector<16xf32>, vector<16xi1>
        %mul3A_313 = arith.mulf %mul3A_289, %sub3A_285 : vector<16xf32>
        tpu.vector_store_idx %arg5[%add3A_297], %mul3A_313 masked %and3A_254 {add = true} : memref<128000xf32, #tpu.memory_space<vmem>>[vector<16xi32>], vector<16xf32>, vector<16xi1>
        %add3A_314 = arith.constant 1 : i32
        %add3A_315 = vector.broadcast %add3A_314 : i32 to vector<16xi32>
        %add3A_316 = arith.addi %add3A_297, %add3A_315 : vector<16xi32>
        %mul3A_317 = arith.mulf %mul3A_289, %sub3A_235 : vector<16xf32>
        tpu.vector_store_idx %arg5[%add3A_316], %mul3A_317 masked %and3A_254 {add = true} : memref<128000xf32, #tpu.memory_space<vmem>>[vector<16xi32>], vector<16xf32>, vector<16xi1>
        %scan3A_318 = arith.constant 0 : i32
        scf.yield %scan3A_318 : i32
      }
      %scan3A_176 = arith.constant 16 : i32
      %scan3A_177 = arith.constant 0 : i32
      scf.yield %scan3A_177 : i32
    }
    %scan3A_49 = arith.constant 16 : i32
    %scan3A_50 = arith.constant 0 : i32
    %scan3A_51 = arith.constant 0 : i32
    %scan3A_52 = arith.constant 250 : i32
    %scan3A_53 = arith.addi %scan3A_51, %scan3A_52 : i32
    %scan3A_54 = arith.constant 1 : i32
    %scan3A_55 = scf.for %scan3A_129 = %scan3A_51 to %scan3A_53 step %scan3A_54 iter_args(%scan3A_130 = %scan3A_50) -> (i32)  : i32 {
      %mul3A_131 = arith.constant 512 : i32
      %mul3A_132 = arith.muli %scan3A_129, %mul3A_131 : i32
      %add3A_133 = arith.constant 0 : i32
      %add3A_134 = arith.addi %mul3A_132, %add3A_133 : i32
      %get3A = arith.index_cast %add3A_134 : i32 to index
      %get3A_135 = tpu.vector_load %arg5[%get3A] {strides = array<i32>} : memref<128000xf32, #tpu.memory_space<vmem>>, vector<16xf32>,
      %neg3A = arith.constant 0.000000e+00 : f32
      %neg3A_136 = vector.broadcast %neg3A : f32 to vector<16xf32>
      %neg3A_137 = arith.subf %neg3A_136, %get3A_135 : vector<16xf32>
      %exp3A = math.exp %neg3A_137 : vector<16xf32>
      %mul3A_138 = arith.mulf %exp3A, %broadcast_in_dim3A_3 : vector<16xf32>
      %add3A_139 = arith.addf %mul3A_138, %broadcast_in_dim3A_5 : vector<16xf32>
      %swap3A = arith.index_cast %add3A_134 : i32 to index
      %swap3A_140 = tpu.vector_load %arg5[%swap3A] {strides = array<i32>} : memref<128000xf32, #tpu.memory_space<vmem>>, vector<16xf32>,
      tpu.vector_store %arg5[%swap3A], %add3A_139 {strides = array<i32>} : memref<128000xf32, #tpu.memory_space<vmem>>, vector<16xf32>,
      %add3A_141 = arith.constant 16 : i32
      %add3A_142 = arith.addi %mul3A_132, %add3A_141 : i32
      %get3A_143 = arith.index_cast %add3A_142 : i32 to index
      %get3A_144 = tpu.vector_load %arg5[%get3A_143] {strides = array<i32>} : memref<128000xf32, #tpu.memory_space<vmem>>, vector<16xf32>,
      %neg3A_145 = arith.constant 0.000000e+00 : f32
      %neg3A_146 = vector.broadcast %neg3A_145 : f32 to vector<16xf32>
      %neg3A_147 = arith.subf %neg3A_146, %get3A_144 : vector<16xf32>
      %exp3A_148 = math.exp %neg3A_147 : vector<16xf32>
      %mul3A_149 = arith.mulf %exp3A_148, %broadcast_in_dim3A_3 : vector<16xf32>
      %add3A_150 = arith.addf %mul3A_149, %broadcast_in_dim3A_5 : vector<16xf32>
      %swap3A_151 = arith.index_cast %add3A_142 : i32 to index
      %swap3A_152 = tpu.vector_load %arg5[%swap3A_151] {strides = array<i32>} : memref<128000xf32, #tpu.memory_space<vmem>>, vector<16xf32>,
      tpu.vector_store %arg5[%swap3A_151], %add3A_150 {strides = array<i32>} : memref<128000xf32, #tpu.memory_space<vmem>>, vector<16xf32>,
      %add3A_153 = arith.constant 32 : i32
      %add3A_154 = arith.addi %mul3A_132, %add3A_153 : i32
      %get3A_155 = arith.index_cast %add3A_154 : i32 to index
      %get3A_156 = tpu.vector_load %arg5[%get3A_155] {strides = array<i32>} : memref<128000xf32, #tpu.memory_space<vmem>>, vector<16xf32>,
      %neg3A_157 = arith.constant 0.000000e+00 : f32
      %neg3A_158 = vector.broadcast %neg3A_157 : f32 to vector<16xf32>
      %neg3A_159 = arith.subf %neg3A_158, %get3A_156 : vector<16xf32>
      %exp3A_160 = math.exp %neg3A_159 : vector<16xf32>
      %mul3A_161 = arith.mulf %exp3A_160, %broadcast_in_dim3A_3 : vector<16xf32>
      %add3A_162 = arith.addf %mul3A_161, %broadcast_in_dim3A_5 : vector<16xf32>
      %swap3A_163 = arith.index_cast %add3A_154 : i32 to index
      %swap3A_164 = tpu.vector_load %arg5[%swap3A_163] {strides = array<i32>} : memref<128000xf32, #tpu.memory_space<vmem>>, vector<16xf32>,
      tpu.vector_store %arg5[%swap3A_163], %add3A_162 {strides = array<i32>} : memref<128000xf32, #tpu.memory_space<vmem>>, vector<16xf32>,
      %add3A_165 = arith.constant 48 : i32
      %add3A_166 = arith.addi %mul3A_132, %add3A_165 : i32
      %get3A_167 = arith.index_cast %add3A_166 : i32 to index
      %get3A_168 = tpu.vector_load %arg5[%get3A_167] {strides = array<i32>} : memref<128000xf32, #tpu.memory_space<vmem>>, vector<16xf32>,
      %neg3A_169 = arith.constant 0.000000e+00 : f32
      %neg3A_170 = vector.broadcast %neg3A_169 : f32 to vector<16xf32>
      %neg3A_171 = arith.subf %neg3A_170, %get3A_168 : vector<16xf32>
      %exp3A_172 = math.exp %neg3A_171 : vector<16xf32>
      %mul3A_173 = arith.mulf %exp3A_172, %broadcast_in_dim3A_3 : vector<16xf32>
      %add3A_174 = arith.addf %mul3A_173, %broadcast_in_dim3A_5 : vector<16xf32>
      %swap3A_175 = arith.index_cast %add3A_166 : i32 to index
      %swap3A_176 = tpu.vector_load %arg5[%swap3A_175] {strides = array<i32>} : memref<128000xf32, #tpu.memory_space<vmem>>, vector<16xf32>,
      tpu.vector_store %arg5[%swap3A_175], %add3A_174 {strides = array<i32>} : memref<128000xf32, #tpu.memory_space<vmem>>, vector<16xf32>,
      %add3A_177 = arith.constant 64 : i32
      %add3A_178 = arith.addi %mul3A_132, %add3A_177 : i32
      %get3A_179 = arith.index_cast %add3A_178 : i32 to index
      %get3A_180 = tpu.vector_load %arg5[%get3A_179] {strides = array<i32>} : memref<128000xf32, #tpu.memory_space<vmem>>, vector<16xf32>,
      %neg3A_181 = arith.constant 0.000000e+00 : f32
      %neg3A_182 = vector.broadcast %neg3A_181 : f32 to vector<16xf32>
      %neg3A_183 = arith.subf %neg3A_182, %get3A_180 : vector<16xf32>
      %exp3A_184 = math.exp %neg3A_183 : vector<16xf32>
      %mul3A_185 = arith.mulf %exp3A_184, %broadcast_in_dim3A_3 : vector<16xf32>
      %add3A_186 = arith.addf %mul3A_185, %broadcast_in_dim3A_5 : vector<16xf32>
      %swap3A_187 = arith.index_cast %add3A_178 : i32 to index
      %swap3A_188 = tpu.vector_load %arg5[%swap3A_187] {strides = array<i32>} : memref<128000xf32, #tpu.memory_space<vmem>>, vector<16xf32>,
      tpu.vector_store %arg5[%swap3A_187], %add3A_186 {strides = array<i32>} : memref<128000xf32, #tpu.memory_space<vmem>>, vector<16xf32>,
      %add3A_189 = arith.constant 80 : i32
      %add3A_190 = arith.addi %mul3A_132, %add3A_189 : i32
      %get3A_191 = arith.index_cast %add3A_190 : i32 to index
      %get3A_192 = tpu.vector_load %arg5[%get3A_191] {strides = array<i32>} : memref<128000xf32, #tpu.memory_space<vmem>>, vector<16xf32>,
      %neg3A_193 = arith.constant 0.000000e+00 : f32
      %neg3A_194 = vector.broadcast %neg3A_193 : f32 to vector<16xf32>
      %neg3A_195 = arith.subf %neg3A_194, %get3A_192 : vector<16xf32>
      %exp3A_196 = math.exp %neg3A_195 : vector<16xf32>
      %mul3A_197 = arith.mulf %exp3A_196, %broadcast_in_dim3A_3 : vector<16xf32>
      %add3A_198 = arith.addf %mul3A_197, %broadcast_in_dim3A_5 : vector<16xf32>
      %swap3A_199 = arith.index_cast %add3A_190 : i32 to index
      %swap3A_200 = tpu.vector_load %arg5[%swap3A_199] {strides = array<i32>} : memref<128000xf32, #tpu.memory_space<vmem>>, vector<16xf32>,
      tpu.vector_store %arg5[%swap3A_199], %add3A_198 {strides = array<i32>} : memref<128000xf32, #tpu.memory_space<vmem>>, vector<16xf32>,
      %add3A_201 = arith.constant 96 : i32
      %add3A_202 = arith.addi %mul3A_132, %add3A_201 : i32
      %get3A_203 = arith.index_cast %add3A_202 : i32 to index
      %get3A_204 = tpu.vector_load %arg5[%get3A_203] {strides = array<i32>} : memref<128000xf32, #tpu.memory_space<vmem>>, vector<16xf32>,
      %neg3A_205 = arith.constant 0.000000e+00 : f32
      %neg3A_206 = vector.broadcast %neg3A_205 : f32 to vector<16xf32>
      %neg3A_207 = arith.subf %neg3A_206, %get3A_204 : vector<16xf32>
      %exp3A_208 = math.exp %neg3A_207 : vector<16xf32>
      %mul3A_209 = arith.mulf %exp3A_208, %broadcast_in_dim3A_3 : vector<16xf32>
      %add3A_210 = arith.addf %mul3A_209, %broadcast_in_dim3A_5 : vector<16xf32>
      %swap3A_211 = arith.index_cast %add3A_202 : i32 to index
      %swap3A_212 = tpu.vector_load %arg5[%swap3A_211] {strides = array<i32>} : memref<128000xf32, #tpu.memory_space<vmem>>, vector<16xf32>,
      tpu.vector_store %arg5[%swap3A_211], %add3A_210 {strides = array<i32>} : memref<128000xf32, #tpu.memory_space<vmem>>, vector<16xf32>,
      %add3A_213 = arith.constant 112 : i32
      %add3A_214 = arith.addi %mul3A_132, %add3A_213 : i32
      %get3A_215 = arith.index_cast %add3A_214 : i32 to index
      %get3A_216 = tpu.vector_load %arg5[%get3A_215] {strides = array<i32>} : memref<128000xf32, #tpu.memory_space<vmem>>, vector<16xf32>,
      %neg3A_217 = arith.constant 0.000000e+00 : f32
      %neg3A_218 = vector.broadcast %neg3A_217 : f32 to vector<16xf32>
      %neg3A_219 = arith.subf %neg3A_218, %get3A_216 : vector<16xf32>
      %exp3A_220 = math.exp %neg3A_219 : vector<16xf32>
      %mul3A_221 = arith.mulf %exp3A_220, %broadcast_in_dim3A_3 : vector<16xf32>
      %add3A_222 = arith.addf %mul3A_221, %broadcast_in_dim3A_5 : vector<16xf32>
      %swap3A_223 = arith.index_cast %add3A_214 : i32 to index
      %swap3A_224 = tpu.vector_load %arg5[%swap3A_223] {strides = array<i32>} : memref<128000xf32, #tpu.memory_space<vmem>>, vector<16xf32>,
      tpu.vector_store %arg5[%swap3A_223], %add3A_222 {strides = array<i32>} : memref<128000xf32, #tpu.memory_space<vmem>>, vector<16xf32>,
      %add3A_225 = arith.constant 128 : i32
      %add3A_226 = arith.addi %mul3A_132, %add3A_225 : i32
      %get3A_227 = arith.index_cast %add3A_226 : i32 to index
      %get3A_228 = tpu.vector_load %arg5[%get3A_227] {strides = array<i32>} : memref<128000xf32, #tpu.memory_space<vmem>>, vector<16xf32>,
      %neg3A_229 = arith.constant 0.000000e+00 : f32
      %neg3A_230 = vector.broadcast %neg3A_229 : f32 to vector<16xf32>
      %neg3A_231 = arith.subf %neg3A_230, %get3A_228 : vector<16xf32>
      %exp3A_232 = math.exp %neg3A_231 : vector<16xf32>
      %mul3A_233 = arith.mulf %exp3A_232, %broadcast_in_dim3A_3 : vector<16xf32>
      %add3A_234 = arith.addf %mul3A_233, %broadcast_in_dim3A_5 : vector<16xf32>
      %swap3A_235 = arith.index_cast %add3A_226 : i32 to index
      %swap3A_236 = tpu.vector_load %arg5[%swap3A_235] {strides = array<i32>} : memref<128000xf32, #tpu.memory_space<vmem>>, vector<16xf32>,
      tpu.vector_store %arg5[%swap3A_235], %add3A_234 {strides = array<i32>} : memref<128000xf32, #tpu.memory_space<vmem>>, vector<16xf32>,
      %add3A_237 = arith.constant 144 : i32
      %add3A_238 = arith.addi %mul3A_132, %add3A_237 : i32
      %get3A_239 = arith.index_cast %add3A_238 : i32 to index
      %get3A_240 = tpu.vector_load %arg5[%get3A_239] {strides = array<i32>} : memref<128000xf32, #tpu.memory_space<vmem>>, vector<16xf32>,
      %neg3A_241 = arith.constant 0.000000e+00 : f32
      %neg3A_242 = vector.broadcast %neg3A_241 : f32 to vector<16xf32>
      %neg3A_243 = arith.subf %neg3A_242, %get3A_240 : vector<16xf32>
      %exp3A_244 = math.exp %neg3A_243 : vector<16xf32>
      %mul3A_245 = arith.mulf %exp3A_244, %broadcast_in_dim3A_3 : vector<16xf32>
      %add3A_246 = arith.addf %mul3A_245, %broadcast_in_dim3A_5 : vector<16xf32>
      %swap3A_247 = arith.index_cast %add3A_238 : i32 to index
      %swap3A_248 = tpu.vector_load %arg5[%swap3A_247] {strides = array<i32>} : memref<128000xf32, #tpu.memory_space<vmem>>, vector<16xf32>,
      tpu.vector_store %arg5[%swap3A_247], %add3A_246 {strides = array<i32>} : memref<128000xf32, #tpu.memory_space<vmem>>, vector<16xf32>,
      %add3A_249 = arith.constant 160 : i32
      %add3A_250 = arith.addi %mul3A_132, %add3A_249 : i32
      %get3A_251 = arith.index_cast %add3A_250 : i32 to index
      %get3A_252 = tpu.vector_load %arg5[%get3A_251] {strides = array<i32>} : memref<128000xf32, #tpu.memory_space<vmem>>, vector<16xf32>,
      %neg3A_253 = arith.constant 0.000000e+00 : f32
      %neg3A_254 = vector.broadcast %neg3A_253 : f32 to vector<16xf32>
      %neg3A_255 = arith.subf %neg3A_254, %get3A_252 : vector<16xf32>
      %exp3A_256 = math.exp %neg3A_255 : vector<16xf32>
      %mul3A_257 = arith.mulf %exp3A_256, %broadcast_in_dim3A_3 : vector<16xf32>
      %add3A_258 = arith.addf %mul3A_257, %broadcast_in_dim3A_5 : vector<16xf32>
      %swap3A_259 = arith.index_cast %add3A_250 : i32 to index
      %swap3A_260 = tpu.vector_load %arg5[%swap3A_259] {strides = array<i32>} : memref<128000xf32, #tpu.memory_space<vmem>>, vector<16xf32>,
      tpu.vector_store %arg5[%swap3A_259], %add3A_258 {strides = array<i32>} : memref<128000xf32, #tpu.memory_space<vmem>>, vector<16xf32>,
      %add3A_261 = arith.constant 176 : i32
      %add3A_262 = arith.addi %mul3A_132, %add3A_261 : i32
      %get3A_263 = arith.index_cast %add3A_262 : i32 to index
      %get3A_264 = tpu.vector_load %arg5[%get3A_263] {strides = array<i32>} : memref<128000xf32, #tpu.memory_space<vmem>>, vector<16xf32>,
      %neg3A_265 = arith.constant 0.000000e+00 : f32
      %neg3A_266 = vector.broadcast %neg3A_265 : f32 to vector<16xf32>
      %neg3A_267 = arith.subf %neg3A_266, %get3A_264 : vector<16xf32>
      %exp3A_268 = math.exp %neg3A_267 : vector<16xf32>
      %mul3A_269 = arith.mulf %exp3A_268, %broadcast_in_dim3A_3 : vector<16xf32>
      %add3A_270 = arith.addf %mul3A_269, %broadcast_in_dim3A_5 : vector<16xf32>
      %swap3A_271 = arith.index_cast %add3A_262 : i32 to index
      %swap3A_272 = tpu.vector_load %arg5[%swap3A_271] {strides = array<i32>} : memref<128000xf32, #tpu.memory_space<vmem>>, vector<16xf32>,
      tpu.vector_store %arg5[%swap3A_271], %add3A_270 {strides = array<i32>} : memref<128000xf32, #tpu.memory_space<vmem>>, vector<16xf32>,
      %add3A_273 = arith.constant 192 : i32
      %add3A_274 = arith.addi %mul3A_132, %add3A_273 : i32
      %get3A_275 = arith.index_cast %add3A_274 : i32 to index
      %get3A_276 = tpu.vector_load %arg5[%get3A_275] {strides = array<i32>} : memref<128000xf32, #tpu.memory_space<vmem>>, vector<16xf32>,
      %neg3A_277 = arith.constant 0.000000e+00 : f32
      %neg3A_278 = vector.broadcast %neg3A_277 : f32 to vector<16xf32>
      %neg3A_279 = arith.subf %neg3A_278, %get3A_276 : vector<16xf32>
      %exp3A_280 = math.exp %neg3A_279 : vector<16xf32>
      %mul3A_281 = arith.mulf %exp3A_280, %broadcast_in_dim3A_3 : vector<16xf32>
      %add3A_282 = arith.addf %mul3A_281, %broadcast_in_dim3A_5 : vector<16xf32>
      %swap3A_283 = arith.index_cast %add3A_274 : i32 to index
      %swap3A_284 = tpu.vector_load %arg5[%swap3A_283] {strides = array<i32>} : memref<128000xf32, #tpu.memory_space<vmem>>, vector<16xf32>,
      tpu.vector_store %arg5[%swap3A_283], %add3A_282 {strides = array<i32>} : memref<128000xf32, #tpu.memory_space<vmem>>, vector<16xf32>,
      %add3A_285 = arith.constant 208 : i32
      %add3A_286 = arith.addi %mul3A_132, %add3A_285 : i32
      %get3A_287 = arith.index_cast %add3A_286 : i32 to index
      %get3A_288 = tpu.vector_load %arg5[%get3A_287] {strides = array<i32>} : memref<128000xf32, #tpu.memory_space<vmem>>, vector<16xf32>,
      %neg3A_289 = arith.constant 0.000000e+00 : f32
      %neg3A_290 = vector.broadcast %neg3A_289 : f32 to vector<16xf32>
      %neg3A_291 = arith.subf %neg3A_290, %get3A_288 : vector<16xf32>
      %exp3A_292 = math.exp %neg3A_291 : vector<16xf32>
      %mul3A_293 = arith.mulf %exp3A_292, %broadcast_in_dim3A_3 : vector<16xf32>
      %add3A_294 = arith.addf %mul3A_293, %broadcast_in_dim3A_5 : vector<16xf32>
      %swap3A_295 = arith.index_cast %add3A_286 : i32 to index
      %swap3A_296 = tpu.vector_load %arg5[%swap3A_295] {strides = array<i32>} : memref<128000xf32, #tpu.memory_space<vmem>>, vector<16xf32>,
      tpu.vector_store %arg5[%swap3A_295], %add3A_294 {strides = array<i32>} : memref<128000xf32, #tpu.memory_space<vmem>>, vector<16xf32>,
      %add3A_297 = arith.constant 224 : i32
      %add3A_298 = arith.addi %mul3A_132, %add3A_297 : i32
      %get3A_299 = arith.index_cast %add3A_298 : i32 to index
      %get3A_300 = tpu.vector_load %arg5[%get3A_299] {strides = array<i32>} : memref<128000xf32, #tpu.memory_space<vmem>>, vector<16xf32>,
      %neg3A_301 = arith.constant 0.000000e+00 : f32
      %neg3A_302 = vector.broadcast %neg3A_301 : f32 to vector<16xf32>
      %neg3A_303 = arith.subf %neg3A_302, %get3A_300 : vector<16xf32>
      %exp3A_304 = math.exp %neg3A_303 : vector<16xf32>
      %mul3A_305 = arith.mulf %exp3A_304, %broadcast_in_dim3A_3 : vector<16xf32>
      %add3A_306 = arith.addf %mul3A_305, %broadcast_in_dim3A_5 : vector<16xf32>
      %swap3A_307 = arith.index_cast %add3A_298 : i32 to index
      %swap3A_308 = tpu.vector_load %arg5[%swap3A_307] {strides = array<i32>} : memref<128000xf32, #tpu.memory_space<vmem>>, vector<16xf32>,
      tpu.vector_store %arg5[%swap3A_307], %add3A_306 {strides = array<i32>} : memref<128000xf32, #tpu.memory_space<vmem>>, vector<16xf32>,
      %add3A_309 = arith.constant 240 : i32
      %add3A_310 = arith.addi %mul3A_132, %add3A_309 : i32
      %get3A_311 = arith.index_cast %add3A_310 : i32 to index
      %get3A_312 = tpu.vector_load %arg5[%get3A_311] {strides = array<i32>} : memref<128000xf32, #tpu.memory_space<vmem>>, vector<16xf32>,
      %neg3A_313 = arith.constant 0.000000e+00 : f32
      %neg3A_314 = vector.broadcast %neg3A_313 : f32 to vector<16xf32>
      %neg3A_315 = arith.subf %neg3A_314, %get3A_312 : vector<16xf32>
      %exp3A_316 = math.exp %neg3A_315 : vector<16xf32>
      %mul3A_317 = arith.mulf %exp3A_316, %broadcast_in_dim3A_3 : vector<16xf32>
      %add3A_318 = arith.addf %mul3A_317, %broadcast_in_dim3A_5 : vector<16xf32>
      %swap3A_319 = arith.index_cast %add3A_310 : i32 to index
      %swap3A_320 = tpu.vector_load %arg5[%swap3A_319] {strides = array<i32>} : memref<128000xf32, #tpu.memory_space<vmem>>, vector<16xf32>,
      tpu.vector_store %arg5[%swap3A_319], %add3A_318 {strides = array<i32>} : memref<128000xf32, #tpu.memory_space<vmem>>, vector<16xf32>,
      %add3A_321 = arith.constant 256 : i32
      %add3A_322 = arith.addi %mul3A_132, %add3A_321 : i32
      %get3A_323 = arith.index_cast %add3A_322 : i32 to index
      %get3A_324 = tpu.vector_load %arg5[%get3A_323] {strides = array<i32>} : memref<128000xf32, #tpu.memory_space<vmem>>, vector<16xf32>,
      %neg3A_325 = arith.constant 0.000000e+00 : f32
      %neg3A_326 = vector.broadcast %neg3A_325 : f32 to vector<16xf32>
      %neg3A_327 = arith.subf %neg3A_326, %get3A_324 : vector<16xf32>
      %exp3A_328 = math.exp %neg3A_327 : vector<16xf32>
      %mul3A_329 = arith.mulf %exp3A_328, %broadcast_in_dim3A_3 : vector<16xf32>
      %add3A_330 = arith.addf %mul3A_329, %broadcast_in_dim3A_5 : vector<16xf32>
      %swap3A_331 = arith.index_cast %add3A_322 : i32 to index
      %swap3A_332 = tpu.vector_load %arg5[%swap3A_331] {strides = array<i32>} : memref<128000xf32, #tpu.memory_space<vmem>>, vector<16xf32>,
      tpu.vector_store %arg5[%swap3A_331], %add3A_330 {strides = array<i32>} : memref<128000xf32, #tpu.memory_space<vmem>>, vector<16xf32>,
      %add3A_333 = arith.constant 272 : i32
      %add3A_334 = arith.addi %mul3A_132, %add3A_333 : i32
      %get3A_335 = arith.index_cast %add3A_334 : i32 to index
      %get3A_336 = tpu.vector_load %arg5[%get3A_335] {strides = array<i32>} : memref<128000xf32, #tpu.memory_space<vmem>>, vector<16xf32>,
      %neg3A_337 = arith.constant 0.000000e+00 : f32
      %neg3A_338 = vector.broadcast %neg3A_337 : f32 to vector<16xf32>
      %neg3A_339 = arith.subf %neg3A_338, %get3A_336 : vector<16xf32>
      %exp3A_340 = math.exp %neg3A_339 : vector<16xf32>
      %mul3A_341 = arith.mulf %exp3A_340, %broadcast_in_dim3A_3 : vector<16xf32>
      %add3A_342 = arith.addf %mul3A_341, %broadcast_in_dim3A_5 : vector<16xf32>
      %swap3A_343 = arith.index_cast %add3A_334 : i32 to index
      %swap3A_344 = tpu.vector_load %arg5[%swap3A_343] {strides = array<i32>} : memref<128000xf32, #tpu.memory_space<vmem>>, vector<16xf32>,
      tpu.vector_store %arg5[%swap3A_343], %add3A_342 {strides = array<i32>} : memref<128000xf32, #tpu.memory_space<vmem>>, vector<16xf32>,
      %add3A_345 = arith.constant 288 : i32
      %add3A_346 = arith.addi %mul3A_132, %add3A_345 : i32
      %get3A_347 = arith.index_cast %add3A_346 : i32 to index
      %get3A_348 = tpu.vector_load %arg5[%get3A_347] {strides = array<i32>} : memref<128000xf32, #tpu.memory_space<vmem>>, vector<16xf32>,
      %neg3A_349 = arith.constant 0.000000e+00 : f32
      %neg3A_350 = vector.broadcast %neg3A_349 : f32 to vector<16xf32>
      %neg3A_351 = arith.subf %neg3A_350, %get3A_348 : vector<16xf32>
      %exp3A_352 = math.exp %neg3A_351 : vector<16xf32>
      %mul3A_353 = arith.mulf %exp3A_352, %broadcast_in_dim3A_3 : vector<16xf32>
      %add3A_354 = arith.addf %mul3A_353, %broadcast_in_dim3A_5 : vector<16xf32>
      %swap3A_355 = arith.index_cast %add3A_346 : i32 to index
      %swap3A_356 = tpu.vector_load %arg5[%swap3A_355] {strides = array<i32>} : memref<128000xf32, #tpu.memory_space<vmem>>, vector<16xf32>,
      tpu.vector_store %arg5[%swap3A_355], %add3A_354 {strides = array<i32>} : memref<128000xf32, #tpu.memory_space<vmem>>, vector<16xf32>,
      %add3A_357 = arith.constant 304 : i32
      %add3A_358 = arith.addi %mul3A_132, %add3A_357 : i32
      %get3A_359 = arith.index_cast %add3A_358 : i32 to index
      %get3A_360 = tpu.vector_load %arg5[%get3A_359] {strides = array<i32>} : memref<128000xf32, #tpu.memory_space<vmem>>, vector<16xf32>,
      %neg3A_361 = arith.constant 0.000000e+00 : f32
      %neg3A_362 = vector.broadcast %neg3A_361 : f32 to vector<16xf32>
      %neg3A_363 = arith.subf %neg3A_362, %get3A_360 : vector<16xf32>
      %exp3A_364 = math.exp %neg3A_363 : vector<16xf32>
      %mul3A_365 = arith.mulf %exp3A_364, %broadcast_in_dim3A_3 : vector<16xf32>
      %add3A_366 = arith.addf %mul3A_365, %broadcast_in_dim3A_5 : vector<16xf32>
      %swap3A_367 = arith.index_cast %add3A_358 : i32 to index
      %swap3A_368 = tpu.vector_load %arg5[%swap3A_367] {strides = array<i32>} : memref<128000xf32, #tpu.memory_space<vmem>>, vector<16xf32>,
      tpu.vector_store %arg5[%swap3A_367], %add3A_366 {strides = array<i32>} : memref<128000xf32, #tpu.memory_space<vmem>>, vector<16xf32>,
      %add3A_369 = arith.constant 320 : i32
      %add3A_370 = arith.addi %mul3A_132, %add3A_369 : i32
      %get3A_371 = arith.index_cast %add3A_370 : i32 to index
      %get3A_372 = tpu.vector_load %arg5[%get3A_371] {strides = array<i32>} : memref<128000xf32, #tpu.memory_space<vmem>>, vector<16xf32>,
      %neg3A_373 = arith.constant 0.000000e+00 : f32
      %neg3A_374 = vector.broadcast %neg3A_373 : f32 to vector<16xf32>
      %neg3A_375 = arith.subf %neg3A_374, %get3A_372 : vector<16xf32>
      %exp3A_376 = math.exp %neg3A_375 : vector<16xf32>
      %mul3A_377 = arith.mulf %exp3A_376, %broadcast_in_dim3A_3 : vector<16xf32>
      %add3A_378 = arith.addf %mul3A_377, %broadcast_in_dim3A_5 : vector<16xf32>
      %swap3A_379 = arith.index_cast %add3A_370 : i32 to index
      %swap3A_380 = tpu.vector_load %arg5[%swap3A_379] {strides = array<i32>} : memref<128000xf32, #tpu.memory_space<vmem>>, vector<16xf32>,
      tpu.vector_store %arg5[%swap3A_379], %add3A_378 {strides = array<i32>} : memref<128000xf32, #tpu.memory_space<vmem>>, vector<16xf32>,
      %add3A_381 = arith.constant 336 : i32
      %add3A_382 = arith.addi %mul3A_132, %add3A_381 : i32
      %get3A_383 = arith.index_cast %add3A_382 : i32 to index
      %get3A_384 = tpu.vector_load %arg5[%get3A_383] {strides = array<i32>} : memref<128000xf32, #tpu.memory_space<vmem>>, vector<16xf32>,
      %neg3A_385 = arith.constant 0.000000e+00 : f32
      %neg3A_386 = vector.broadcast %neg3A_385 : f32 to vector<16xf32>
      %neg3A_387 = arith.subf %neg3A_386, %get3A_384 : vector<16xf32>
      %exp3A_388 = math.exp %neg3A_387 : vector<16xf32>
      %mul3A_389 = arith.mulf %exp3A_388, %broadcast_in_dim3A_3 : vector<16xf32>
      %add3A_390 = arith.addf %mul3A_389, %broadcast_in_dim3A_5 : vector<16xf32>
      %swap3A_391 = arith.index_cast %add3A_382 : i32 to index
      %swap3A_392 = tpu.vector_load %arg5[%swap3A_391] {strides = array<i32>} : memref<128000xf32, #tpu.memory_space<vmem>>, vector<16xf32>,
      tpu.vector_store %arg5[%swap3A_391], %add3A_390 {strides = array<i32>} : memref<128000xf32, #tpu.memory_space<vmem>>, vector<16xf32>,
      %add3A_393 = arith.constant 352 : i32
      %add3A_394 = arith.addi %mul3A_132, %add3A_393 : i32
      %get3A_395 = arith.index_cast %add3A_394 : i32 to index
      %get3A_396 = tpu.vector_load %arg5[%get3A_395] {strides = array<i32>} : memref<128000xf32, #tpu.memory_space<vmem>>, vector<16xf32>,
      %neg3A_397 = arith.constant 0.000000e+00 : f32
      %neg3A_398 = vector.broadcast %neg3A_397 : f32 to vector<16xf32>
      %neg3A_399 = arith.subf %neg3A_398, %get3A_396 : vector<16xf32>
      %exp3A_400 = math.exp %neg3A_399 : vector<16xf32>
      %mul3A_401 = arith.mulf %exp3A_400, %broadcast_in_dim3A_3 : vector<16xf32>
      %add3A_402 = arith.addf %mul3A_401, %broadcast_in_dim3A_5 : vector<16xf32>
      %swap3A_403 = arith.index_cast %add3A_394 : i32 to index
      %swap3A_404 = tpu.vector_load %arg5[%swap3A_403] {strides = array<i32>} : memref<128000xf32, #tpu.memory_space<vmem>>, vector<16xf32>,
      tpu.vector_store %arg5[%swap3A_403], %add3A_402 {strides = array<i32>} : memref<128000xf32, #tpu.memory_space<vmem>>, vector<16xf32>,
      %add3A_405 = arith.constant 368 : i32
      %add3A_406 = arith.addi %mul3A_132, %add3A_405 : i32
      %get3A_407 = arith.index_cast %add3A_406 : i32 to index
      %get3A_408 = tpu.vector_load %arg5[%get3A_407] {strides = array<i32>} : memref<128000xf32, #tpu.memory_space<vmem>>, vector<16xf32>,
      %neg3A_409 = arith.constant 0.000000e+00 : f32
      %neg3A_410 = vector.broadcast %neg3A_409 : f32 to vector<16xf32>
      %neg3A_411 = arith.subf %neg3A_410, %get3A_408 : vector<16xf32>
      %exp3A_412 = math.exp %neg3A_411 : vector<16xf32>
      %mul3A_413 = arith.mulf %exp3A_412, %broadcast_in_dim3A_3 : vector<16xf32>
      %add3A_414 = arith.addf %mul3A_413, %broadcast_in_dim3A_5 : vector<16xf32>
      %swap3A_415 = arith.index_cast %add3A_406 : i32 to index
      %swap3A_416 = tpu.vector_load %arg5[%swap3A_415] {strides = array<i32>} : memref<128000xf32, #tpu.memory_space<vmem>>, vector<16xf32>,
      tpu.vector_store %arg5[%swap3A_415], %add3A_414 {strides = array<i32>} : memref<128000xf32, #tpu.memory_space<vmem>>, vector<16xf32>,
      %add3A_417 = arith.constant 384 : i32
      %add3A_418 = arith.addi %mul3A_132, %add3A_417 : i32
      %get3A_419 = arith.index_cast %add3A_418 : i32 to index
      %get3A_420 = tpu.vector_load %arg5[%get3A_419] {strides = array<i32>} : memref<128000xf32, #tpu.memory_space<vmem>>, vector<16xf32>,
      %neg3A_421 = arith.constant 0.000000e+00 : f32
      %neg3A_422 = vector.broadcast %neg3A_421 : f32 to vector<16xf32>
      %neg3A_423 = arith.subf %neg3A_422, %get3A_420 : vector<16xf32>
      %exp3A_424 = math.exp %neg3A_423 : vector<16xf32>
      %mul3A_425 = arith.mulf %exp3A_424, %broadcast_in_dim3A_3 : vector<16xf32>
      %add3A_426 = arith.addf %mul3A_425, %broadcast_in_dim3A_5 : vector<16xf32>
      %swap3A_427 = arith.index_cast %add3A_418 : i32 to index
      %swap3A_428 = tpu.vector_load %arg5[%swap3A_427] {strides = array<i32>} : memref<128000xf32, #tpu.memory_space<vmem>>, vector<16xf32>,
      tpu.vector_store %arg5[%swap3A_427], %add3A_426 {strides = array<i32>} : memref<128000xf32, #tpu.memory_space<vmem>>, vector<16xf32>,
      %add3A_429 = arith.constant 400 : i32
      %add3A_430 = arith.addi %mul3A_132, %add3A_429 : i32
      %get3A_431 = arith.index_cast %add3A_430 : i32 to index
      %get3A_432 = tpu.vector_load %arg5[%get3A_431] {strides = array<i32>} : memref<128000xf32, #tpu.memory_space<vmem>>, vector<16xf32>,
      %neg3A_433 = arith.constant 0.000000e+00 : f32
      %neg3A_434 = vector.broadcast %neg3A_433 : f32 to vector<16xf32>
      %neg3A_435 = arith.subf %neg3A_434, %get3A_432 : vector<16xf32>
      %exp3A_436 = math.exp %neg3A_435 : vector<16xf32>
      %mul3A_437 = arith.mulf %exp3A_436, %broadcast_in_dim3A_3 : vector<16xf32>
      %add3A_438 = arith.addf %mul3A_437, %broadcast_in_dim3A_5 : vector<16xf32>
      %swap3A_439 = arith.index_cast %add3A_430 : i32 to index
      %swap3A_440 = tpu.vector_load %arg5[%swap3A_439] {strides = array<i32>} : memref<128000xf32, #tpu.memory_space<vmem>>, vector<16xf32>,
      tpu.vector_store %arg5[%swap3A_439], %add3A_438 {strides = array<i32>} : memref<128000xf32, #tpu.memory_space<vmem>>, vector<16xf32>,
      %add3A_441 = arith.constant 416 : i32
      %add3A_442 = arith.addi %mul3A_132, %add3A_441 : i32
      %get3A_443 = arith.index_cast %add3A_442 : i32 to index
      %get3A_444 = tpu.vector_load %arg5[%get3A_443] {strides = array<i32>} : memref<128000xf32, #tpu.memory_space<vmem>>, vector<16xf32>,
      %neg3A_445 = arith.constant 0.000000e+00 : f32
      %neg3A_446 = vector.broadcast %neg3A_445 : f32 to vector<16xf32>
      %neg3A_447 = arith.subf %neg3A_446, %get3A_444 : vector<16xf32>
      %exp3A_448 = math.exp %neg3A_447 : vector<16xf32>
      %mul3A_449 = arith.mulf %exp3A_448, %broadcast_in_dim3A_3 : vector<16xf32>
      %add3A_450 = arith.addf %mul3A_449, %broadcast_in_dim3A_5 : vector<16xf32>
      %swap3A_451 = arith.index_cast %add3A_442 : i32 to index
      %swap3A_452 = tpu.vector_load %arg5[%swap3A_451] {strides = array<i32>} : memref<128000xf32, #tpu.memory_space<vmem>>, vector<16xf32>,
      tpu.vector_store %arg5[%swap3A_451], %add3A_450 {strides = array<i32>} : memref<128000xf32, #tpu.memory_space<vmem>>, vector<16xf32>,
      %add3A_453 = arith.constant 432 : i32
      %add3A_454 = arith.addi %mul3A_132, %add3A_453 : i32
      %get3A_455 = arith.index_cast %add3A_454 : i32 to index
      %get3A_456 = tpu.vector_load %arg5[%get3A_455] {strides = array<i32>} : memref<128000xf32, #tpu.memory_space<vmem>>, vector<16xf32>,
      %neg3A_457 = arith.constant 0.000000e+00 : f32
      %neg3A_458 = vector.broadcast %neg3A_457 : f32 to vector<16xf32>
      %neg3A_459 = arith.subf %neg3A_458, %get3A_456 : vector<16xf32>
      %exp3A_460 = math.exp %neg3A_459 : vector<16xf32>
      %mul3A_461 = arith.mulf %exp3A_460, %broadcast_in_dim3A_3 : vector<16xf32>
      %add3A_462 = arith.addf %mul3A_461, %broadcast_in_dim3A_5 : vector<16xf32>
      %swap3A_463 = arith.index_cast %add3A_454 : i32 to index
      %swap3A_464 = tpu.vector_load %arg5[%swap3A_463] {strides = array<i32>} : memref<128000xf32, #tpu.memory_space<vmem>>, vector<16xf32>,
      tpu.vector_store %arg5[%swap3A_463], %add3A_462 {strides = array<i32>} : memref<128000xf32, #tpu.memory_space<vmem>>, vector<16xf32>,
      %add3A_465 = arith.constant 448 : i32
      %add3A_466 = arith.addi %mul3A_132, %add3A_465 : i32
      %get3A_467 = arith.index_cast %add3A_466 : i32 to index
      %get3A_468 = tpu.vector_load %arg5[%get3A_467] {strides = array<i32>} : memref<128000xf32, #tpu.memory_space<vmem>>, vector<16xf32>,
      %neg3A_469 = arith.constant 0.000000e+00 : f32
      %neg3A_470 = vector.broadcast %neg3A_469 : f32 to vector<16xf32>
      %neg3A_471 = arith.subf %neg3A_470, %get3A_468 : vector<16xf32>
      %exp3A_472 = math.exp %neg3A_471 : vector<16xf32>
      %mul3A_473 = arith.mulf %exp3A_472, %broadcast_in_dim3A_3 : vector<16xf32>
      %add3A_474 = arith.addf %mul3A_473, %broadcast_in_dim3A_5 : vector<16xf32>
      %swap3A_475 = arith.index_cast %add3A_466 : i32 to index
      %swap3A_476 = tpu.vector_load %arg5[%swap3A_475] {strides = array<i32>} : memref<128000xf32, #tpu.memory_space<vmem>>, vector<16xf32>,
      tpu.vector_store %arg5[%swap3A_475], %add3A_474 {strides = array<i32>} : memref<128000xf32, #tpu.memory_space<vmem>>, vector<16xf32>,
      %add3A_477 = arith.constant 464 : i32
      %add3A_478 = arith.addi %mul3A_132, %add3A_477 : i32
      %get3A_479 = arith.index_cast %add3A_478 : i32 to index
      %get3A_480 = tpu.vector_load %arg5[%get3A_479] {strides = array<i32>} : memref<128000xf32, #tpu.memory_space<vmem>>, vector<16xf32>,
      %neg3A_481 = arith.constant 0.000000e+00 : f32
      %neg3A_482 = vector.broadcast %neg3A_481 : f32 to vector<16xf32>
      %neg3A_483 = arith.subf %neg3A_482, %get3A_480 : vector<16xf32>
      %exp3A_484 = math.exp %neg3A_483 : vector<16xf32>
      %mul3A_485 = arith.mulf %exp3A_484, %broadcast_in_dim3A_3 : vector<16xf32>
      %add3A_486 = arith.addf %mul3A_485, %broadcast_in_dim3A_5 : vector<16xf32>
      %swap3A_487 = arith.index_cast %add3A_478 : i32 to index
      %swap3A_488 = tpu.vector_load %arg5[%swap3A_487] {strides = array<i32>} : memref<128000xf32, #tpu.memory_space<vmem>>, vector<16xf32>,
      tpu.vector_store %arg5[%swap3A_487], %add3A_486 {strides = array<i32>} : memref<128000xf32, #tpu.memory_space<vmem>>, vector<16xf32>,
      %add3A_489 = arith.constant 480 : i32
      %add3A_490 = arith.addi %mul3A_132, %add3A_489 : i32
      %get3A_491 = arith.index_cast %add3A_490 : i32 to index
      %get3A_492 = tpu.vector_load %arg5[%get3A_491] {strides = array<i32>} : memref<128000xf32, #tpu.memory_space<vmem>>, vector<16xf32>,
      %neg3A_493 = arith.constant 0.000000e+00 : f32
      %neg3A_494 = vector.broadcast %neg3A_493 : f32 to vector<16xf32>
      %neg3A_495 = arith.subf %neg3A_494, %get3A_492 : vector<16xf32>
      %exp3A_496 = math.exp %neg3A_495 : vector<16xf32>
      %mul3A_497 = arith.mulf %exp3A_496, %broadcast_in_dim3A_3 : vector<16xf32>
      %add3A_498 = arith.addf %mul3A_497, %broadcast_in_dim3A_5 : vector<16xf32>
      %swap3A_499 = arith.index_cast %add3A_490 : i32 to index
      %swap3A_500 = tpu.vector_load %arg5[%swap3A_499] {strides = array<i32>} : memref<128000xf32, #tpu.memory_space<vmem>>, vector<16xf32>,
      tpu.vector_store %arg5[%swap3A_499], %add3A_498 {strides = array<i32>} : memref<128000xf32, #tpu.memory_space<vmem>>, vector<16xf32>,
      %add3A_501 = arith.constant 496 : i32
      %add3A_502 = arith.addi %mul3A_132, %add3A_501 : i32
      %get3A_503 = arith.index_cast %add3A_502 : i32 to index
      %get3A_504 = tpu.vector_load %arg5[%get3A_503] {strides = array<i32>} : memref<128000xf32, #tpu.memory_space<vmem>>, vector<16xf32>,
      %neg3A_505 = arith.constant 0.000000e+00 : f32
      %neg3A_506 = vector.broadcast %neg3A_505 : f32 to vector<16xf32>
      %neg3A_507 = arith.subf %neg3A_506, %get3A_504 : vector<16xf32>
      %exp3A_508 = math.exp %neg3A_507 : vector<16xf32>
      %mul3A_509 = arith.mulf %exp3A_508, %broadcast_in_dim3A_3 : vector<16xf32>
      %add3A_510 = arith.addf %mul3A_509, %broadcast_in_dim3A_5 : vector<16xf32>
      %swap3A_511 = arith.index_cast %add3A_502 : i32 to index
      %swap3A_512 = tpu.vector_load %arg5[%swap3A_511] {strides = array<i32>} : memref<128000xf32, #tpu.memory_space<vmem>>, vector<16xf32>,
      tpu.vector_store %arg5[%swap3A_511], %add3A_510 {strides = array<i32>} : memref<128000xf32, #tpu.memory_space<vmem>>, vector<16xf32>,
      %scan3A_513 = arith.constant 0 : i32
      scf.yield %scan3A_513 : i32
    }
    %scan3A_56 = arith.constant 250 : i32
    %mul3A_57 = arith.constant 512000 : i32
    %mul3A_58 = arith.muli %select_n3A, %mul3A_57 : i32
    %mul3A_59 = arith.constant 6400 : i32
    %mul3A_60 = arith.muli %mul3A_28, %mul3A_59 : i32
    %add3A_61 = arith.addi %mul3A_58, %mul3A_60 : i32
    "tpu.region"() ({
      %run_scoped3A = tpu.sem_alloc : memref<!tpu.dma_semaphore, #tpu.memory_space<semaphore_mem>>
      %dma_start3A_129 = tpu.memref_slice %arg4[%add3A_61] : memref<8192000xf32, #tpu.memory_space<hbm>> -> memref<128000xf32, #tpu.memory_space<hbm>>
      %dma_start3A_130 = tpu.memref_slice %arg4[%add3A_61] : memref<8192000xf32, #tpu.memory_space<hbm>> -> memref<128000xf32, #tpu.memory_space<hbm>>
      tpu.enqueue_dma source(%arg5 : memref<128000xf32, #tpu.memory_space<vmem>>) target(%dma_start3A_130 : memref<128000xf32, #tpu.memory_space<hbm>>) target_semaphore(%run_scoped3A : memref<!tpu.dma_semaphore, #tpu.memory_space<semaphore_mem>>)
      %dma_wait3A = tpu.memref_slice %arg4[%add3A_61] : memref<8192000xf32, #tpu.memory_space<hbm>> -> memref<128000xf32, #tpu.memory_space<hbm>>
      %dma_wait3A_131 = tpu.memref_slice %arg4[%add3A_61] : memref<8192000xf32, #tpu.memory_space<hbm>> -> memref<128000xf32, #tpu.memory_space<hbm>>
      tpu.wait_dma2 semaphore(%run_scoped3A : memref<!tpu.dma_semaphore, #tpu.memory_space<semaphore_mem>>) src(%arg5 : memref<128000xf32, #tpu.memory_space<vmem>>) dst(%dma_wait3A_131 : memref<128000xf32, #tpu.memory_space<hbm>>)
      tpu.yield
    }) : () -> ()
    %add3A_62 = arith.constant 32 : i32
    %add3A_63 = arith.addi %add3A, %add3A_62 : i32
    %jit3A_64 = arith.constant 4 : i32
    %div3A_65 = arith.divsi %add3A_63, %jit3A_64 : i32
    %sign3A_66 = arith.constant 0 : i32
    %sign3A_67 = arith.cmpi sgt, %add3A_63, %sign3A_66 : i32
    %sign3A_68 = arith.extui %sign3A_67 : i1 to i32
    %sign3A_69 = arith.constant 0 : i32
    %sign3A_70 = arith.cmpi slt, %add3A_63, %sign3A_69 : i32
    %sign3A_71 = arith.extui %sign3A_70 : i1 to i32
    %sign3A_72 = arith.subi %sign3A_68, %sign3A_71 : i32
    %sign3A_73 = arith.constant 0 : i32
    %sign3A_74 = arith.cmpi sgt, %jit3A_64, %sign3A_73 : i32
    %sign3A_75 = arith.extui %sign3A_74 : i1 to i32
    %sign3A_76 = arith.constant 0 : i32
    %sign3A_77 = arith.cmpi slt, %jit3A_64, %sign3A_76 : i32
    %sign3A_78 = arith.extui %sign3A_77 : i1 to i32
    %sign3A_79 = arith.subi %sign3A_75, %sign3A_78 : i32
    %ne3A_80 = arith.cmpi ne, %sign3A_72, %sign3A_79 : i32
    %rem3A_81 = arith.remsi %add3A_63, %jit3A_64 : i32
    %ne3A_82 = arith.constant 0 : i32
    %ne3A_83 = arith.cmpi ne, %rem3A_81, %ne3A_82 : i32
    %and3A_84 = arith.andi %ne3A_80, %ne3A_83 : i1
    %sub3A_85 = arith.constant 1 : i32
    %sub3A_86 = arith.subi %div3A_65, %sub3A_85 : i32
    %select_n3A_87 = arith.select %and3A_84, %sub3A_86, %div3A_65 : i32
    %mul3A_88 = arith.constant 4 : i32
    %mul3A_89 = arith.muli %select_n3A_87, %mul3A_88 : i32
    %sub3A_90 = arith.subi %add3A_63, %mul3A_89 : i32
    %mul3A_91 = arith.constant 20 : i32
    %mul3A_92 = arith.muli %sub3A_90, %mul3A_91 : i32
    %broadcast_in_dim3A_93 = vector.broadcast %select_n3A_87 : i32 to vector<16xi32>
    %gather3A_94 = tpu.vector_load_idx %arg8[%broadcast_in_dim3A_93] : memref<16xi32, #tpu.memory_space<vmem>>[vector<16xi32>], vector<16xi32>,
    %scan3A_95 = arith.constant 0 : i32
    %scan3A_96 = arith.constant 0 : i32
    %scan3A_97 = arith.constant 250 : i32
    %scan3A_98 = arith.addi %scan3A_96, %scan3A_97 : i32
    %scan3A_99 = arith.constant 1 : i32
    %scan3A_100 = scf.for %scan3A_129 = %scan3A_96 to %scan3A_98 step %scan3A_99 iter_args(%scan3A_130 = %scan3A_95) -> (i32)  : i32 {
      %mul3A_131 = arith.constant 512 : i32
      %mul3A_132 = arith.muli %scan3A_129, %mul3A_131 : i32
      %add3A_133 = arith.constant 0 : i32
      %add3A_134 = arith.addi %mul3A_132, %add3A_133 : i32
      %swap3A = arith.index_cast %add3A_134 : i32 to index
      %swap3A_135 = tpu.vector_load %arg5[%swap3A] {strides = array<i32>} : memref<128000xf32, #tpu.memory_space<vmem>>, vector<16xf32>,
      tpu.vector_store %arg5[%swap3A], %broadcast_in_dim3A_1 {strides = array<i32>} : memref<128000xf32, #tpu.memory_space<vmem>>, vector<16xf32>,
      %add3A_136 = arith.constant 16 : i32
      %add3A_137 = arith.addi %mul3A_132, %add3A_136 : i32
      %swap3A_138 = arith.index_cast %add3A_137 : i32 to index
      %swap3A_139 = tpu.vector_load %arg5[%swap3A_138] {strides = array<i32>} : memref<128000xf32, #tpu.memory_space<vmem>>, vector<16xf32>,
      tpu.vector_store %arg5[%swap3A_138], %broadcast_in_dim3A_1 {strides = array<i32>} : memref<128000xf32, #tpu.memory_space<vmem>>, vector<16xf32>,
      %add3A_140 = arith.constant 32 : i32
      %add3A_141 = arith.addi %mul3A_132, %add3A_140 : i32
      %swap3A_142 = arith.index_cast %add3A_141 : i32 to index
      %swap3A_143 = tpu.vector_load %arg5[%swap3A_142] {strides = array<i32>} : memref<128000xf32, #tpu.memory_space<vmem>>, vector<16xf32>,
      tpu.vector_store %arg5[%swap3A_142], %broadcast_in_dim3A_1 {strides = array<i32>} : memref<128000xf32, #tpu.memory_space<vmem>>, vector<16xf32>,
      %add3A_144 = arith.constant 48 : i32
      %add3A_145 = arith.addi %mul3A_132, %add3A_144 : i32
      %swap3A_146 = arith.index_cast %add3A_145 : i32 to index
      %swap3A_147 = tpu.vector_load %arg5[%swap3A_146] {strides = array<i32>} : memref<128000xf32, #tpu.memory_space<vmem>>, vector<16xf32>,
      tpu.vector_store %arg5[%swap3A_146], %broadcast_in_dim3A_1 {strides = array<i32>} : memref<128000xf32, #tpu.memory_space<vmem>>, vector<16xf32>,
      %add3A_148 = arith.constant 64 : i32
      %add3A_149 = arith.addi %mul3A_132, %add3A_148 : i32
      %swap3A_150 = arith.index_cast %add3A_149 : i32 to index
      %swap3A_151 = tpu.vector_load %arg5[%swap3A_150] {strides = array<i32>} : memref<128000xf32, #tpu.memory_space<vmem>>, vector<16xf32>,
      tpu.vector_store %arg5[%swap3A_150], %broadcast_in_dim3A_1 {strides = array<i32>} : memref<128000xf32, #tpu.memory_space<vmem>>, vector<16xf32>,
      %add3A_152 = arith.constant 80 : i32
      %add3A_153 = arith.addi %mul3A_132, %add3A_152 : i32
      %swap3A_154 = arith.index_cast %add3A_153 : i32 to index
      %swap3A_155 = tpu.vector_load %arg5[%swap3A_154] {strides = array<i32>} : memref<128000xf32, #tpu.memory_space<vmem>>, vector<16xf32>,
      tpu.vector_store %arg5[%swap3A_154], %broadcast_in_dim3A_1 {strides = array<i32>} : memref<128000xf32, #tpu.memory_space<vmem>>, vector<16xf32>,
      %add3A_156 = arith.constant 96 : i32
      %add3A_157 = arith.addi %mul3A_132, %add3A_156 : i32
      %swap3A_158 = arith.index_cast %add3A_157 : i32 to index
      %swap3A_159 = tpu.vector_load %arg5[%swap3A_158] {strides = array<i32>} : memref<128000xf32, #tpu.memory_space<vmem>>, vector<16xf32>,
      tpu.vector_store %arg5[%swap3A_158], %broadcast_in_dim3A_1 {strides = array<i32>} : memref<128000xf32, #tpu.memory_space<vmem>>, vector<16xf32>,
      %add3A_160 = arith.constant 112 : i32
      %add3A_161 = arith.addi %mul3A_132, %add3A_160 : i32
      %swap3A_162 = arith.index_cast %add3A_161 : i32 to index
      %swap3A_163 = tpu.vector_load %arg5[%swap3A_162] {strides = array<i32>} : memref<128000xf32, #tpu.memory_space<vmem>>, vector<16xf32>,
      tpu.vector_store %arg5[%swap3A_162], %broadcast_in_dim3A_1 {strides = array<i32>} : memref<128000xf32, #tpu.memory_space<vmem>>, vector<16xf32>,
      %add3A_164 = arith.constant 128 : i32
      %add3A_165 = arith.addi %mul3A_132, %add3A_164 : i32
      %swap3A_166 = arith.index_cast %add3A_165 : i32 to index
      %swap3A_167 = tpu.vector_load %arg5[%swap3A_166] {strides = array<i32>} : memref<128000xf32, #tpu.memory_space<vmem>>, vector<16xf32>,
      tpu.vector_store %arg5[%swap3A_166], %broadcast_in_dim3A_1 {strides = array<i32>} : memref<128000xf32, #tpu.memory_space<vmem>>, vector<16xf32>,
      %add3A_168 = arith.constant 144 : i32
      %add3A_169 = arith.addi %mul3A_132, %add3A_168 : i32
      %swap3A_170 = arith.index_cast %add3A_169 : i32 to index
      %swap3A_171 = tpu.vector_load %arg5[%swap3A_170] {strides = array<i32>} : memref<128000xf32, #tpu.memory_space<vmem>>, vector<16xf32>,
      tpu.vector_store %arg5[%swap3A_170], %broadcast_in_dim3A_1 {strides = array<i32>} : memref<128000xf32, #tpu.memory_space<vmem>>, vector<16xf32>,
      %add3A_172 = arith.constant 160 : i32
      %add3A_173 = arith.addi %mul3A_132, %add3A_172 : i32
      %swap3A_174 = arith.index_cast %add3A_173 : i32 to index
      %swap3A_175 = tpu.vector_load %arg5[%swap3A_174] {strides = array<i32>} : memref<128000xf32, #tpu.memory_space<vmem>>, vector<16xf32>,
      tpu.vector_store %arg5[%swap3A_174], %broadcast_in_dim3A_1 {strides = array<i32>} : memref<128000xf32, #tpu.memory_space<vmem>>, vector<16xf32>,
      %add3A_176 = arith.constant 176 : i32
      %add3A_177 = arith.addi %mul3A_132, %add3A_176 : i32
      %swap3A_178 = arith.index_cast %add3A_177 : i32 to index
      %swap3A_179 = tpu.vector_load %arg5[%swap3A_178] {strides = array<i32>} : memref<128000xf32, #tpu.memory_space<vmem>>, vector<16xf32>,
      tpu.vector_store %arg5[%swap3A_178], %broadcast_in_dim3A_1 {strides = array<i32>} : memref<128000xf32, #tpu.memory_space<vmem>>, vector<16xf32>,
      %add3A_180 = arith.constant 192 : i32
      %add3A_181 = arith.addi %mul3A_132, %add3A_180 : i32
      %swap3A_182 = arith.index_cast %add3A_181 : i32 to index
      %swap3A_183 = tpu.vector_load %arg5[%swap3A_182] {strides = array<i32>} : memref<128000xf32, #tpu.memory_space<vmem>>, vector<16xf32>,
      tpu.vector_store %arg5[%swap3A_182], %broadcast_in_dim3A_1 {strides = array<i32>} : memref<128000xf32, #tpu.memory_space<vmem>>, vector<16xf32>,
      %add3A_184 = arith.constant 208 : i32
      %add3A_185 = arith.addi %mul3A_132, %add3A_184 : i32
      %swap3A_186 = arith.index_cast %add3A_185 : i32 to index
      %swap3A_187 = tpu.vector_load %arg5[%swap3A_186] {strides = array<i32>} : memref<128000xf32, #tpu.memory_space<vmem>>, vector<16xf32>,
      tpu.vector_store %arg5[%swap3A_186], %broadcast_in_dim3A_1 {strides = array<i32>} : memref<128000xf32, #tpu.memory_space<vmem>>, vector<16xf32>,
      %add3A_188 = arith.constant 224 : i32
      %add3A_189 = arith.addi %mul3A_132, %add3A_188 : i32
      %swap3A_190 = arith.index_cast %add3A_189 : i32 to index
      %swap3A_191 = tpu.vector_load %arg5[%swap3A_190] {strides = array<i32>} : memref<128000xf32, #tpu.memory_space<vmem>>, vector<16xf32>,
      tpu.vector_store %arg5[%swap3A_190], %broadcast_in_dim3A_1 {strides = array<i32>} : memref<128000xf32, #tpu.memory_space<vmem>>, vector<16xf32>,
      %add3A_192 = arith.constant 240 : i32
      %add3A_193 = arith.addi %mul3A_132, %add3A_192 : i32
      %swap3A_194 = arith.index_cast %add3A_193 : i32 to index
      %swap3A_195 = tpu.vector_load %arg5[%swap3A_194] {strides = array<i32>} : memref<128000xf32, #tpu.memory_space<vmem>>, vector<16xf32>,
      tpu.vector_store %arg5[%swap3A_194], %broadcast_in_dim3A_1 {strides = array<i32>} : memref<128000xf32, #tpu.memory_space<vmem>>, vector<16xf32>,
      %add3A_196 = arith.constant 256 : i32
      %add3A_197 = arith.addi %mul3A_132, %add3A_196 : i32
      %swap3A_198 = arith.index_cast %add3A_197 : i32 to index
      %swap3A_199 = tpu.vector_load %arg5[%swap3A_198] {strides = array<i32>} : memref<128000xf32, #tpu.memory_space<vmem>>, vector<16xf32>,
      tpu.vector_store %arg5[%swap3A_198], %broadcast_in_dim3A_1 {strides = array<i32>} : memref<128000xf32, #tpu.memory_space<vmem>>, vector<16xf32>,
      %add3A_200 = arith.constant 272 : i32
      %add3A_201 = arith.addi %mul3A_132, %add3A_200 : i32
      %swap3A_202 = arith.index_cast %add3A_201 : i32 to index
      %swap3A_203 = tpu.vector_load %arg5[%swap3A_202] {strides = array<i32>} : memref<128000xf32, #tpu.memory_space<vmem>>, vector<16xf32>,
      tpu.vector_store %arg5[%swap3A_202], %broadcast_in_dim3A_1 {strides = array<i32>} : memref<128000xf32, #tpu.memory_space<vmem>>, vector<16xf32>,
      %add3A_204 = arith.constant 288 : i32
      %add3A_205 = arith.addi %mul3A_132, %add3A_204 : i32
      %swap3A_206 = arith.index_cast %add3A_205 : i32 to index
      %swap3A_207 = tpu.vector_load %arg5[%swap3A_206] {strides = array<i32>} : memref<128000xf32, #tpu.memory_space<vmem>>, vector<16xf32>,
      tpu.vector_store %arg5[%swap3A_206], %broadcast_in_dim3A_1 {strides = array<i32>} : memref<128000xf32, #tpu.memory_space<vmem>>, vector<16xf32>,
      %add3A_208 = arith.constant 304 : i32
      %add3A_209 = arith.addi %mul3A_132, %add3A_208 : i32
      %swap3A_210 = arith.index_cast %add3A_209 : i32 to index
      %swap3A_211 = tpu.vector_load %arg5[%swap3A_210] {strides = array<i32>} : memref<128000xf32, #tpu.memory_space<vmem>>, vector<16xf32>,
      tpu.vector_store %arg5[%swap3A_210], %broadcast_in_dim3A_1 {strides = array<i32>} : memref<128000xf32, #tpu.memory_space<vmem>>, vector<16xf32>,
      %add3A_212 = arith.constant 320 : i32
      %add3A_213 = arith.addi %mul3A_132, %add3A_212 : i32
      %swap3A_214 = arith.index_cast %add3A_213 : i32 to index
      %swap3A_215 = tpu.vector_load %arg5[%swap3A_214] {strides = array<i32>} : memref<128000xf32, #tpu.memory_space<vmem>>, vector<16xf32>,
      tpu.vector_store %arg5[%swap3A_214], %broadcast_in_dim3A_1 {strides = array<i32>} : memref<128000xf32, #tpu.memory_space<vmem>>, vector<16xf32>,
      %add3A_216 = arith.constant 336 : i32
      %add3A_217 = arith.addi %mul3A_132, %add3A_216 : i32
      %swap3A_218 = arith.index_cast %add3A_217 : i32 to index
      %swap3A_219 = tpu.vector_load %arg5[%swap3A_218] {strides = array<i32>} : memref<128000xf32, #tpu.memory_space<vmem>>, vector<16xf32>,
      tpu.vector_store %arg5[%swap3A_218], %broadcast_in_dim3A_1 {strides = array<i32>} : memref<128000xf32, #tpu.memory_space<vmem>>, vector<16xf32>,
      %add3A_220 = arith.constant 352 : i32
      %add3A_221 = arith.addi %mul3A_132, %add3A_220 : i32
      %swap3A_222 = arith.index_cast %add3A_221 : i32 to index
      %swap3A_223 = tpu.vector_load %arg5[%swap3A_222] {strides = array<i32>} : memref<128000xf32, #tpu.memory_space<vmem>>, vector<16xf32>,
      tpu.vector_store %arg5[%swap3A_222], %broadcast_in_dim3A_1 {strides = array<i32>} : memref<128000xf32, #tpu.memory_space<vmem>>, vector<16xf32>,
      %add3A_224 = arith.constant 368 : i32
      %add3A_225 = arith.addi %mul3A_132, %add3A_224 : i32
      %swap3A_226 = arith.index_cast %add3A_225 : i32 to index
      %swap3A_227 = tpu.vector_load %arg5[%swap3A_226] {strides = array<i32>} : memref<128000xf32, #tpu.memory_space<vmem>>, vector<16xf32>,
      tpu.vector_store %arg5[%swap3A_226], %broadcast_in_dim3A_1 {strides = array<i32>} : memref<128000xf32, #tpu.memory_space<vmem>>, vector<16xf32>,
      %add3A_228 = arith.constant 384 : i32
      %add3A_229 = arith.addi %mul3A_132, %add3A_228 : i32
      %swap3A_230 = arith.index_cast %add3A_229 : i32 to index
      %swap3A_231 = tpu.vector_load %arg5[%swap3A_230] {strides = array<i32>} : memref<128000xf32, #tpu.memory_space<vmem>>, vector<16xf32>,
      tpu.vector_store %arg5[%swap3A_230], %broadcast_in_dim3A_1 {strides = array<i32>} : memref<128000xf32, #tpu.memory_space<vmem>>, vector<16xf32>,
      %add3A_232 = arith.constant 400 : i32
      %add3A_233 = arith.addi %mul3A_132, %add3A_232 : i32
      %swap3A_234 = arith.index_cast %add3A_233 : i32 to index
      %swap3A_235 = tpu.vector_load %arg5[%swap3A_234] {strides = array<i32>} : memref<128000xf32, #tpu.memory_space<vmem>>, vector<16xf32>,
      tpu.vector_store %arg5[%swap3A_234], %broadcast_in_dim3A_1 {strides = array<i32>} : memref<128000xf32, #tpu.memory_space<vmem>>, vector<16xf32>,
      %add3A_236 = arith.constant 416 : i32
      %add3A_237 = arith.addi %mul3A_132, %add3A_236 : i32
      %swap3A_238 = arith.index_cast %add3A_237 : i32 to index
      %swap3A_239 = tpu.vector_load %arg5[%swap3A_238] {strides = array<i32>} : memref<128000xf32, #tpu.memory_space<vmem>>, vector<16xf32>,
      tpu.vector_store %arg5[%swap3A_238], %broadcast_in_dim3A_1 {strides = array<i32>} : memref<128000xf32, #tpu.memory_space<vmem>>, vector<16xf32>,
      %add3A_240 = arith.constant 432 : i32
      %add3A_241 = arith.addi %mul3A_132, %add3A_240 : i32
      %swap3A_242 = arith.index_cast %add3A_241 : i32 to index
      %swap3A_243 = tpu.vector_load %arg5[%swap3A_242] {strides = array<i32>} : memref<128000xf32, #tpu.memory_space<vmem>>, vector<16xf32>,
      tpu.vector_store %arg5[%swap3A_242], %broadcast_in_dim3A_1 {strides = array<i32>} : memref<128000xf32, #tpu.memory_space<vmem>>, vector<16xf32>,
      %add3A_244 = arith.constant 448 : i32
      %add3A_245 = arith.addi %mul3A_132, %add3A_244 : i32
      %swap3A_246 = arith.index_cast %add3A_245 : i32 to index
      %swap3A_247 = tpu.vector_load %arg5[%swap3A_246] {strides = array<i32>} : memref<128000xf32, #tpu.memory_space<vmem>>, vector<16xf32>,
      tpu.vector_store %arg5[%swap3A_246], %broadcast_in_dim3A_1 {strides = array<i32>} : memref<128000xf32, #tpu.memory_space<vmem>>, vector<16xf32>,
      %add3A_248 = arith.constant 464 : i32
      %add3A_249 = arith.addi %mul3A_132, %add3A_248 : i32
      %swap3A_250 = arith.index_cast %add3A_249 : i32 to index
      %swap3A_251 = tpu.vector_load %arg5[%swap3A_250] {strides = array<i32>} : memref<128000xf32, #tpu.memory_space<vmem>>, vector<16xf32>,
      tpu.vector_store %arg5[%swap3A_250], %broadcast_in_dim3A_1 {strides = array<i32>} : memref<128000xf32, #tpu.memory_space<vmem>>, vector<16xf32>,
      %add3A_252 = arith.constant 480 : i32
      %add3A_253 = arith.addi %mul3A_132, %add3A_252 : i32
      %swap3A_254 = arith.index_cast %add3A_253 : i32 to index
      %swap3A_255 = tpu.vector_load %arg5[%swap3A_254] {strides = array<i32>} : memref<128000xf32, #tpu.memory_space<vmem>>, vector<16xf32>,
      tpu.vector_store %arg5[%swap3A_254], %broadcast_in_dim3A_1 {strides = array<i32>} : memref<128000xf32, #tpu.memory_space<vmem>>, vector<16xf32>,
      %add3A_256 = arith.constant 496 : i32
      %add3A_257 = arith.addi %mul3A_132, %add3A_256 : i32
      %swap3A_258 = arith.index_cast %add3A_257 : i32 to index
      %swap3A_259 = tpu.vector_load %arg5[%swap3A_258] {strides = array<i32>} : memref<128000xf32, #tpu.memory_space<vmem>>, vector<16xf32>,
      tpu.vector_store %arg5[%swap3A_258], %broadcast_in_dim3A_1 {strides = array<i32>} : memref<128000xf32, #tpu.memory_space<vmem>>, vector<16xf32>,
      %scan3A_260 = arith.constant 0 : i32
      scf.yield %scan3A_260 : i32
    }
    %scan3A_101 = arith.constant 250 : i32
    %mul3A_102 = arith.constant 256 : i32
    %mul3A_103 = arith.muli %select_n3A_87, %mul3A_102 : i32
    %add3A_104 = arith.constant 0 : i32
    %add3A_105 = arith.addi %mul3A_103, %add3A_104 : i32
    %dma_start3A_106 = arith.constant 0 : i32
    %dma_start3A_107 = tpu.memref_slice %arg2[%add3A_105, %dma_start3A_106] : memref<4096x128xf32, #tpu.memory_space<hbm>> -> memref<8x128xf32, #tpu.memory_space<hbm>>
    %dma_start3A_108 = arith.constant 0 : i32
    %dma_start3A_109 = tpu.memref_slice %arg2[%add3A_105, %dma_start3A_108] : memref<4096x128xf32, #tpu.memory_space<hbm>> -> memref<8x128xf32, #tpu.memory_space<hbm>>
    tpu.enqueue_dma source(%dma_start3A_109 : memref<8x128xf32, #tpu.memory_space<hbm>>) target(%arg6 : memref<8x128xf32, #tpu.memory_space<vmem>>) target_semaphore(%arg9 : memref<!tpu.dma_semaphore, #tpu.memory_space<semaphore_mem>>)
    %scan3A_110 = arith.constant 0 : i32
    %scan3A_111 = arith.constant 0 : i32
    %scan3A_112 = arith.constant 16 : i32
    %scan3A_113 = arith.addi %scan3A_111, %scan3A_112 : i32
    %scan3A_114 = arith.constant 1 : i32
    %scan3A_115 = scf.for %scan3A_129 = %scan3A_111 to %scan3A_113 step %scan3A_114 iter_args(%scan3A_130 = %scan3A_110) -> (i32)  : i32 {
      %mul3A_131 = arith.constant 2 : i32
      %mul3A_132 = arith.muli %mul3A_131, %scan3A_129 : i32
      %add3A_133 = arith.constant 1 : i32
      %add3A_134 = arith.addi %mul3A_132, %add3A_133 : i32
      %mul3A_135 = arith.constant 256 : i32
      %mul3A_136 = arith.muli %select_n3A_87, %mul3A_135 : i32
      %mul3A_137 = arith.constant 8 : i32
      %mul3A_138 = arith.muli %add3A_134, %mul3A_137 : i32
      %add3A_139 = arith.addi %mul3A_136, %mul3A_138 : i32
      %dma_start3A_140 = arith.constant 0 : i32
      %dma_start3A_141 = tpu.memref_slice %arg2[%add3A_139, %dma_start3A_140] : memref<4096x128xf32, #tpu.memory_space<hbm>> -> memref<8x128xf32, #tpu.memory_space<hbm>>
      %dma_start3A_142 = arith.constant 0 : i32
      %dma_start3A_143 = tpu.memref_slice %arg2[%add3A_139, %dma_start3A_142] : memref<4096x128xf32, #tpu.memory_space<hbm>> -> memref<8x128xf32, #tpu.memory_space<hbm>>
      tpu.enqueue_dma source(%dma_start3A_143 : memref<8x128xf32, #tpu.memory_space<hbm>>) target(%arg7 : memref<8x128xf32, #tpu.memory_space<vmem>>) target_semaphore(%arg10 : memref<!tpu.dma_semaphore, #tpu.memory_space<semaphore_mem>>)
      %mul3A_144 = arith.constant 256 : i32
      %mul3A_145 = arith.muli %select_n3A_87, %mul3A_144 : i32
      %mul3A_146 = arith.constant 8 : i32
      %mul3A_147 = arith.muli %mul3A_132, %mul3A_146 : i32
      %add3A_148 = arith.addi %mul3A_145, %mul3A_147 : i32
      %dma_wait3A = arith.constant 0 : i32
      %dma_wait3A_149 = tpu.memref_slice %arg2[%add3A_148, %dma_wait3A] : memref<4096x128xf32, #tpu.memory_space<hbm>> -> memref<8x128xf32, #tpu.memory_space<hbm>>
      %dma_wait3A_150 = arith.constant 0 : i32
      %dma_wait3A_151 = tpu.memref_slice %arg2[%add3A_148, %dma_wait3A_150] : memref<4096x128xf32, #tpu.memory_space<hbm>> -> memref<8x128xf32, #tpu.memory_space<hbm>>
      tpu.wait_dma2 semaphore(%arg9 : memref<!tpu.dma_semaphore, #tpu.memory_space<semaphore_mem>>) src(%dma_wait3A_151 : memref<8x128xf32, #tpu.memory_space<hbm>>) dst(%arg6 : memref<8x128xf32, #tpu.memory_space<vmem>>)
      %scan3A_152 = arith.constant 0 : i32
      %scan3A_153 = arith.constant 0 : i32
      %scan3A_154 = arith.constant 16 : i32
      %scan3A_155 = arith.addi %scan3A_153, %scan3A_154 : i32
      %scan3A_156 = arith.constant 1 : i32
      %scan3A_157 = scf.for %scan3A_178 = %scan3A_153 to %scan3A_155 step %scan3A_156 iter_args(%scan3A_179 = %scan3A_152) -> (i32)  : i32 {
        %mul3A_180 = arith.constant 16 : i32
        %mul3A_181 = arith.muli %scan3A_178, %mul3A_180 : i32
        %add3A_182 = vector.broadcast %mul3A_181 : i32 to vector<16xi32>
        %add3A_183 = arith.addi %iota3A, %add3A_182 : vector<16xi32>
        %mul3A_184 = arith.constant 256 : i32
        %mul3A_185 = arith.muli %mul3A_132, %mul3A_184 : i32
        %add3A_186 = vector.broadcast %mul3A_185 : i32 to vector<16xi32>
        %add3A_187 = arith.addi %add3A_183, %add3A_186 : vector<16xi32>
        %mul3A_188 = arith.constant 3 : i32
        %mul3A_189 = vector.broadcast %mul3A_188 : i32 to vector<16xi32>
        %mul3A_190 = arith.muli %add3A_183, %mul3A_189 : vector<16xi32>
        %shift_right_arithmetic3A = arith.constant 7 : i32
        %shift_right_arithmetic3A_191 = vector.broadcast %shift_right_arithmetic3A : i32 to vector<16xi32>
        %shift_right_arithmetic3A_192 = arith.shrsi %mul3A_190, %shift_right_arithmetic3A_191 : vector<16xi32>
        %and3A_193 = arith.constant 127 : i32
        %and3A_194 = vector.broadcast %and3A_193 : i32 to vector<16xi32>
        %and3A_195 = arith.andi %mul3A_190, %and3A_194 : vector<16xi32>
        %gather3A_196 = tpu.vector_load_idx %arg6[%shift_right_arithmetic3A_192, %and3A_195] : memref<8x128xf32, #tpu.memory_space<vmem>>[vector<16xi32>, vector<16xi32>], vector<16xf32>,
        %add3A_197 = arith.constant 1 : i32
        %add3A_198 = vector.broadcast %add3A_197 : i32 to vector<16xi32>
        %add3A_199 = arith.addi %mul3A_190, %add3A_198 : vector<16xi32>
        %shift_right_arithmetic3A_200 = arith.constant 7 : i32
        %shift_right_arithmetic3A_201 = vector.broadcast %shift_right_arithmetic3A_200 : i32 to vector<16xi32>
        %shift_right_arithmetic3A_202 = arith.shrsi %add3A_199, %shift_right_arithmetic3A_201 : vector<16xi32>
        %and3A_203 = arith.constant 127 : i32
        %and3A_204 = vector.broadcast %and3A_203 : i32 to vector<16xi32>
        %and3A_205 = arith.andi %add3A_199, %and3A_204 : vector<16xi32>
        %gather3A_206 = tpu.vector_load_idx %arg6[%shift_right_arithmetic3A_202, %and3A_205] : memref<8x128xf32, #tpu.memory_space<vmem>>[vector<16xi32>, vector<16xi32>], vector<16xf32>,
        %add3A_207 = arith.constant 2 : i32
        %add3A_208 = vector.broadcast %add3A_207 : i32 to vector<16xi32>
        %add3A_209 = arith.addi %mul3A_190, %add3A_208 : vector<16xi32>
        %shift_right_arithmetic3A_210 = arith.constant 7 : i32
        %shift_right_arithmetic3A_211 = vector.broadcast %shift_right_arithmetic3A_210 : i32 to vector<16xi32>
        %shift_right_arithmetic3A_212 = arith.shrsi %add3A_209, %shift_right_arithmetic3A_211 : vector<16xi32>
        %and3A_213 = arith.constant 127 : i32
        %and3A_214 = vector.broadcast %and3A_213 : i32 to vector<16xi32>
        %and3A_215 = arith.andi %add3A_209, %and3A_214 : vector<16xi32>
        %gather3A_216 = tpu.vector_load_idx %arg6[%shift_right_arithmetic3A_212, %and3A_215] : memref<8x128xf32, #tpu.memory_space<vmem>>[vector<16xi32>, vector<16xi32>], vector<16xf32>,
        %shift_right_arithmetic3A_217 = arith.constant 7 : i32
        %shift_right_arithmetic3A_218 = vector.broadcast %shift_right_arithmetic3A_217 : i32 to vector<16xi32>
        %shift_right_arithmetic3A_219 = arith.shrsi %add3A_183, %shift_right_arithmetic3A_218 : vector<16xi32>
        %add3A_220 = arith.constant 6 : i32
        %add3A_221 = vector.broadcast %add3A_220 : i32 to vector<16xi32>
        %add3A_222 = arith.addi %shift_right_arithmetic3A_219, %add3A_221 : vector<16xi32>
        %and3A_223 = arith.constant 127 : i32
        %and3A_224 = vector.broadcast %and3A_223 : i32 to vector<16xi32>
        %and3A_225 = arith.andi %add3A_183, %and3A_224 : vector<16xi32>
        %gather3A_226 = tpu.vector_load_idx %arg6[%add3A_222, %and3A_225] : memref<8x128xf32, #tpu.memory_space<vmem>>[vector<16xi32>, vector<16xi32>], vector<16xf32>,
        %convert_element_type3A_227 = arith.fptosi %gather3A_196 : vector<16xf32> to vector<16xi32>
        %convert_element_type3A_228 = arith.fptosi %gather3A_206 : vector<16xf32> to vector<16xi32>
        %convert_element_type3A_229 = arith.fptosi %gather3A_216 : vector<16xf32> to vector<16xi32>
        %convert_element_type3A_230 = arith.sitofp %convert_element_type3A_227 : vector<16xi32> to vector<16xf32>
        %sub3A_231 = arith.subf %gather3A_196, %convert_element_type3A_230 : vector<16xf32>
        %convert_element_type3A_232 = arith.sitofp %convert_element_type3A_228 : vector<16xi32> to vector<16xf32>
        %sub3A_233 = arith.subf %gather3A_206, %convert_element_type3A_232 : vector<16xf32>
        %convert_element_type3A_234 = arith.sitofp %convert_element_type3A_229 : vector<16xi32> to vector<16xf32>
        %sub3A_235 = arith.subf %gather3A_216, %convert_element_type3A_234 : vector<16xf32>
        %lt3A_236 = arith.cmpi slt, %add3A_187, %gather3A_94 : vector<16xi32>
        %ge3A = vector.broadcast %mul3A_92 : i32 to vector<16xi32>
        %ge3A_237 = arith.cmpi sge, %convert_element_type3A_227, %ge3A : vector<16xi32>
        %and3A_238 = arith.andi %lt3A_236, %ge3A_237 : vector<16xi1>
        %add3A_239 = arith.constant 20 : i32
        %add3A_240 = arith.addi %mul3A_92, %add3A_239 : i32
        %lt3A_241 = vector.broadcast %add3A_240 : i32 to vector<16xi32>
        %lt3A_242 = arith.cmpi slt, %convert_element_type3A_227, %lt3A_241 : vector<16xi32>
        %and3A_243 = arith.andi %and3A_238, %lt3A_242 : vector<16xi1>
        %add3A_244 = arith.constant 1 : i32
        %add3A_245 = vector.broadcast %add3A_244 : i32 to vector<16xi32>
        %add3A_246 = arith.addi %convert_element_type3A_227, %add3A_245 : vector<16xi32>
        %ge3A_247 = vector.broadcast %mul3A_92 : i32 to vector<16xi32>
        %ge3A_248 = arith.cmpi sge, %add3A_246, %ge3A_247 : vector<16xi32>
        %and3A_249 = arith.andi %lt3A_236, %ge3A_248 : vector<16xi1>
        %add3A_250 = arith.constant 20 : i32
        %add3A_251 = arith.addi %mul3A_92, %add3A_250 : i32
        %lt3A_252 = vector.broadcast %add3A_251 : i32 to vector<16xi32>
        %lt3A_253 = arith.cmpi slt, %add3A_246, %lt3A_252 : vector<16xi32>
        %and3A_254 = arith.andi %and3A_249, %lt3A_253 : vector<16xi1>
        %sub3A_255 = vector.broadcast %mul3A_92 : i32 to vector<16xi32>
        %sub3A_256 = arith.subi %convert_element_type3A_227, %sub3A_255 : vector<16xi32>
        %jit3A_257 = arith.constant 0 : i32
        %jit3A_258 = arith.constant 19 : i32
        %max3A = vector.broadcast %jit3A_257 : i32 to vector<16xi32>
        %max3A_259 = arith.maxsi %max3A, %sub3A_256 : vector<16xi32>
        %min3A = vector.broadcast %jit3A_258 : i32 to vector<16xi32>
        %min3A_260 = arith.minsi %min3A, %max3A_259 : vector<16xi32>
        %mul3A_261 = arith.constant 6400 : i32
        %mul3A_262 = vector.broadcast %mul3A_261 : i32 to vector<16xi32>
        %mul3A_263 = arith.muli %min3A_260, %mul3A_262 : vector<16xi32>
        %sub3A_264 = vector.broadcast %mul3A_92 : i32 to vector<16xi32>
        %sub3A_265 = arith.subi %add3A_246, %sub3A_264 : vector<16xi32>
        %jit3A_266 = arith.constant 0 : i32
        %jit3A_267 = arith.constant 19 : i32
        %max3A_268 = vector.broadcast %jit3A_266 : i32 to vector<16xi32>
        %max3A_269 = arith.maxsi %max3A_268, %sub3A_265 : vector<16xi32>
        %min3A_270 = vector.broadcast %jit3A_267 : i32 to vector<16xi32>
        %min3A_271 = arith.minsi %min3A_270, %max3A_269 : vector<16xi32>
        %mul3A_272 = arith.constant 6400 : i32
        %mul3A_273 = vector.broadcast %mul3A_272 : i32 to vector<16xi32>
        %mul3A_274 = arith.muli %min3A_271, %mul3A_273 : vector<16xi32>
        %mul3A_275 = arith.constant 80 : i32
        %mul3A_276 = vector.broadcast %mul3A_275 : i32 to vector<16xi32>
        %mul3A_277 = arith.muli %convert_element_type3A_228, %mul3A_276 : vector<16xi32>
        %add3A_278 = arith.constant 80 : i32
        %add3A_279 = vector.broadcast %add3A_278 : i32 to vector<16xi32>
        %add3A_280 = arith.addi %mul3A_277, %add3A_279 : vector<16xi32>
        %sub3A_281 = arith.subf %broadcast_in_dim3A_7, %sub3A_231 : vector<16xf32>
        %mul3A_282 = arith.mulf %gather3A_226, %sub3A_281 : vector<16xf32>
        %mul3A_283 = arith.mulf %gather3A_226, %sub3A_231 : vector<16xf32>
        %sub3A_284 = arith.subf %broadcast_in_dim3A_7, %sub3A_233 : vector<16xf32>
        %sub3A_285 = arith.subf %broadcast_in_dim3A_7, %sub3A_235 : vector<16xf32>
        %mul3A_286 = arith.mulf %mul3A_282, %sub3A_284 : vector<16xf32>
        %mul3A_287 = arith.mulf %mul3A_282, %sub3A_233 : vector<16xf32>
        %mul3A_288 = arith.mulf %mul3A_283, %sub3A_284 : vector<16xf32>
        %mul3A_289 = arith.mulf %mul3A_283, %sub3A_233 : vector<16xf32>
        %add3A_290 = arith.addi %mul3A_263, %mul3A_277 : vector<16xi32>
        %add3A_291 = arith.addi %add3A_290, %convert_element_type3A_229 : vector<16xi32>
        %add3A_292 = arith.addi %mul3A_263, %add3A_280 : vector<16xi32>
        %add3A_293 = arith.addi %add3A_292, %convert_element_type3A_229 : vector<16xi32>
        %add3A_294 = arith.addi %mul3A_274, %mul3A_277 : vector<16xi32>
        %add3A_295 = arith.addi %add3A_294, %convert_element_type3A_229 : vector<16xi32>
        %add3A_296 = arith.addi %mul3A_274, %add3A_280 : vector<16xi32>
        %add3A_297 = arith.addi %add3A_296, %convert_element_type3A_229 : vector<16xi32>
        %mul3A_298 = arith.mulf %mul3A_286, %sub3A_285 : vector<16xf32>
        tpu.vector_store_idx %arg5[%add3A_291], %mul3A_298 masked %and3A_243 {add = true} : memref<128000xf32, #tpu.memory_space<vmem>>[vector<16xi32>], vector<16xf32>, vector<16xi1>
        %add3A_299 = arith.constant 1 : i32
        %add3A_300 = vector.broadcast %add3A_299 : i32 to vector<16xi32>
        %add3A_301 = arith.addi %add3A_291, %add3A_300 : vector<16xi32>
        %mul3A_302 = arith.mulf %mul3A_286, %sub3A_235 : vector<16xf32>
        tpu.vector_store_idx %arg5[%add3A_301], %mul3A_302 masked %and3A_243 {add = true} : memref<128000xf32, #tpu.memory_space<vmem>>[vector<16xi32>], vector<16xf32>, vector<16xi1>
        %mul3A_303 = arith.mulf %mul3A_287, %sub3A_285 : vector<16xf32>
        tpu.vector_store_idx %arg5[%add3A_293], %mul3A_303 masked %and3A_243 {add = true} : memref<128000xf32, #tpu.memory_space<vmem>>[vector<16xi32>], vector<16xf32>, vector<16xi1>
        %add3A_304 = arith.constant 1 : i32
        %add3A_305 = vector.broadcast %add3A_304 : i32 to vector<16xi32>
        %add3A_306 = arith.addi %add3A_293, %add3A_305 : vector<16xi32>
        %mul3A_307 = arith.mulf %mul3A_287, %sub3A_235 : vector<16xf32>
        tpu.vector_store_idx %arg5[%add3A_306], %mul3A_307 masked %and3A_243 {add = true} : memref<128000xf32, #tpu.memory_space<vmem>>[vector<16xi32>], vector<16xf32>, vector<16xi1>
        %mul3A_308 = arith.mulf %mul3A_288, %sub3A_285 : vector<16xf32>
        tpu.vector_store_idx %arg5[%add3A_295], %mul3A_308 masked %and3A_254 {add = true} : memref<128000xf32, #tpu.memory_space<vmem>>[vector<16xi32>], vector<16xf32>, vector<16xi1>
        %add3A_309 = arith.constant 1 : i32
        %add3A_310 = vector.broadcast %add3A_309 : i32 to vector<16xi32>
        %add3A_311 = arith.addi %add3A_295, %add3A_310 : vector<16xi32>
        %mul3A_312 = arith.mulf %mul3A_288, %sub3A_235 : vector<16xf32>
        tpu.vector_store_idx %arg5[%add3A_311], %mul3A_312 masked %and3A_254 {add = true} : memref<128000xf32, #tpu.memory_space<vmem>>[vector<16xi32>], vector<16xf32>, vector<16xi1>
        %mul3A_313 = arith.mulf %mul3A_289, %sub3A_285 : vector<16xf32>
        tpu.vector_store_idx %arg5[%add3A_297], %mul3A_313 masked %and3A_254 {add = true} : memref<128000xf32, #tpu.memory_space<vmem>>[vector<16xi32>], vector<16xf32>, vector<16xi1>
        %add3A_314 = arith.constant 1 : i32
        %add3A_315 = vector.broadcast %add3A_314 : i32 to vector<16xi32>
        %add3A_316 = arith.addi %add3A_297, %add3A_315 : vector<16xi32>
        %mul3A_317 = arith.mulf %mul3A_289, %sub3A_235 : vector<16xf32>
        tpu.vector_store_idx %arg5[%add3A_316], %mul3A_317 masked %and3A_254 {add = true} : memref<128000xf32, #tpu.memory_space<vmem>>[vector<16xi32>], vector<16xf32>, vector<16xi1>
        %scan3A_318 = arith.constant 0 : i32
        scf.yield %scan3A_318 : i32
      }
      %scan3A_158 = arith.constant 16 : i32
      %lt3A = arith.constant 15 : i32
      %lt3A_159 = arith.cmpi slt, %scan3A_129, %lt3A : i32
      %convert_element_type3A = arith.extui %lt3A_159 : i1 to i32
      %cond3A = arith.constant 0 : i32
      %cond3A_160 = arith.cmpi ne, %convert_element_type3A, %cond3A : i32
      scf.if %cond3A_160 {
        %add3A_178 = arith.constant 2 : i32
        %add3A_179 = arith.addi %mul3A_132, %add3A_178 : i32
        %mul3A_180 = arith.constant 256 : i32
        %mul3A_181 = arith.muli %select_n3A_87, %mul3A_180 : i32
        %mul3A_182 = arith.constant 8 : i32
        %mul3A_183 = arith.muli %add3A_179, %mul3A_182 : i32
        %add3A_184 = arith.addi %mul3A_181, %mul3A_183 : i32
        %dma_start3A_185 = arith.constant 0 : i32
        %dma_start3A_186 = tpu.memref_slice %arg2[%add3A_184, %dma_start3A_185] : memref<4096x128xf32, #tpu.memory_space<hbm>> -> memref<8x128xf32, #tpu.memory_space<hbm>>
        %dma_start3A_187 = arith.constant 0 : i32
        %dma_start3A_188 = tpu.memref_slice %arg2[%add3A_184, %dma_start3A_187] : memref<4096x128xf32, #tpu.memory_space<hbm>> -> memref<8x128xf32, #tpu.memory_space<hbm>>
        tpu.enqueue_dma source(%dma_start3A_188 : memref<8x128xf32, #tpu.memory_space<hbm>>) target(%arg6 : memref<8x128xf32, #tpu.memory_space<vmem>>) target_semaphore(%arg9 : memref<!tpu.dma_semaphore, #tpu.memory_space<semaphore_mem>>)
      } else {
      }
      %mul3A_161 = arith.constant 256 : i32
      %mul3A_162 = arith.muli %select_n3A_87, %mul3A_161 : i32
      %mul3A_163 = arith.constant 8 : i32
      %mul3A_164 = arith.muli %add3A_134, %mul3A_163 : i32
      %add3A_165 = arith.addi %mul3A_162, %mul3A_164 : i32
      %dma_wait3A_166 = arith.constant 0 : i32
      %dma_wait3A_167 = tpu.memref_slice %arg2[%add3A_165, %dma_wait3A_166] : memref<4096x128xf32, #tpu.memory_space<hbm>> -> memref<8x128xf32, #tpu.memory_space<hbm>>
      %dma_wait3A_168 = arith.constant 0 : i32
      %dma_wait3A_169 = tpu.memref_slice %arg2[%add3A_165, %dma_wait3A_168] : memref<4096x128xf32, #tpu.memory_space<hbm>> -> memref<8x128xf32, #tpu.memory_space<hbm>>
      tpu.wait_dma2 semaphore(%arg10 : memref<!tpu.dma_semaphore, #tpu.memory_space<semaphore_mem>>) src(%dma_wait3A_169 : memref<8x128xf32, #tpu.memory_space<hbm>>) dst(%arg7 : memref<8x128xf32, #tpu.memory_space<vmem>>)
      %scan3A_170 = arith.constant 0 : i32
      %scan3A_171 = arith.constant 0 : i32
      %scan3A_172 = arith.constant 16 : i32
      %scan3A_173 = arith.addi %scan3A_171, %scan3A_172 : i32
      %scan3A_174 = arith.constant 1 : i32
      %scan3A_175 = scf.for %scan3A_178 = %scan3A_171 to %scan3A_173 step %scan3A_174 iter_args(%scan3A_179 = %scan3A_170) -> (i32)  : i32 {
        %mul3A_180 = arith.constant 16 : i32
        %mul3A_181 = arith.muli %scan3A_178, %mul3A_180 : i32
        %add3A_182 = vector.broadcast %mul3A_181 : i32 to vector<16xi32>
        %add3A_183 = arith.addi %iota3A, %add3A_182 : vector<16xi32>
        %mul3A_184 = arith.constant 256 : i32
        %mul3A_185 = arith.muli %add3A_134, %mul3A_184 : i32
        %add3A_186 = vector.broadcast %mul3A_185 : i32 to vector<16xi32>
        %add3A_187 = arith.addi %add3A_183, %add3A_186 : vector<16xi32>
        %mul3A_188 = arith.constant 3 : i32
        %mul3A_189 = vector.broadcast %mul3A_188 : i32 to vector<16xi32>
        %mul3A_190 = arith.muli %add3A_183, %mul3A_189 : vector<16xi32>
        %shift_right_arithmetic3A = arith.constant 7 : i32
        %shift_right_arithmetic3A_191 = vector.broadcast %shift_right_arithmetic3A : i32 to vector<16xi32>
        %shift_right_arithmetic3A_192 = arith.shrsi %mul3A_190, %shift_right_arithmetic3A_191 : vector<16xi32>
        %and3A_193 = arith.constant 127 : i32
        %and3A_194 = vector.broadcast %and3A_193 : i32 to vector<16xi32>
        %and3A_195 = arith.andi %mul3A_190, %and3A_194 : vector<16xi32>
        %gather3A_196 = tpu.vector_load_idx %arg7[%shift_right_arithmetic3A_192, %and3A_195] : memref<8x128xf32, #tpu.memory_space<vmem>>[vector<16xi32>, vector<16xi32>], vector<16xf32>,
        %add3A_197 = arith.constant 1 : i32
        %add3A_198 = vector.broadcast %add3A_197 : i32 to vector<16xi32>
        %add3A_199 = arith.addi %mul3A_190, %add3A_198 : vector<16xi32>
        %shift_right_arithmetic3A_200 = arith.constant 7 : i32
        %shift_right_arithmetic3A_201 = vector.broadcast %shift_right_arithmetic3A_200 : i32 to vector<16xi32>
        %shift_right_arithmetic3A_202 = arith.shrsi %add3A_199, %shift_right_arithmetic3A_201 : vector<16xi32>
        %and3A_203 = arith.constant 127 : i32
        %and3A_204 = vector.broadcast %and3A_203 : i32 to vector<16xi32>
        %and3A_205 = arith.andi %add3A_199, %and3A_204 : vector<16xi32>
        %gather3A_206 = tpu.vector_load_idx %arg7[%shift_right_arithmetic3A_202, %and3A_205] : memref<8x128xf32, #tpu.memory_space<vmem>>[vector<16xi32>, vector<16xi32>], vector<16xf32>,
        %add3A_207 = arith.constant 2 : i32
        %add3A_208 = vector.broadcast %add3A_207 : i32 to vector<16xi32>
        %add3A_209 = arith.addi %mul3A_190, %add3A_208 : vector<16xi32>
        %shift_right_arithmetic3A_210 = arith.constant 7 : i32
        %shift_right_arithmetic3A_211 = vector.broadcast %shift_right_arithmetic3A_210 : i32 to vector<16xi32>
        %shift_right_arithmetic3A_212 = arith.shrsi %add3A_209, %shift_right_arithmetic3A_211 : vector<16xi32>
        %and3A_213 = arith.constant 127 : i32
        %and3A_214 = vector.broadcast %and3A_213 : i32 to vector<16xi32>
        %and3A_215 = arith.andi %add3A_209, %and3A_214 : vector<16xi32>
        %gather3A_216 = tpu.vector_load_idx %arg7[%shift_right_arithmetic3A_212, %and3A_215] : memref<8x128xf32, #tpu.memory_space<vmem>>[vector<16xi32>, vector<16xi32>], vector<16xf32>,
        %shift_right_arithmetic3A_217 = arith.constant 7 : i32
        %shift_right_arithmetic3A_218 = vector.broadcast %shift_right_arithmetic3A_217 : i32 to vector<16xi32>
        %shift_right_arithmetic3A_219 = arith.shrsi %add3A_183, %shift_right_arithmetic3A_218 : vector<16xi32>
        %add3A_220 = arith.constant 6 : i32
        %add3A_221 = vector.broadcast %add3A_220 : i32 to vector<16xi32>
        %add3A_222 = arith.addi %shift_right_arithmetic3A_219, %add3A_221 : vector<16xi32>
        %and3A_223 = arith.constant 127 : i32
        %and3A_224 = vector.broadcast %and3A_223 : i32 to vector<16xi32>
        %and3A_225 = arith.andi %add3A_183, %and3A_224 : vector<16xi32>
        %gather3A_226 = tpu.vector_load_idx %arg7[%add3A_222, %and3A_225] : memref<8x128xf32, #tpu.memory_space<vmem>>[vector<16xi32>, vector<16xi32>], vector<16xf32>,
        %convert_element_type3A_227 = arith.fptosi %gather3A_196 : vector<16xf32> to vector<16xi32>
        %convert_element_type3A_228 = arith.fptosi %gather3A_206 : vector<16xf32> to vector<16xi32>
        %convert_element_type3A_229 = arith.fptosi %gather3A_216 : vector<16xf32> to vector<16xi32>
        %convert_element_type3A_230 = arith.sitofp %convert_element_type3A_227 : vector<16xi32> to vector<16xf32>
        %sub3A_231 = arith.subf %gather3A_196, %convert_element_type3A_230 : vector<16xf32>
        %convert_element_type3A_232 = arith.sitofp %convert_element_type3A_228 : vector<16xi32> to vector<16xf32>
        %sub3A_233 = arith.subf %gather3A_206, %convert_element_type3A_232 : vector<16xf32>
        %convert_element_type3A_234 = arith.sitofp %convert_element_type3A_229 : vector<16xi32> to vector<16xf32>
        %sub3A_235 = arith.subf %gather3A_216, %convert_element_type3A_234 : vector<16xf32>
        %lt3A_236 = arith.cmpi slt, %add3A_187, %gather3A_94 : vector<16xi32>
        %ge3A = vector.broadcast %mul3A_92 : i32 to vector<16xi32>
        %ge3A_237 = arith.cmpi sge, %convert_element_type3A_227, %ge3A : vector<16xi32>
        %and3A_238 = arith.andi %lt3A_236, %ge3A_237 : vector<16xi1>
        %add3A_239 = arith.constant 20 : i32
        %add3A_240 = arith.addi %mul3A_92, %add3A_239 : i32
        %lt3A_241 = vector.broadcast %add3A_240 : i32 to vector<16xi32>
        %lt3A_242 = arith.cmpi slt, %convert_element_type3A_227, %lt3A_241 : vector<16xi32>
        %and3A_243 = arith.andi %and3A_238, %lt3A_242 : vector<16xi1>
        %add3A_244 = arith.constant 1 : i32
        %add3A_245 = vector.broadcast %add3A_244 : i32 to vector<16xi32>
        %add3A_246 = arith.addi %convert_element_type3A_227, %add3A_245 : vector<16xi32>
        %ge3A_247 = vector.broadcast %mul3A_92 : i32 to vector<16xi32>
        %ge3A_248 = arith.cmpi sge, %add3A_246, %ge3A_247 : vector<16xi32>
        %and3A_249 = arith.andi %lt3A_236, %ge3A_248 : vector<16xi1>
        %add3A_250 = arith.constant 20 : i32
        %add3A_251 = arith.addi %mul3A_92, %add3A_250 : i32
        %lt3A_252 = vector.broadcast %add3A_251 : i32 to vector<16xi32>
        %lt3A_253 = arith.cmpi slt, %add3A_246, %lt3A_252 : vector<16xi32>
        %and3A_254 = arith.andi %and3A_249, %lt3A_253 : vector<16xi1>
        %sub3A_255 = vector.broadcast %mul3A_92 : i32 to vector<16xi32>
        %sub3A_256 = arith.subi %convert_element_type3A_227, %sub3A_255 : vector<16xi32>
        %jit3A_257 = arith.constant 0 : i32
        %jit3A_258 = arith.constant 19 : i32
        %max3A = vector.broadcast %jit3A_257 : i32 to vector<16xi32>
        %max3A_259 = arith.maxsi %max3A, %sub3A_256 : vector<16xi32>
        %min3A = vector.broadcast %jit3A_258 : i32 to vector<16xi32>
        %min3A_260 = arith.minsi %min3A, %max3A_259 : vector<16xi32>
        %mul3A_261 = arith.constant 6400 : i32
        %mul3A_262 = vector.broadcast %mul3A_261 : i32 to vector<16xi32>
        %mul3A_263 = arith.muli %min3A_260, %mul3A_262 : vector<16xi32>
        %sub3A_264 = vector.broadcast %mul3A_92 : i32 to vector<16xi32>
        %sub3A_265 = arith.subi %add3A_246, %sub3A_264 : vector<16xi32>
        %jit3A_266 = arith.constant 0 : i32
        %jit3A_267 = arith.constant 19 : i32
        %max3A_268 = vector.broadcast %jit3A_266 : i32 to vector<16xi32>
        %max3A_269 = arith.maxsi %max3A_268, %sub3A_265 : vector<16xi32>
        %min3A_270 = vector.broadcast %jit3A_267 : i32 to vector<16xi32>
        %min3A_271 = arith.minsi %min3A_270, %max3A_269 : vector<16xi32>
        %mul3A_272 = arith.constant 6400 : i32
        %mul3A_273 = vector.broadcast %mul3A_272 : i32 to vector<16xi32>
        %mul3A_274 = arith.muli %min3A_271, %mul3A_273 : vector<16xi32>
        %mul3A_275 = arith.constant 80 : i32
        %mul3A_276 = vector.broadcast %mul3A_275 : i32 to vector<16xi32>
        %mul3A_277 = arith.muli %convert_element_type3A_228, %mul3A_276 : vector<16xi32>
        %add3A_278 = arith.constant 80 : i32
        %add3A_279 = vector.broadcast %add3A_278 : i32 to vector<16xi32>
        %add3A_280 = arith.addi %mul3A_277, %add3A_279 : vector<16xi32>
        %sub3A_281 = arith.subf %broadcast_in_dim3A_7, %sub3A_231 : vector<16xf32>
        %mul3A_282 = arith.mulf %gather3A_226, %sub3A_281 : vector<16xf32>
        %mul3A_283 = arith.mulf %gather3A_226, %sub3A_231 : vector<16xf32>
        %sub3A_284 = arith.subf %broadcast_in_dim3A_7, %sub3A_233 : vector<16xf32>
        %sub3A_285 = arith.subf %broadcast_in_dim3A_7, %sub3A_235 : vector<16xf32>
        %mul3A_286 = arith.mulf %mul3A_282, %sub3A_284 : vector<16xf32>
        %mul3A_287 = arith.mulf %mul3A_282, %sub3A_233 : vector<16xf32>
        %mul3A_288 = arith.mulf %mul3A_283, %sub3A_284 : vector<16xf32>
        %mul3A_289 = arith.mulf %mul3A_283, %sub3A_233 : vector<16xf32>
        %add3A_290 = arith.addi %mul3A_263, %mul3A_277 : vector<16xi32>
        %add3A_291 = arith.addi %add3A_290, %convert_element_type3A_229 : vector<16xi32>
        %add3A_292 = arith.addi %mul3A_263, %add3A_280 : vector<16xi32>
        %add3A_293 = arith.addi %add3A_292, %convert_element_type3A_229 : vector<16xi32>
        %add3A_294 = arith.addi %mul3A_274, %mul3A_277 : vector<16xi32>
        %add3A_295 = arith.addi %add3A_294, %convert_element_type3A_229 : vector<16xi32>
        %add3A_296 = arith.addi %mul3A_274, %add3A_280 : vector<16xi32>
        %add3A_297 = arith.addi %add3A_296, %convert_element_type3A_229 : vector<16xi32>
        %mul3A_298 = arith.mulf %mul3A_286, %sub3A_285 : vector<16xf32>
        tpu.vector_store_idx %arg5[%add3A_291], %mul3A_298 masked %and3A_243 {add = true} : memref<128000xf32, #tpu.memory_space<vmem>>[vector<16xi32>], vector<16xf32>, vector<16xi1>
        %add3A_299 = arith.constant 1 : i32
        %add3A_300 = vector.broadcast %add3A_299 : i32 to vector<16xi32>
        %add3A_301 = arith.addi %add3A_291, %add3A_300 : vector<16xi32>
        %mul3A_302 = arith.mulf %mul3A_286, %sub3A_235 : vector<16xf32>
        tpu.vector_store_idx %arg5[%add3A_301], %mul3A_302 masked %and3A_243 {add = true} : memref<128000xf32, #tpu.memory_space<vmem>>[vector<16xi32>], vector<16xf32>, vector<16xi1>
        %mul3A_303 = arith.mulf %mul3A_287, %sub3A_285 : vector<16xf32>
        tpu.vector_store_idx %arg5[%add3A_293], %mul3A_303 masked %and3A_243 {add = true} : memref<128000xf32, #tpu.memory_space<vmem>>[vector<16xi32>], vector<16xf32>, vector<16xi1>
        %add3A_304 = arith.constant 1 : i32
        %add3A_305 = vector.broadcast %add3A_304 : i32 to vector<16xi32>
        %add3A_306 = arith.addi %add3A_293, %add3A_305 : vector<16xi32>
        %mul3A_307 = arith.mulf %mul3A_287, %sub3A_235 : vector<16xf32>
        tpu.vector_store_idx %arg5[%add3A_306], %mul3A_307 masked %and3A_243 {add = true} : memref<128000xf32, #tpu.memory_space<vmem>>[vector<16xi32>], vector<16xf32>, vector<16xi1>
        %mul3A_308 = arith.mulf %mul3A_288, %sub3A_285 : vector<16xf32>
        tpu.vector_store_idx %arg5[%add3A_295], %mul3A_308 masked %and3A_254 {add = true} : memref<128000xf32, #tpu.memory_space<vmem>>[vector<16xi32>], vector<16xf32>, vector<16xi1>
        %add3A_309 = arith.constant 1 : i32
        %add3A_310 = vector.broadcast %add3A_309 : i32 to vector<16xi32>
        %add3A_311 = arith.addi %add3A_295, %add3A_310 : vector<16xi32>
        %mul3A_312 = arith.mulf %mul3A_288, %sub3A_235 : vector<16xf32>
        tpu.vector_store_idx %arg5[%add3A_311], %mul3A_312 masked %and3A_254 {add = true} : memref<128000xf32, #tpu.memory_space<vmem>>[vector<16xi32>], vector<16xf32>, vector<16xi1>
        %mul3A_313 = arith.mulf %mul3A_289, %sub3A_285 : vector<16xf32>
        tpu.vector_store_idx %arg5[%add3A_297], %mul3A_313 masked %and3A_254 {add = true} : memref<128000xf32, #tpu.memory_space<vmem>>[vector<16xi32>], vector<16xf32>, vector<16xi1>
        %add3A_314 = arith.constant 1 : i32
        %add3A_315 = vector.broadcast %add3A_314 : i32 to vector<16xi32>
        %add3A_316 = arith.addi %add3A_297, %add3A_315 : vector<16xi32>
        %mul3A_317 = arith.mulf %mul3A_289, %sub3A_235 : vector<16xf32>
        tpu.vector_store_idx %arg5[%add3A_316], %mul3A_317 masked %and3A_254 {add = true} : memref<128000xf32, #tpu.memory_space<vmem>>[vector<16xi32>], vector<16xf32>, vector<16xi1>
        %scan3A_318 = arith.constant 0 : i32
        scf.yield %scan3A_318 : i32
      }
      %scan3A_176 = arith.constant 16 : i32
      %scan3A_177 = arith.constant 0 : i32
      scf.yield %scan3A_177 : i32
    }
    %scan3A_116 = arith.constant 16 : i32
    %scan3A_117 = arith.constant 0 : i32
    %scan3A_118 = arith.constant 0 : i32
    %scan3A_119 = arith.constant 250 : i32
    %scan3A_120 = arith.addi %scan3A_118, %scan3A_119 : i32
    %scan3A_121 = arith.constant 1 : i32
    %scan3A_122 = scf.for %scan3A_129 = %scan3A_118 to %scan3A_120 step %scan3A_121 iter_args(%scan3A_130 = %scan3A_117) -> (i32)  : i32 {
      %mul3A_131 = arith.constant 512 : i32
      %mul3A_132 = arith.muli %scan3A_129, %mul3A_131 : i32
      %add3A_133 = arith.constant 0 : i32
      %add3A_134 = arith.addi %mul3A_132, %add3A_133 : i32
      %get3A = arith.index_cast %add3A_134 : i32 to index
      %get3A_135 = tpu.vector_load %arg5[%get3A] {strides = array<i32>} : memref<128000xf32, #tpu.memory_space<vmem>>, vector<16xf32>,
      %neg3A = arith.constant 0.000000e+00 : f32
      %neg3A_136 = vector.broadcast %neg3A : f32 to vector<16xf32>
      %neg3A_137 = arith.subf %neg3A_136, %get3A_135 : vector<16xf32>
      %exp3A = math.exp %neg3A_137 : vector<16xf32>
      %mul3A_138 = arith.mulf %exp3A, %broadcast_in_dim3A_3 : vector<16xf32>
      %add3A_139 = arith.addf %mul3A_138, %broadcast_in_dim3A_5 : vector<16xf32>
      %swap3A = arith.index_cast %add3A_134 : i32 to index
      %swap3A_140 = tpu.vector_load %arg5[%swap3A] {strides = array<i32>} : memref<128000xf32, #tpu.memory_space<vmem>>, vector<16xf32>,
      tpu.vector_store %arg5[%swap3A], %add3A_139 {strides = array<i32>} : memref<128000xf32, #tpu.memory_space<vmem>>, vector<16xf32>,
      %add3A_141 = arith.constant 16 : i32
      %add3A_142 = arith.addi %mul3A_132, %add3A_141 : i32
      %get3A_143 = arith.index_cast %add3A_142 : i32 to index
      %get3A_144 = tpu.vector_load %arg5[%get3A_143] {strides = array<i32>} : memref<128000xf32, #tpu.memory_space<vmem>>, vector<16xf32>,
      %neg3A_145 = arith.constant 0.000000e+00 : f32
      %neg3A_146 = vector.broadcast %neg3A_145 : f32 to vector<16xf32>
      %neg3A_147 = arith.subf %neg3A_146, %get3A_144 : vector<16xf32>
      %exp3A_148 = math.exp %neg3A_147 : vector<16xf32>
      %mul3A_149 = arith.mulf %exp3A_148, %broadcast_in_dim3A_3 : vector<16xf32>
      %add3A_150 = arith.addf %mul3A_149, %broadcast_in_dim3A_5 : vector<16xf32>
      %swap3A_151 = arith.index_cast %add3A_142 : i32 to index
      %swap3A_152 = tpu.vector_load %arg5[%swap3A_151] {strides = array<i32>} : memref<128000xf32, #tpu.memory_space<vmem>>, vector<16xf32>,
      tpu.vector_store %arg5[%swap3A_151], %add3A_150 {strides = array<i32>} : memref<128000xf32, #tpu.memory_space<vmem>>, vector<16xf32>,
      %add3A_153 = arith.constant 32 : i32
      %add3A_154 = arith.addi %mul3A_132, %add3A_153 : i32
      %get3A_155 = arith.index_cast %add3A_154 : i32 to index
      %get3A_156 = tpu.vector_load %arg5[%get3A_155] {strides = array<i32>} : memref<128000xf32, #tpu.memory_space<vmem>>, vector<16xf32>,
      %neg3A_157 = arith.constant 0.000000e+00 : f32
      %neg3A_158 = vector.broadcast %neg3A_157 : f32 to vector<16xf32>
      %neg3A_159 = arith.subf %neg3A_158, %get3A_156 : vector<16xf32>
      %exp3A_160 = math.exp %neg3A_159 : vector<16xf32>
      %mul3A_161 = arith.mulf %exp3A_160, %broadcast_in_dim3A_3 : vector<16xf32>
      %add3A_162 = arith.addf %mul3A_161, %broadcast_in_dim3A_5 : vector<16xf32>
      %swap3A_163 = arith.index_cast %add3A_154 : i32 to index
      %swap3A_164 = tpu.vector_load %arg5[%swap3A_163] {strides = array<i32>} : memref<128000xf32, #tpu.memory_space<vmem>>, vector<16xf32>,
      tpu.vector_store %arg5[%swap3A_163], %add3A_162 {strides = array<i32>} : memref<128000xf32, #tpu.memory_space<vmem>>, vector<16xf32>,
      %add3A_165 = arith.constant 48 : i32
      %add3A_166 = arith.addi %mul3A_132, %add3A_165 : i32
      %get3A_167 = arith.index_cast %add3A_166 : i32 to index
      %get3A_168 = tpu.vector_load %arg5[%get3A_167] {strides = array<i32>} : memref<128000xf32, #tpu.memory_space<vmem>>, vector<16xf32>,
      %neg3A_169 = arith.constant 0.000000e+00 : f32
      %neg3A_170 = vector.broadcast %neg3A_169 : f32 to vector<16xf32>
      %neg3A_171 = arith.subf %neg3A_170, %get3A_168 : vector<16xf32>
      %exp3A_172 = math.exp %neg3A_171 : vector<16xf32>
      %mul3A_173 = arith.mulf %exp3A_172, %broadcast_in_dim3A_3 : vector<16xf32>
      %add3A_174 = arith.addf %mul3A_173, %broadcast_in_dim3A_5 : vector<16xf32>
      %swap3A_175 = arith.index_cast %add3A_166 : i32 to index
      %swap3A_176 = tpu.vector_load %arg5[%swap3A_175] {strides = array<i32>} : memref<128000xf32, #tpu.memory_space<vmem>>, vector<16xf32>,
      tpu.vector_store %arg5[%swap3A_175], %add3A_174 {strides = array<i32>} : memref<128000xf32, #tpu.memory_space<vmem>>, vector<16xf32>,
      %add3A_177 = arith.constant 64 : i32
      %add3A_178 = arith.addi %mul3A_132, %add3A_177 : i32
      %get3A_179 = arith.index_cast %add3A_178 : i32 to index
      %get3A_180 = tpu.vector_load %arg5[%get3A_179] {strides = array<i32>} : memref<128000xf32, #tpu.memory_space<vmem>>, vector<16xf32>,
      %neg3A_181 = arith.constant 0.000000e+00 : f32
      %neg3A_182 = vector.broadcast %neg3A_181 : f32 to vector<16xf32>
      %neg3A_183 = arith.subf %neg3A_182, %get3A_180 : vector<16xf32>
      %exp3A_184 = math.exp %neg3A_183 : vector<16xf32>
      %mul3A_185 = arith.mulf %exp3A_184, %broadcast_in_dim3A_3 : vector<16xf32>
      %add3A_186 = arith.addf %mul3A_185, %broadcast_in_dim3A_5 : vector<16xf32>
      %swap3A_187 = arith.index_cast %add3A_178 : i32 to index
      %swap3A_188 = tpu.vector_load %arg5[%swap3A_187] {strides = array<i32>} : memref<128000xf32, #tpu.memory_space<vmem>>, vector<16xf32>,
      tpu.vector_store %arg5[%swap3A_187], %add3A_186 {strides = array<i32>} : memref<128000xf32, #tpu.memory_space<vmem>>, vector<16xf32>,
      %add3A_189 = arith.constant 80 : i32
      %add3A_190 = arith.addi %mul3A_132, %add3A_189 : i32
      %get3A_191 = arith.index_cast %add3A_190 : i32 to index
      %get3A_192 = tpu.vector_load %arg5[%get3A_191] {strides = array<i32>} : memref<128000xf32, #tpu.memory_space<vmem>>, vector<16xf32>,
      %neg3A_193 = arith.constant 0.000000e+00 : f32
      %neg3A_194 = vector.broadcast %neg3A_193 : f32 to vector<16xf32>
      %neg3A_195 = arith.subf %neg3A_194, %get3A_192 : vector<16xf32>
      %exp3A_196 = math.exp %neg3A_195 : vector<16xf32>
      %mul3A_197 = arith.mulf %exp3A_196, %broadcast_in_dim3A_3 : vector<16xf32>
      %add3A_198 = arith.addf %mul3A_197, %broadcast_in_dim3A_5 : vector<16xf32>
      %swap3A_199 = arith.index_cast %add3A_190 : i32 to index
      %swap3A_200 = tpu.vector_load %arg5[%swap3A_199] {strides = array<i32>} : memref<128000xf32, #tpu.memory_space<vmem>>, vector<16xf32>,
      tpu.vector_store %arg5[%swap3A_199], %add3A_198 {strides = array<i32>} : memref<128000xf32, #tpu.memory_space<vmem>>, vector<16xf32>,
      %add3A_201 = arith.constant 96 : i32
      %add3A_202 = arith.addi %mul3A_132, %add3A_201 : i32
      %get3A_203 = arith.index_cast %add3A_202 : i32 to index
      %get3A_204 = tpu.vector_load %arg5[%get3A_203] {strides = array<i32>} : memref<128000xf32, #tpu.memory_space<vmem>>, vector<16xf32>,
      %neg3A_205 = arith.constant 0.000000e+00 : f32
      %neg3A_206 = vector.broadcast %neg3A_205 : f32 to vector<16xf32>
      %neg3A_207 = arith.subf %neg3A_206, %get3A_204 : vector<16xf32>
      %exp3A_208 = math.exp %neg3A_207 : vector<16xf32>
      %mul3A_209 = arith.mulf %exp3A_208, %broadcast_in_dim3A_3 : vector<16xf32>
      %add3A_210 = arith.addf %mul3A_209, %broadcast_in_dim3A_5 : vector<16xf32>
      %swap3A_211 = arith.index_cast %add3A_202 : i32 to index
      %swap3A_212 = tpu.vector_load %arg5[%swap3A_211] {strides = array<i32>} : memref<128000xf32, #tpu.memory_space<vmem>>, vector<16xf32>,
      tpu.vector_store %arg5[%swap3A_211], %add3A_210 {strides = array<i32>} : memref<128000xf32, #tpu.memory_space<vmem>>, vector<16xf32>,
      %add3A_213 = arith.constant 112 : i32
      %add3A_214 = arith.addi %mul3A_132, %add3A_213 : i32
      %get3A_215 = arith.index_cast %add3A_214 : i32 to index
      %get3A_216 = tpu.vector_load %arg5[%get3A_215] {strides = array<i32>} : memref<128000xf32, #tpu.memory_space<vmem>>, vector<16xf32>,
      %neg3A_217 = arith.constant 0.000000e+00 : f32
      %neg3A_218 = vector.broadcast %neg3A_217 : f32 to vector<16xf32>
      %neg3A_219 = arith.subf %neg3A_218, %get3A_216 : vector<16xf32>
      %exp3A_220 = math.exp %neg3A_219 : vector<16xf32>
      %mul3A_221 = arith.mulf %exp3A_220, %broadcast_in_dim3A_3 : vector<16xf32>
      %add3A_222 = arith.addf %mul3A_221, %broadcast_in_dim3A_5 : vector<16xf32>
      %swap3A_223 = arith.index_cast %add3A_214 : i32 to index
      %swap3A_224 = tpu.vector_load %arg5[%swap3A_223] {strides = array<i32>} : memref<128000xf32, #tpu.memory_space<vmem>>, vector<16xf32>,
      tpu.vector_store %arg5[%swap3A_223], %add3A_222 {strides = array<i32>} : memref<128000xf32, #tpu.memory_space<vmem>>, vector<16xf32>,
      %add3A_225 = arith.constant 128 : i32
      %add3A_226 = arith.addi %mul3A_132, %add3A_225 : i32
      %get3A_227 = arith.index_cast %add3A_226 : i32 to index
      %get3A_228 = tpu.vector_load %arg5[%get3A_227] {strides = array<i32>} : memref<128000xf32, #tpu.memory_space<vmem>>, vector<16xf32>,
      %neg3A_229 = arith.constant 0.000000e+00 : f32
      %neg3A_230 = vector.broadcast %neg3A_229 : f32 to vector<16xf32>
      %neg3A_231 = arith.subf %neg3A_230, %get3A_228 : vector<16xf32>
      %exp3A_232 = math.exp %neg3A_231 : vector<16xf32>
      %mul3A_233 = arith.mulf %exp3A_232, %broadcast_in_dim3A_3 : vector<16xf32>
      %add3A_234 = arith.addf %mul3A_233, %broadcast_in_dim3A_5 : vector<16xf32>
      %swap3A_235 = arith.index_cast %add3A_226 : i32 to index
      %swap3A_236 = tpu.vector_load %arg5[%swap3A_235] {strides = array<i32>} : memref<128000xf32, #tpu.memory_space<vmem>>, vector<16xf32>,
      tpu.vector_store %arg5[%swap3A_235], %add3A_234 {strides = array<i32>} : memref<128000xf32, #tpu.memory_space<vmem>>, vector<16xf32>,
      %add3A_237 = arith.constant 144 : i32
      %add3A_238 = arith.addi %mul3A_132, %add3A_237 : i32
      %get3A_239 = arith.index_cast %add3A_238 : i32 to index
      %get3A_240 = tpu.vector_load %arg5[%get3A_239] {strides = array<i32>} : memref<128000xf32, #tpu.memory_space<vmem>>, vector<16xf32>,
      %neg3A_241 = arith.constant 0.000000e+00 : f32
      %neg3A_242 = vector.broadcast %neg3A_241 : f32 to vector<16xf32>
      %neg3A_243 = arith.subf %neg3A_242, %get3A_240 : vector<16xf32>
      %exp3A_244 = math.exp %neg3A_243 : vector<16xf32>
      %mul3A_245 = arith.mulf %exp3A_244, %broadcast_in_dim3A_3 : vector<16xf32>
      %add3A_246 = arith.addf %mul3A_245, %broadcast_in_dim3A_5 : vector<16xf32>
      %swap3A_247 = arith.index_cast %add3A_238 : i32 to index
      %swap3A_248 = tpu.vector_load %arg5[%swap3A_247] {strides = array<i32>} : memref<128000xf32, #tpu.memory_space<vmem>>, vector<16xf32>,
      tpu.vector_store %arg5[%swap3A_247], %add3A_246 {strides = array<i32>} : memref<128000xf32, #tpu.memory_space<vmem>>, vector<16xf32>,
      %add3A_249 = arith.constant 160 : i32
      %add3A_250 = arith.addi %mul3A_132, %add3A_249 : i32
      %get3A_251 = arith.index_cast %add3A_250 : i32 to index
      %get3A_252 = tpu.vector_load %arg5[%get3A_251] {strides = array<i32>} : memref<128000xf32, #tpu.memory_space<vmem>>, vector<16xf32>,
      %neg3A_253 = arith.constant 0.000000e+00 : f32
      %neg3A_254 = vector.broadcast %neg3A_253 : f32 to vector<16xf32>
      %neg3A_255 = arith.subf %neg3A_254, %get3A_252 : vector<16xf32>
      %exp3A_256 = math.exp %neg3A_255 : vector<16xf32>
      %mul3A_257 = arith.mulf %exp3A_256, %broadcast_in_dim3A_3 : vector<16xf32>
      %add3A_258 = arith.addf %mul3A_257, %broadcast_in_dim3A_5 : vector<16xf32>
      %swap3A_259 = arith.index_cast %add3A_250 : i32 to index
      %swap3A_260 = tpu.vector_load %arg5[%swap3A_259] {strides = array<i32>} : memref<128000xf32, #tpu.memory_space<vmem>>, vector<16xf32>,
      tpu.vector_store %arg5[%swap3A_259], %add3A_258 {strides = array<i32>} : memref<128000xf32, #tpu.memory_space<vmem>>, vector<16xf32>,
      %add3A_261 = arith.constant 176 : i32
      %add3A_262 = arith.addi %mul3A_132, %add3A_261 : i32
      %get3A_263 = arith.index_cast %add3A_262 : i32 to index
      %get3A_264 = tpu.vector_load %arg5[%get3A_263] {strides = array<i32>} : memref<128000xf32, #tpu.memory_space<vmem>>, vector<16xf32>,
      %neg3A_265 = arith.constant 0.000000e+00 : f32
      %neg3A_266 = vector.broadcast %neg3A_265 : f32 to vector<16xf32>
      %neg3A_267 = arith.subf %neg3A_266, %get3A_264 : vector<16xf32>
      %exp3A_268 = math.exp %neg3A_267 : vector<16xf32>
      %mul3A_269 = arith.mulf %exp3A_268, %broadcast_in_dim3A_3 : vector<16xf32>
      %add3A_270 = arith.addf %mul3A_269, %broadcast_in_dim3A_5 : vector<16xf32>
      %swap3A_271 = arith.index_cast %add3A_262 : i32 to index
      %swap3A_272 = tpu.vector_load %arg5[%swap3A_271] {strides = array<i32>} : memref<128000xf32, #tpu.memory_space<vmem>>, vector<16xf32>,
      tpu.vector_store %arg5[%swap3A_271], %add3A_270 {strides = array<i32>} : memref<128000xf32, #tpu.memory_space<vmem>>, vector<16xf32>,
      %add3A_273 = arith.constant 192 : i32
      %add3A_274 = arith.addi %mul3A_132, %add3A_273 : i32
      %get3A_275 = arith.index_cast %add3A_274 : i32 to index
      %get3A_276 = tpu.vector_load %arg5[%get3A_275] {strides = array<i32>} : memref<128000xf32, #tpu.memory_space<vmem>>, vector<16xf32>,
      %neg3A_277 = arith.constant 0.000000e+00 : f32
      %neg3A_278 = vector.broadcast %neg3A_277 : f32 to vector<16xf32>
      %neg3A_279 = arith.subf %neg3A_278, %get3A_276 : vector<16xf32>
      %exp3A_280 = math.exp %neg3A_279 : vector<16xf32>
      %mul3A_281 = arith.mulf %exp3A_280, %broadcast_in_dim3A_3 : vector<16xf32>
      %add3A_282 = arith.addf %mul3A_281, %broadcast_in_dim3A_5 : vector<16xf32>
      %swap3A_283 = arith.index_cast %add3A_274 : i32 to index
      %swap3A_284 = tpu.vector_load %arg5[%swap3A_283] {strides = array<i32>} : memref<128000xf32, #tpu.memory_space<vmem>>, vector<16xf32>,
      tpu.vector_store %arg5[%swap3A_283], %add3A_282 {strides = array<i32>} : memref<128000xf32, #tpu.memory_space<vmem>>, vector<16xf32>,
      %add3A_285 = arith.constant 208 : i32
      %add3A_286 = arith.addi %mul3A_132, %add3A_285 : i32
      %get3A_287 = arith.index_cast %add3A_286 : i32 to index
      %get3A_288 = tpu.vector_load %arg5[%get3A_287] {strides = array<i32>} : memref<128000xf32, #tpu.memory_space<vmem>>, vector<16xf32>,
      %neg3A_289 = arith.constant 0.000000e+00 : f32
      %neg3A_290 = vector.broadcast %neg3A_289 : f32 to vector<16xf32>
      %neg3A_291 = arith.subf %neg3A_290, %get3A_288 : vector<16xf32>
      %exp3A_292 = math.exp %neg3A_291 : vector<16xf32>
      %mul3A_293 = arith.mulf %exp3A_292, %broadcast_in_dim3A_3 : vector<16xf32>
      %add3A_294 = arith.addf %mul3A_293, %broadcast_in_dim3A_5 : vector<16xf32>
      %swap3A_295 = arith.index_cast %add3A_286 : i32 to index
      %swap3A_296 = tpu.vector_load %arg5[%swap3A_295] {strides = array<i32>} : memref<128000xf32, #tpu.memory_space<vmem>>, vector<16xf32>,
      tpu.vector_store %arg5[%swap3A_295], %add3A_294 {strides = array<i32>} : memref<128000xf32, #tpu.memory_space<vmem>>, vector<16xf32>,
      %add3A_297 = arith.constant 224 : i32
      %add3A_298 = arith.addi %mul3A_132, %add3A_297 : i32
      %get3A_299 = arith.index_cast %add3A_298 : i32 to index
      %get3A_300 = tpu.vector_load %arg5[%get3A_299] {strides = array<i32>} : memref<128000xf32, #tpu.memory_space<vmem>>, vector<16xf32>,
      %neg3A_301 = arith.constant 0.000000e+00 : f32
      %neg3A_302 = vector.broadcast %neg3A_301 : f32 to vector<16xf32>
      %neg3A_303 = arith.subf %neg3A_302, %get3A_300 : vector<16xf32>
      %exp3A_304 = math.exp %neg3A_303 : vector<16xf32>
      %mul3A_305 = arith.mulf %exp3A_304, %broadcast_in_dim3A_3 : vector<16xf32>
      %add3A_306 = arith.addf %mul3A_305, %broadcast_in_dim3A_5 : vector<16xf32>
      %swap3A_307 = arith.index_cast %add3A_298 : i32 to index
      %swap3A_308 = tpu.vector_load %arg5[%swap3A_307] {strides = array<i32>} : memref<128000xf32, #tpu.memory_space<vmem>>, vector<16xf32>,
      tpu.vector_store %arg5[%swap3A_307], %add3A_306 {strides = array<i32>} : memref<128000xf32, #tpu.memory_space<vmem>>, vector<16xf32>,
      %add3A_309 = arith.constant 240 : i32
      %add3A_310 = arith.addi %mul3A_132, %add3A_309 : i32
      %get3A_311 = arith.index_cast %add3A_310 : i32 to index
      %get3A_312 = tpu.vector_load %arg5[%get3A_311] {strides = array<i32>} : memref<128000xf32, #tpu.memory_space<vmem>>, vector<16xf32>,
      %neg3A_313 = arith.constant 0.000000e+00 : f32
      %neg3A_314 = vector.broadcast %neg3A_313 : f32 to vector<16xf32>
      %neg3A_315 = arith.subf %neg3A_314, %get3A_312 : vector<16xf32>
      %exp3A_316 = math.exp %neg3A_315 : vector<16xf32>
      %mul3A_317 = arith.mulf %exp3A_316, %broadcast_in_dim3A_3 : vector<16xf32>
      %add3A_318 = arith.addf %mul3A_317, %broadcast_in_dim3A_5 : vector<16xf32>
      %swap3A_319 = arith.index_cast %add3A_310 : i32 to index
      %swap3A_320 = tpu.vector_load %arg5[%swap3A_319] {strides = array<i32>} : memref<128000xf32, #tpu.memory_space<vmem>>, vector<16xf32>,
      tpu.vector_store %arg5[%swap3A_319], %add3A_318 {strides = array<i32>} : memref<128000xf32, #tpu.memory_space<vmem>>, vector<16xf32>,
      %add3A_321 = arith.constant 256 : i32
      %add3A_322 = arith.addi %mul3A_132, %add3A_321 : i32
      %get3A_323 = arith.index_cast %add3A_322 : i32 to index
      %get3A_324 = tpu.vector_load %arg5[%get3A_323] {strides = array<i32>} : memref<128000xf32, #tpu.memory_space<vmem>>, vector<16xf32>,
      %neg3A_325 = arith.constant 0.000000e+00 : f32
      %neg3A_326 = vector.broadcast %neg3A_325 : f32 to vector<16xf32>
      %neg3A_327 = arith.subf %neg3A_326, %get3A_324 : vector<16xf32>
      %exp3A_328 = math.exp %neg3A_327 : vector<16xf32>
      %mul3A_329 = arith.mulf %exp3A_328, %broadcast_in_dim3A_3 : vector<16xf32>
      %add3A_330 = arith.addf %mul3A_329, %broadcast_in_dim3A_5 : vector<16xf32>
      %swap3A_331 = arith.index_cast %add3A_322 : i32 to index
      %swap3A_332 = tpu.vector_load %arg5[%swap3A_331] {strides = array<i32>} : memref<128000xf32, #tpu.memory_space<vmem>>, vector<16xf32>,
      tpu.vector_store %arg5[%swap3A_331], %add3A_330 {strides = array<i32>} : memref<128000xf32, #tpu.memory_space<vmem>>, vector<16xf32>,
      %add3A_333 = arith.constant 272 : i32
      %add3A_334 = arith.addi %mul3A_132, %add3A_333 : i32
      %get3A_335 = arith.index_cast %add3A_334 : i32 to index
      %get3A_336 = tpu.vector_load %arg5[%get3A_335] {strides = array<i32>} : memref<128000xf32, #tpu.memory_space<vmem>>, vector<16xf32>,
      %neg3A_337 = arith.constant 0.000000e+00 : f32
      %neg3A_338 = vector.broadcast %neg3A_337 : f32 to vector<16xf32>
      %neg3A_339 = arith.subf %neg3A_338, %get3A_336 : vector<16xf32>
      %exp3A_340 = math.exp %neg3A_339 : vector<16xf32>
      %mul3A_341 = arith.mulf %exp3A_340, %broadcast_in_dim3A_3 : vector<16xf32>
      %add3A_342 = arith.addf %mul3A_341, %broadcast_in_dim3A_5 : vector<16xf32>
      %swap3A_343 = arith.index_cast %add3A_334 : i32 to index
      %swap3A_344 = tpu.vector_load %arg5[%swap3A_343] {strides = array<i32>} : memref<128000xf32, #tpu.memory_space<vmem>>, vector<16xf32>,
      tpu.vector_store %arg5[%swap3A_343], %add3A_342 {strides = array<i32>} : memref<128000xf32, #tpu.memory_space<vmem>>, vector<16xf32>,
      %add3A_345 = arith.constant 288 : i32
      %add3A_346 = arith.addi %mul3A_132, %add3A_345 : i32
      %get3A_347 = arith.index_cast %add3A_346 : i32 to index
      %get3A_348 = tpu.vector_load %arg5[%get3A_347] {strides = array<i32>} : memref<128000xf32, #tpu.memory_space<vmem>>, vector<16xf32>,
      %neg3A_349 = arith.constant 0.000000e+00 : f32
      %neg3A_350 = vector.broadcast %neg3A_349 : f32 to vector<16xf32>
      %neg3A_351 = arith.subf %neg3A_350, %get3A_348 : vector<16xf32>
      %exp3A_352 = math.exp %neg3A_351 : vector<16xf32>
      %mul3A_353 = arith.mulf %exp3A_352, %broadcast_in_dim3A_3 : vector<16xf32>
      %add3A_354 = arith.addf %mul3A_353, %broadcast_in_dim3A_5 : vector<16xf32>
      %swap3A_355 = arith.index_cast %add3A_346 : i32 to index
      %swap3A_356 = tpu.vector_load %arg5[%swap3A_355] {strides = array<i32>} : memref<128000xf32, #tpu.memory_space<vmem>>, vector<16xf32>,
      tpu.vector_store %arg5[%swap3A_355], %add3A_354 {strides = array<i32>} : memref<128000xf32, #tpu.memory_space<vmem>>, vector<16xf32>,
      %add3A_357 = arith.constant 304 : i32
      %add3A_358 = arith.addi %mul3A_132, %add3A_357 : i32
      %get3A_359 = arith.index_cast %add3A_358 : i32 to index
      %get3A_360 = tpu.vector_load %arg5[%get3A_359] {strides = array<i32>} : memref<128000xf32, #tpu.memory_space<vmem>>, vector<16xf32>,
      %neg3A_361 = arith.constant 0.000000e+00 : f32
      %neg3A_362 = vector.broadcast %neg3A_361 : f32 to vector<16xf32>
      %neg3A_363 = arith.subf %neg3A_362, %get3A_360 : vector<16xf32>
      %exp3A_364 = math.exp %neg3A_363 : vector<16xf32>
      %mul3A_365 = arith.mulf %exp3A_364, %broadcast_in_dim3A_3 : vector<16xf32>
      %add3A_366 = arith.addf %mul3A_365, %broadcast_in_dim3A_5 : vector<16xf32>
      %swap3A_367 = arith.index_cast %add3A_358 : i32 to index
      %swap3A_368 = tpu.vector_load %arg5[%swap3A_367] {strides = array<i32>} : memref<128000xf32, #tpu.memory_space<vmem>>, vector<16xf32>,
      tpu.vector_store %arg5[%swap3A_367], %add3A_366 {strides = array<i32>} : memref<128000xf32, #tpu.memory_space<vmem>>, vector<16xf32>,
      %add3A_369 = arith.constant 320 : i32
      %add3A_370 = arith.addi %mul3A_132, %add3A_369 : i32
      %get3A_371 = arith.index_cast %add3A_370 : i32 to index
      %get3A_372 = tpu.vector_load %arg5[%get3A_371] {strides = array<i32>} : memref<128000xf32, #tpu.memory_space<vmem>>, vector<16xf32>,
      %neg3A_373 = arith.constant 0.000000e+00 : f32
      %neg3A_374 = vector.broadcast %neg3A_373 : f32 to vector<16xf32>
      %neg3A_375 = arith.subf %neg3A_374, %get3A_372 : vector<16xf32>
      %exp3A_376 = math.exp %neg3A_375 : vector<16xf32>
      %mul3A_377 = arith.mulf %exp3A_376, %broadcast_in_dim3A_3 : vector<16xf32>
      %add3A_378 = arith.addf %mul3A_377, %broadcast_in_dim3A_5 : vector<16xf32>
      %swap3A_379 = arith.index_cast %add3A_370 : i32 to index
      %swap3A_380 = tpu.vector_load %arg5[%swap3A_379] {strides = array<i32>} : memref<128000xf32, #tpu.memory_space<vmem>>, vector<16xf32>,
      tpu.vector_store %arg5[%swap3A_379], %add3A_378 {strides = array<i32>} : memref<128000xf32, #tpu.memory_space<vmem>>, vector<16xf32>,
      %add3A_381 = arith.constant 336 : i32
      %add3A_382 = arith.addi %mul3A_132, %add3A_381 : i32
      %get3A_383 = arith.index_cast %add3A_382 : i32 to index
      %get3A_384 = tpu.vector_load %arg5[%get3A_383] {strides = array<i32>} : memref<128000xf32, #tpu.memory_space<vmem>>, vector<16xf32>,
      %neg3A_385 = arith.constant 0.000000e+00 : f32
      %neg3A_386 = vector.broadcast %neg3A_385 : f32 to vector<16xf32>
      %neg3A_387 = arith.subf %neg3A_386, %get3A_384 : vector<16xf32>
      %exp3A_388 = math.exp %neg3A_387 : vector<16xf32>
      %mul3A_389 = arith.mulf %exp3A_388, %broadcast_in_dim3A_3 : vector<16xf32>
      %add3A_390 = arith.addf %mul3A_389, %broadcast_in_dim3A_5 : vector<16xf32>
      %swap3A_391 = arith.index_cast %add3A_382 : i32 to index
      %swap3A_392 = tpu.vector_load %arg5[%swap3A_391] {strides = array<i32>} : memref<128000xf32, #tpu.memory_space<vmem>>, vector<16xf32>,
      tpu.vector_store %arg5[%swap3A_391], %add3A_390 {strides = array<i32>} : memref<128000xf32, #tpu.memory_space<vmem>>, vector<16xf32>,
      %add3A_393 = arith.constant 352 : i32
      %add3A_394 = arith.addi %mul3A_132, %add3A_393 : i32
      %get3A_395 = arith.index_cast %add3A_394 : i32 to index
      %get3A_396 = tpu.vector_load %arg5[%get3A_395] {strides = array<i32>} : memref<128000xf32, #tpu.memory_space<vmem>>, vector<16xf32>,
      %neg3A_397 = arith.constant 0.000000e+00 : f32
      %neg3A_398 = vector.broadcast %neg3A_397 : f32 to vector<16xf32>
      %neg3A_399 = arith.subf %neg3A_398, %get3A_396 : vector<16xf32>
      %exp3A_400 = math.exp %neg3A_399 : vector<16xf32>
      %mul3A_401 = arith.mulf %exp3A_400, %broadcast_in_dim3A_3 : vector<16xf32>
      %add3A_402 = arith.addf %mul3A_401, %broadcast_in_dim3A_5 : vector<16xf32>
      %swap3A_403 = arith.index_cast %add3A_394 : i32 to index
      %swap3A_404 = tpu.vector_load %arg5[%swap3A_403] {strides = array<i32>} : memref<128000xf32, #tpu.memory_space<vmem>>, vector<16xf32>,
      tpu.vector_store %arg5[%swap3A_403], %add3A_402 {strides = array<i32>} : memref<128000xf32, #tpu.memory_space<vmem>>, vector<16xf32>,
      %add3A_405 = arith.constant 368 : i32
      %add3A_406 = arith.addi %mul3A_132, %add3A_405 : i32
      %get3A_407 = arith.index_cast %add3A_406 : i32 to index
      %get3A_408 = tpu.vector_load %arg5[%get3A_407] {strides = array<i32>} : memref<128000xf32, #tpu.memory_space<vmem>>, vector<16xf32>,
      %neg3A_409 = arith.constant 0.000000e+00 : f32
      %neg3A_410 = vector.broadcast %neg3A_409 : f32 to vector<16xf32>
      %neg3A_411 = arith.subf %neg3A_410, %get3A_408 : vector<16xf32>
      %exp3A_412 = math.exp %neg3A_411 : vector<16xf32>
      %mul3A_413 = arith.mulf %exp3A_412, %broadcast_in_dim3A_3 : vector<16xf32>
      %add3A_414 = arith.addf %mul3A_413, %broadcast_in_dim3A_5 : vector<16xf32>
      %swap3A_415 = arith.index_cast %add3A_406 : i32 to index
      %swap3A_416 = tpu.vector_load %arg5[%swap3A_415] {strides = array<i32>} : memref<128000xf32, #tpu.memory_space<vmem>>, vector<16xf32>,
      tpu.vector_store %arg5[%swap3A_415], %add3A_414 {strides = array<i32>} : memref<128000xf32, #tpu.memory_space<vmem>>, vector<16xf32>,
      %add3A_417 = arith.constant 384 : i32
      %add3A_418 = arith.addi %mul3A_132, %add3A_417 : i32
      %get3A_419 = arith.index_cast %add3A_418 : i32 to index
      %get3A_420 = tpu.vector_load %arg5[%get3A_419] {strides = array<i32>} : memref<128000xf32, #tpu.memory_space<vmem>>, vector<16xf32>,
      %neg3A_421 = arith.constant 0.000000e+00 : f32
      %neg3A_422 = vector.broadcast %neg3A_421 : f32 to vector<16xf32>
      %neg3A_423 = arith.subf %neg3A_422, %get3A_420 : vector<16xf32>
      %exp3A_424 = math.exp %neg3A_423 : vector<16xf32>
      %mul3A_425 = arith.mulf %exp3A_424, %broadcast_in_dim3A_3 : vector<16xf32>
      %add3A_426 = arith.addf %mul3A_425, %broadcast_in_dim3A_5 : vector<16xf32>
      %swap3A_427 = arith.index_cast %add3A_418 : i32 to index
      %swap3A_428 = tpu.vector_load %arg5[%swap3A_427] {strides = array<i32>} : memref<128000xf32, #tpu.memory_space<vmem>>, vector<16xf32>,
      tpu.vector_store %arg5[%swap3A_427], %add3A_426 {strides = array<i32>} : memref<128000xf32, #tpu.memory_space<vmem>>, vector<16xf32>,
      %add3A_429 = arith.constant 400 : i32
      %add3A_430 = arith.addi %mul3A_132, %add3A_429 : i32
      %get3A_431 = arith.index_cast %add3A_430 : i32 to index
      %get3A_432 = tpu.vector_load %arg5[%get3A_431] {strides = array<i32>} : memref<128000xf32, #tpu.memory_space<vmem>>, vector<16xf32>,
      %neg3A_433 = arith.constant 0.000000e+00 : f32
      %neg3A_434 = vector.broadcast %neg3A_433 : f32 to vector<16xf32>
      %neg3A_435 = arith.subf %neg3A_434, %get3A_432 : vector<16xf32>
      %exp3A_436 = math.exp %neg3A_435 : vector<16xf32>
      %mul3A_437 = arith.mulf %exp3A_436, %broadcast_in_dim3A_3 : vector<16xf32>
      %add3A_438 = arith.addf %mul3A_437, %broadcast_in_dim3A_5 : vector<16xf32>
      %swap3A_439 = arith.index_cast %add3A_430 : i32 to index
      %swap3A_440 = tpu.vector_load %arg5[%swap3A_439] {strides = array<i32>} : memref<128000xf32, #tpu.memory_space<vmem>>, vector<16xf32>,
      tpu.vector_store %arg5[%swap3A_439], %add3A_438 {strides = array<i32>} : memref<128000xf32, #tpu.memory_space<vmem>>, vector<16xf32>,
      %add3A_441 = arith.constant 416 : i32
      %add3A_442 = arith.addi %mul3A_132, %add3A_441 : i32
      %get3A_443 = arith.index_cast %add3A_442 : i32 to index
      %get3A_444 = tpu.vector_load %arg5[%get3A_443] {strides = array<i32>} : memref<128000xf32, #tpu.memory_space<vmem>>, vector<16xf32>,
      %neg3A_445 = arith.constant 0.000000e+00 : f32
      %neg3A_446 = vector.broadcast %neg3A_445 : f32 to vector<16xf32>
      %neg3A_447 = arith.subf %neg3A_446, %get3A_444 : vector<16xf32>
      %exp3A_448 = math.exp %neg3A_447 : vector<16xf32>
      %mul3A_449 = arith.mulf %exp3A_448, %broadcast_in_dim3A_3 : vector<16xf32>
      %add3A_450 = arith.addf %mul3A_449, %broadcast_in_dim3A_5 : vector<16xf32>
      %swap3A_451 = arith.index_cast %add3A_442 : i32 to index
      %swap3A_452 = tpu.vector_load %arg5[%swap3A_451] {strides = array<i32>} : memref<128000xf32, #tpu.memory_space<vmem>>, vector<16xf32>,
      tpu.vector_store %arg5[%swap3A_451], %add3A_450 {strides = array<i32>} : memref<128000xf32, #tpu.memory_space<vmem>>, vector<16xf32>,
      %add3A_453 = arith.constant 432 : i32
      %add3A_454 = arith.addi %mul3A_132, %add3A_453 : i32
      %get3A_455 = arith.index_cast %add3A_454 : i32 to index
      %get3A_456 = tpu.vector_load %arg5[%get3A_455] {strides = array<i32>} : memref<128000xf32, #tpu.memory_space<vmem>>, vector<16xf32>,
      %neg3A_457 = arith.constant 0.000000e+00 : f32
      %neg3A_458 = vector.broadcast %neg3A_457 : f32 to vector<16xf32>
      %neg3A_459 = arith.subf %neg3A_458, %get3A_456 : vector<16xf32>
      %exp3A_460 = math.exp %neg3A_459 : vector<16xf32>
      %mul3A_461 = arith.mulf %exp3A_460, %broadcast_in_dim3A_3 : vector<16xf32>
      %add3A_462 = arith.addf %mul3A_461, %broadcast_in_dim3A_5 : vector<16xf32>
      %swap3A_463 = arith.index_cast %add3A_454 : i32 to index
      %swap3A_464 = tpu.vector_load %arg5[%swap3A_463] {strides = array<i32>} : memref<128000xf32, #tpu.memory_space<vmem>>, vector<16xf32>,
      tpu.vector_store %arg5[%swap3A_463], %add3A_462 {strides = array<i32>} : memref<128000xf32, #tpu.memory_space<vmem>>, vector<16xf32>,
      %add3A_465 = arith.constant 448 : i32
      %add3A_466 = arith.addi %mul3A_132, %add3A_465 : i32
      %get3A_467 = arith.index_cast %add3A_466 : i32 to index
      %get3A_468 = tpu.vector_load %arg5[%get3A_467] {strides = array<i32>} : memref<128000xf32, #tpu.memory_space<vmem>>, vector<16xf32>,
      %neg3A_469 = arith.constant 0.000000e+00 : f32
      %neg3A_470 = vector.broadcast %neg3A_469 : f32 to vector<16xf32>
      %neg3A_471 = arith.subf %neg3A_470, %get3A_468 : vector<16xf32>
      %exp3A_472 = math.exp %neg3A_471 : vector<16xf32>
      %mul3A_473 = arith.mulf %exp3A_472, %broadcast_in_dim3A_3 : vector<16xf32>
      %add3A_474 = arith.addf %mul3A_473, %broadcast_in_dim3A_5 : vector<16xf32>
      %swap3A_475 = arith.index_cast %add3A_466 : i32 to index
      %swap3A_476 = tpu.vector_load %arg5[%swap3A_475] {strides = array<i32>} : memref<128000xf32, #tpu.memory_space<vmem>>, vector<16xf32>,
      tpu.vector_store %arg5[%swap3A_475], %add3A_474 {strides = array<i32>} : memref<128000xf32, #tpu.memory_space<vmem>>, vector<16xf32>,
      %add3A_477 = arith.constant 464 : i32
      %add3A_478 = arith.addi %mul3A_132, %add3A_477 : i32
      %get3A_479 = arith.index_cast %add3A_478 : i32 to index
      %get3A_480 = tpu.vector_load %arg5[%get3A_479] {strides = array<i32>} : memref<128000xf32, #tpu.memory_space<vmem>>, vector<16xf32>,
      %neg3A_481 = arith.constant 0.000000e+00 : f32
      %neg3A_482 = vector.broadcast %neg3A_481 : f32 to vector<16xf32>
      %neg3A_483 = arith.subf %neg3A_482, %get3A_480 : vector<16xf32>
      %exp3A_484 = math.exp %neg3A_483 : vector<16xf32>
      %mul3A_485 = arith.mulf %exp3A_484, %broadcast_in_dim3A_3 : vector<16xf32>
      %add3A_486 = arith.addf %mul3A_485, %broadcast_in_dim3A_5 : vector<16xf32>
      %swap3A_487 = arith.index_cast %add3A_478 : i32 to index
      %swap3A_488 = tpu.vector_load %arg5[%swap3A_487] {strides = array<i32>} : memref<128000xf32, #tpu.memory_space<vmem>>, vector<16xf32>,
      tpu.vector_store %arg5[%swap3A_487], %add3A_486 {strides = array<i32>} : memref<128000xf32, #tpu.memory_space<vmem>>, vector<16xf32>,
      %add3A_489 = arith.constant 480 : i32
      %add3A_490 = arith.addi %mul3A_132, %add3A_489 : i32
      %get3A_491 = arith.index_cast %add3A_490 : i32 to index
      %get3A_492 = tpu.vector_load %arg5[%get3A_491] {strides = array<i32>} : memref<128000xf32, #tpu.memory_space<vmem>>, vector<16xf32>,
      %neg3A_493 = arith.constant 0.000000e+00 : f32
      %neg3A_494 = vector.broadcast %neg3A_493 : f32 to vector<16xf32>
      %neg3A_495 = arith.subf %neg3A_494, %get3A_492 : vector<16xf32>
      %exp3A_496 = math.exp %neg3A_495 : vector<16xf32>
      %mul3A_497 = arith.mulf %exp3A_496, %broadcast_in_dim3A_3 : vector<16xf32>
      %add3A_498 = arith.addf %mul3A_497, %broadcast_in_dim3A_5 : vector<16xf32>
      %swap3A_499 = arith.index_cast %add3A_490 : i32 to index
      %swap3A_500 = tpu.vector_load %arg5[%swap3A_499] {strides = array<i32>} : memref<128000xf32, #tpu.memory_space<vmem>>, vector<16xf32>,
      tpu.vector_store %arg5[%swap3A_499], %add3A_498 {strides = array<i32>} : memref<128000xf32, #tpu.memory_space<vmem>>, vector<16xf32>,
      %add3A_501 = arith.constant 496 : i32
      %add3A_502 = arith.addi %mul3A_132, %add3A_501 : i32
      %get3A_503 = arith.index_cast %add3A_502 : i32 to index
      %get3A_504 = tpu.vector_load %arg5[%get3A_503] {strides = array<i32>} : memref<128000xf32, #tpu.memory_space<vmem>>, vector<16xf32>,
      %neg3A_505 = arith.constant 0.000000e+00 : f32
      %neg3A_506 = vector.broadcast %neg3A_505 : f32 to vector<16xf32>
      %neg3A_507 = arith.subf %neg3A_506, %get3A_504 : vector<16xf32>
      %exp3A_508 = math.exp %neg3A_507 : vector<16xf32>
      %mul3A_509 = arith.mulf %exp3A_508, %broadcast_in_dim3A_3 : vector<16xf32>
      %add3A_510 = arith.addf %mul3A_509, %broadcast_in_dim3A_5 : vector<16xf32>
      %swap3A_511 = arith.index_cast %add3A_502 : i32 to index
      %swap3A_512 = tpu.vector_load %arg5[%swap3A_511] {strides = array<i32>} : memref<128000xf32, #tpu.memory_space<vmem>>, vector<16xf32>,
      tpu.vector_store %arg5[%swap3A_511], %add3A_510 {strides = array<i32>} : memref<128000xf32, #tpu.memory_space<vmem>>, vector<16xf32>,
      %scan3A_513 = arith.constant 0 : i32
      scf.yield %scan3A_513 : i32
    }
    %scan3A_123 = arith.constant 250 : i32
    %mul3A_124 = arith.constant 512000 : i32
    %mul3A_125 = arith.muli %select_n3A_87, %mul3A_124 : i32
    %mul3A_126 = arith.constant 6400 : i32
    %mul3A_127 = arith.muli %mul3A_92, %mul3A_126 : i32
    %add3A_128 = arith.addi %mul3A_125, %mul3A_127 : i32
    "tpu.region"() ({
      %run_scoped3A = tpu.sem_alloc : memref<!tpu.dma_semaphore, #tpu.memory_space<semaphore_mem>>
      %dma_start3A_129 = tpu.memref_slice %arg4[%add3A_128] : memref<8192000xf32, #tpu.memory_space<hbm>> -> memref<128000xf32, #tpu.memory_space<hbm>>
      %dma_start3A_130 = tpu.memref_slice %arg4[%add3A_128] : memref<8192000xf32, #tpu.memory_space<hbm>> -> memref<128000xf32, #tpu.memory_space<hbm>>
      tpu.enqueue_dma source(%arg5 : memref<128000xf32, #tpu.memory_space<vmem>>) target(%dma_start3A_130 : memref<128000xf32, #tpu.memory_space<hbm>>) target_semaphore(%run_scoped3A : memref<!tpu.dma_semaphore, #tpu.memory_space<semaphore_mem>>)
      %dma_wait3A = tpu.memref_slice %arg4[%add3A_128] : memref<8192000xf32, #tpu.memory_space<hbm>> -> memref<128000xf32, #tpu.memory_space<hbm>>
      %dma_wait3A_131 = tpu.memref_slice %arg4[%add3A_128] : memref<8192000xf32, #tpu.memory_space<hbm>> -> memref<128000xf32, #tpu.memory_space<hbm>>
      tpu.wait_dma2 semaphore(%run_scoped3A : memref<!tpu.dma_semaphore, #tpu.memory_space<semaphore_mem>>) src(%arg5 : memref<128000xf32, #tpu.memory_space<vmem>>) dst(%dma_wait3A_131 : memref<128000xf32, #tpu.memory_space<hbm>>)
      tpu.yield
    }) : () -> ()
    return
  }
}

module attributes {stable_mosaic.version = 14 : i64} {
  func.func @_stage_body(%arg0: i32, %arg1: memref<8x24576xf32, #tpu.memory_space<vmem>>, %arg2: memref<8x8192xf32, #tpu.memory_space<vmem>>, %arg3: memref<2048x128xf32, #tpu.memory_space<vmem>>) attributes {dimension_semantics = [#tpu.dimension_semantics<arbitrary>], iteration_bounds = array<i64: 2>, scalar_prefetch = 0 : i64, scratch_operands = 0 : i64, tpu.core_type = #tpu.core_type<tc>, window_params = [{transform_indices = @transform_0, window_bounds = array<i64: 8, 24576>}, {transform_indices = @transform_1, window_bounds = array<i64: 8, 8192>}, {transform_indices = @transform_2, window_bounds = array<i64: 2048, 128>}]} {
    %get3A = arith.constant 0 : index
    %get3A_0 = arith.constant 0 : index
    %get3A_1 = vector.load %arg1[%get3A, %get3A_0] : memref<8x24576xf32, #tpu.memory_space<vmem>>, vector<8x24576xf32>
    %reshape3A = vector.shape_cast %get3A_1 : vector<8x24576xf32> to vector<8x32x6x128xf32>
    %get3A_2 = arith.constant 0 : index
    %get3A_3 = arith.constant 0 : index
    %get3A_4 = vector.load %arg2[%get3A_2, %get3A_3] : memref<8x8192xf32, #tpu.memory_space<vmem>>, vector<8x8192xf32>
    %reshape3A_5 = vector.shape_cast %get3A_4 : vector<8x8192xf32> to vector<8x32x2x128xf32>
    %concatenate3A = tpu.concatenate %reshape3A, %reshape3A_5 in 2 : vector<8x32x6x128xf32>, vector<8x32x2x128xf32> -> vector<8x32x8x128xf32>
    %reshape3A_6 = vector.shape_cast %concatenate3A : vector<8x32x8x128xf32> to vector<2048x128xf32>
    %swap3A = arith.constant 0 : index
    %swap3A_7 = arith.constant 0 : index
    %swap3A_8 = vector.load %arg3[%swap3A, %swap3A_7] : memref<2048x128xf32, #tpu.memory_space<vmem>>, vector<2048x128xf32>
    tpu.vector_store %arg3[%swap3A, %swap3A_7], %reshape3A_6 {strides = array<i32>} : memref<2048x128xf32, #tpu.memory_space<vmem>>, vector<2048x128xf32>,
    return
  }
  func.func @transform_0(%arg0: i32) -> (i32, i32) {
    %c0_i32 = arith.constant 0 : i32
    %c0_i32_0 = arith.constant 0 : i32
    return %arg0, %c0_i32 : i32, i32
  }
  func.func @transform_1(%arg0: i32) -> (i32, i32) {
    %c0_i32 = arith.constant 0 : i32
    %c0_i32_0 = arith.constant 0 : i32
    return %arg0, %c0_i32 : i32, i32
  }
  func.func @transform_2(%arg0: i32) -> (i32, i32) {
    %c0_i32 = arith.constant 0 : i32
    %c0_i32_0 = arith.constant 0 : i32
    return %arg0, %c0_i32 : i32, i32
  }
}

</mosaic_0001>

<sc_bundles>
// kernel: kernel.4.cloned.1.call-start
scs
__scs_entry_jumppad:
0x0: {  	(pc) =	sbr.rel $0x88, $3  }
0x1: {  	(tag) =	ssettag $0x0;
	lr =	simm.s32 $0x1  }
0x2: {  	[smem:$0x3F9E] =	sst lr;
	_ =	strace $0xD0000000  }
0x3: {  	_ = 	snop  }
0x4: {  	_ = 	snop  }
0x5: {  	_ = 	snop  }
0x6: {  	_ = 	snop  }
0x7: {  	_ = 	snop  }
__scs_overlays_trampoline_lowered:
0x8: {  	[smem:$0x3FAD] =	sst s0  }
0x9: {  	[smem:$0x3FAE] =	sst s1  }
0xa: {  	[smem:$0x3FAF] =	sst s2  }
0xb: {  	[smem:$0x3FB0] =	sst s3  }
0xc: {  	[smem:$0x3FB1] =	sst s4  }
0xd: {  	[smem:$0x3FB2] =	sst s5  }
0xe: {  	[smem:$0x3FB3] =	sst s6  }
0xf: {  	[smem:$0x3FB4] =	sst s7  }
0x10: {  	[smem:$0x3FB5] =	sst s8  }
0x11: {  	[smem:$0x3FB6] =	sst s9;
	s0 =	simm.s32 @!p0 $0x0  }
0x12: {  	s1 =	sld [smem:$0x3F9C];
	s0 =	simm.s32 @p0 $0x1  }
0x13: {  	[smem:$0x3FB7] =	sst s0;
	s0 =	simm.s32 @!p1 $0x0  }
0x14: {  	s2 =	sld [smem:$0x3F9B];
	s0 =	simm.s32 @p1 $0x1  }
0x15: {  	[smem:$0x3FB8] =	sst s0;
	s0 =	simm.s32 @!p2 $0x0  }
0x16: {  	s3 =	sld [smem:$0x3FDB];
	s0 =	simm.s32 @p2 $0x1  }
0x17: {  	s4 =	simm.s32 $0x1BF5;
	[smem:$0x3FBA] =	sst s0  }
0x18: {  	s0 =	sld [smem:$0x3F9D];
	_ =	swait.ge [sflag:s4], $0x0  }
0x19: {  	s7 =	sld [smem:$0x3F9E]  }
0x1a: {  	s8 =	sadd.s32 $0xFFFFE003, lr  }
0x1b: {  	s9 =	sadd.s32 $0xFFFFFEF7, lr;
	s5 =	simm.s32 $0xFFFFFFFF;
	p2 =	slt.u32 s8, $0xFFFFF086  }
0x1c: {  	p1 =	slt.u32 s9, $0xF7A;
	s5 =	simm.s32 @!p2 $0x0  }
0x1d: {  	s5 =	simm.s32 @p1 $0x1;
	p0 =	seq.s32 s7, s2  }
0x1e: {  	s7 =	smul.u32 @!p0 $0xF7A, s2;
	p2 =	seq.s32 @!p0 s5, $0x0  }
0x1f: {  	s9 =	smul.u32 $0xF7A, s1;
	s8 =	simm.s32 @!p0 $0x1BF5;
	p2 =	por !p2, p0  }
0x20: {  	[sflag:s8] =	ssyncset.s32 @!p0 $0xFFFFF086;
	s6 =	sadd.s32 @!p0 s3, s7;
	s7 =	simm.s32 @!p0 $0x108  }
0x21: {  	s3 =	sadd.s32 s3, s9;
	s6 =	sadd.s32 @!p0 $0x88, s6;
	s7 =	simm.s32 @p2 $0x1082  }
0x22: {  	[simem:s7], [sflag:s8] =	dma.local @!p0 [hbm:s6], $0xF7A  }
0x23: {  	s9 =	sor.u32 $0xD0000000, s2;
	s6 =	simm.s32 $0x108;
	_ =	swait.ge @!p0 [sflag:s8], $0x0  }
0x24: {  	s3 =	sadd.s32 $0x88, s3;
	s6 =	simm.s32 @!p1 $0x1082;
	[sflag:s4] =	ssyncset.s32 $0xFFFFF086  }
0x25: {  	[simem:s6], [sflag:s4] =	dma.local [hbm:s3], $0xF7A  }
0x26: {  	[smem:$0x3F9E] =	sst s1;
	(tag) =	ssettag s2;
	_ =	strace s9  }
0x27: {  	s1 =	sld [smem:$0x3FAE]  }
0x28: {  	s2 =	sld [smem:$0x3FAF]  }
0x29: {  	s4 =	sld [smem:$0x3FB1]  }
0x2a: {  	p0 =	seq.s32 s5, $0x0;
	s5 =	sld [smem:$0x3FB2]  }
0x2b: {  	s6 =	sld [smem:$0x3FB3]  }
0x2c: {  	s7 =	sld [smem:$0x3FB4]  }
0x2d: {  	s3 =	simm.s32 $0x108;
	s8 =	sld [smem:$0x3FB5]  }
0x2e: {  	s3 =	simm.s32 @!p0 $0x1082;
	s9 =	sld [smem:$0x3FB6]  }
0x2f: {  	lr =	sadd.s32 s0, s3;
	s0 =	sld [smem:$0x3FAD]  }
0x30: {  	s3 =	sld [smem:$0x3FB0]  }
0x31: {  	[smem:$0x3FB9] =	sst s10  }
0x32: {  	s10 =	sld [smem:$0x3FB7];
	_ =	sdelay $0x3  }
0x33: {  	p0 =	seq.s32 s10, $0x1;
	s10 =	sld [smem:$0x3FB9];
	_ =	sdelay $0x3  }
0x34: {  	[smem:$0x3FB9] =	sst s10  }
0x35: {  	s10 =	sld [smem:$0x3FB8];
	_ =	sdelay $0x3  }
0x36: {  	p1 =	seq.s32 s10, $0x1;
	s10 =	sld [smem:$0x3FB9];
	_ =	sdelay $0x3  }
0x37: {  	[smem:$0x3FB9] =	sst s10  }
0x38: {  	s10 =	sld [smem:$0x3FBA]  }
0x39: {  	_ = 	snop;
	(pc) =	sbr.ind lr, $3  }
0x3a: {  	_ = 	snop  }
0x3b: {  	_ = 	snop  }
0x3c: {  	p2 =	seq.s32 s10, $0x1;
	s10 =	sld [smem:$0x3FB9]  }
0x3d: {  	_ =	shalt  }
0x3e: {  	_ =	shalt  }
0x3f: {  	_ =	shalt  }
0x40: {  	_ =	shalt  }
0x41: {  	_ =	shalt  }
0x42: {  	_ =	shalt  }
0x43: {  	_ =	shalt  }
0x44: {  	_ =	shalt  }
0x45: {  	_ =	shalt  }
0x46: {  	_ =	shalt  }
0x47: {  	_ =	shalt  }
0x48: {  	_ =	shalt  }
0x49: {  	_ =	shalt  }
0x4a: {  	_ =	shalt  }
0x4b: {  	_ =	shalt  }
0x4c: {  	_ =	shalt  }
0x4d: {  	_ =	shalt  }
0x4e: {  	_ =	shalt  }
0x4f: {  	_ =	shalt  }
0x50: {  	_ =	shalt  }
0x51: {  	_ =	shalt  }
0x52: {  	_ =	shalt  }
0x53: {  	_ =	shalt  }
0x54: {  	_ =	shalt  }
0x55: {  	_ =	shalt  }
0x56: {  	_ =	shalt  }
0x57: {  	_ =	shalt  }
0x58: {  	_ =	shalt  }
0x59: {  	_ =	shalt  }
0x5a: {  	_ =	shalt  }
0x5b: {  	_ =	shalt  }
0x5c: {  	_ =	shalt  }
0x5d: {  	_ =	shalt  }
0x5e: {  	_ =	shalt  }
0x5f: {  	_ =	shalt  }
0x60: {  	_ =	shalt  }
0x61: {  	_ =	shalt  }
0x62: {  	_ =	shalt  }
0x63: {  	_ =	shalt  }
0x64: {  	_ =	shalt  }
0x65: {  	_ =	shalt  }
0x66: {  	_ =	shalt  }
0x67: {  	_ =	shalt  }
0x68: {  	_ =	shalt  }
0x69: {  	_ =	shalt  }
0x6a: {  	_ =	shalt  }
0x6b: {  	_ =	shalt  }
0x6c: {  	_ =	shalt  }
0x6d: {  	_ =	shalt  }
0x6e: {  	_ =	shalt  }
0x6f: {  	_ =	shalt  }
0x70: {  	_ =	shalt  }
0x71: {  	_ =	shalt  }
0x72: {  	_ =	shalt  }
0x73: {  	_ =	shalt  }
0x74: {  	_ =	shalt  }
0x75: {  	_ =	shalt  }
0x76: {  	_ =	shalt  }
0x77: {  	_ =	shalt  }
0x78: {  	_ =	shalt  }
0x79: {  	_ =	shalt  }
0x7a: {  	_ =	shalt  }
0x7b: {  	_ =	shalt  }
0x7c: {  	_ =	shalt  }
0x7d: {  	_ =	shalt  }
0x7e: {  	_ =	shalt  }
0x7f: {  	_ =	shalt  }
0x80: {  	_ =	shalt  }
0x81: {  	_ =	shalt  }
0x82: {  	_ =	shalt  }
0x83: {  	_ =	shalt  }
0x84: {  	_ =	shalt  }
0x85: {  	_ =	shalt  }
0x86: {  	_ =	shalt  }
0x87: {  	_ =	shalt  }
.Lfunc_end0:
.L_simem_size_0:
called_computation_lowered:
.L_overlay_start_0:
0x88: {  	s2 =	sld [smem:$0x3FD9]  }
0x89: {  	s3 =	sld [smem:$0x3FFE];
	_ =	sdelay $0x1  }
0x8a: {  	s1 =	srdreg.scid  }
0x8b: {  	s0 =	sand.u32 $0x1, s1  }
0x8c: {  	s17 =	sshll.u32 s0, $0xA;
	s2 =	sadd.s32 s3, s2  }
0x8d: {  	s2 =	sadd.s32 s2, s17  }
0x8e: {  	[smem:$0x3FC5] =	sst s2  }
0x8f: {  	_ = 	snop  }
0x90: {  	s2 =	sld [smem:$0x3FC7]  }
0x91: {  	s18 =	sld [smem:$0x3FD0];
	(tm) =	ssettm $0x1  }
0x92: {  	s4 =	sld [smem:$0x3FFB];
	_ =	sdelay $0x3  }
0x93: {  	_ =	strace s4  }
0x94: {  	s4 =	sld [smem:$0x3FFC];
	_ =	sdelay $0x3  }
0x95: {  	_ =	strace s4  }
0x96: {  	s4 =	sld [smem:$0x3FFD];
	_ =	sdelay $0x3  }
0x97: {  	_ =	strace s4  }
0x98: {  	_ =	strace $0x8FFFFFFF  }
0x99: {  	s19 =	sld [smem:$0x3FDB];
	_ =	sdelay $0x1  }
0x9a: {  	s5 =	simm.s32 $_scs_section_size  }
0x9b: {  	s6 =	simm.s32 $_size__tile_overlayer_lowered;
	s7 =	simm.s32 $_tile_overlayer_lowered  }
0x9c: {  	s22 =	simm.s32 $0x1BFF;
	s21 =	sshll.u32 s7, $0x1;
	s4 =	sadd.s32 s5, s19  }
0x9d: {  	s8 =	simm.s32 $0x0;
	s20 =	sshll.u32 s6, $0x1;
	s6 =	sadd.s32 s21, s4  }
0x9e: {  	[timem:s8], [sflag:s22] =	dma.local [hbm:s6], s20  }
0x9f: {  	_ =	swait.ge [sflag:s22], s20  }
0xa0: {  	s5 =	ssub.s32 $0x0, s20;
	[sflag:s22] =	ssyncset.done $0x0  }
0xa1: {  	[sflag:s22] =	ssyncadd.s32 s5;
	_ =	sdelay $0x1  }
0xa2: {  	s23 =	simm.s32 $0x1B8B  }
0xa3: {  	_ =	swait.ge [sflag:s23], $0x1  }
0xa4: {  	[sflag:s23] =	ssyncset.done $0x0  }
0xa5: {  	s25 =	simm.s32 $0x1B8E;
	s24 =	sld [smem:$0x3FFE];
	[sflag:s23] =	ssyncadd.s32 $0xFFFFFFFF  }
0xa6: {  	s26 =	simm.s32 $execute0_lowered;
	[smem:$0x3FD2] =	sst s25  }
0xa7: {  	s6 =	sshll.u32 s26, $0x1;
	_ =	strace $0x80000046;
	[dreg:$0x1] =	wrdreg $0xFFFFFFFF  }
0xa8: {  	s28 =	simm.s32 $_size_execute0_lowered;
	s4 =	sadd.s32 s4, s6;
	[dreg:$0x0] =	wrdreg $0x0  }
0xa9: {  	s6 =	sshll.u32 s28, $0x1;
	[dreg:$0x2] =	wrdreg s4  }
0xaa: {  	[dreg:$0x3] =	wrdreg s6  }
0xab: {  	[dreg:$0x4] =	wrdreg $0xC0  }
0xac: {  	_ =	task [dreg:s8], $0x5FFFF  }
0xad: {  	[dreg:$0x1] =	wrdreg $0xFFFFFFFF  }
0xae: {  	[dreg:$0x0] =	wrdreg $0x60  }
0xaf: {  	[dreg:$0x2] =	wrdreg s18  }
0xb0: {  	[dreg:$0x3] =	wrdreg s2  }
0xb1: {  	[dreg:$0x4] =	wrdreg s24  }
0xb2: {  	[dreg:$0x5] =	wrdreg $0x9  }
0xb3: {  	_ =	task.clear_ibuf [dreg:s8], $0x6FFFF;
	_ =	strace $0x90000046  }
0xb4: {  	s29 =	simm.s32 $0x9;
	_ =	strace $0x80000048  }
0xb5: {  	_ =	swait.ge [sflag:s29], $0x1  }
0xb6: {  	[sflag:s29] =	ssyncadd.s32 $0xFFFFFFFF  }
0xb7: {  	_ =	strace $0x90000048  }
0xb8: {  	_ =	sfence  }
0xb9: {  	s30 =	sld [smem:$0x0];
	_ =	sdelay $0x2  }
0xba: {  	s31 =	sshll.u32 s1, $0xD;
	s1 =	sshrl.u32 s1, $0x2  }
0xbb: {  	s3 =	sand.u32 $0x4000, s31;
	s1 =	sadd.s32 s1, s30  }
0xbc: {  	s0 =	sor.u32 s3, s0;
	s1 =	sshll.u32 s1, $0x11  }
0xbd: {  	s0 =	sor.u32 s1, s0  }
0xbe: {  	s0 =	sadd.s32 $0x8F2B, s0  }
0xbf: {  	[sflag:s0] =	ssyncadd.remote.s32 $0x1  }
0xc0: {  	_ =	sfence.sel $0xFFFF  }
0xc1: {  	[dreg:$0x0] =	wrdreg $0xFFFFFFFF;
	(pc) =	sbr.abs _section_cstart, $3  }
0xc2: {  	[dreg:$0x1] =	wrdreg $0xFFFFFFFF  }
0xc3: {  	_ =	task.clear_ibuf [dreg:s8], $0x2FFFF;
	_ =	strace $0x9FFFFFFF  }
0xc4: {  	(tm) =	ssettm $0x7FFFFFFF  }
0xc5: {  	_ =	shalt  }
tec
execute0_lowered:
.L_overlay_start_1:
0x0: {  	(tag) =	ssettag $0x1  }
0x1: {  	s7 =	rddreg [dreg:$0x0]  }
0x2: {  	s2 =	rddreg [dreg:$0x1]  }
0x3: {  	s4 =	rddreg [dreg:$0x2]  }
0x4: {  	s3 =	srdreg.scid;
	s1 =	stileid.u32  }
0x5: {  	s0 =	rddreg [dreg:$0x3];
	s5 =	sand.u32 $0x1, s3;
	s6 =	sshll.u32 s1, $0x1  }
0x6: {  	s9 =	sshrl.u32 s1, $0x1;
	s3 =	simm.s32 $0x0;
	s11 =	sadd.s32 $0x800, s4  }
0x7: {  	s17 =	sadd.s32 $0x100, s7;
	s6 =	sor.u32 s5, s6;
	s8 =	sshll.u32 s9, $0x2  }
0x8: {  	[smem:$0x7FF] =	sst s3;
	s12 =	smul.u32 $0x7D000, s9;
	s14 =	sor.u32 $0x8, s9  }
0x9: {  	s5 =	ssub.s32 $0x2, s5;
	s8 =	ssub.s32 s6, s8;
	s15 =	smul.u32 $0x7D000, s14  }
0xa: {  	s28 =	sshll.u32 s9, $0xC;
	_ =	strace $0x80000047;
	s10 =	smul.u32 $0x14, s8  }
0xb: {  	s25 =	sshrl.u32 s5, $0x1;
	s6 =	sand.u32 $0x3, s6;
	s26 =	smul.u32 $0x1F400, s8  }
0xc: {  	s4 =	sadd.s32 s7, s28;
	s30 =	sshll.u32 s14, $0xC;
	s29 =	smul.u32 $0x1F400, s6  }
0xd: {  	v3 =	vmov s14;
	s14 =	simm.s32 $0x1F800;
	s13 =	ssub.s32 s5, s25;
	s19 =	smul.u32 $0x14, s6  }
0xe: {  	s7 =	sadd.s32 s7, s30;
	s8 =	sadd.s32 s30, s17;
	s5 =	sadd.s32 s12, s26  }
0xf: {  	s16 =	sadd.s32 $0x14, s10;
	s12 =	sadd.s32 s15, s29;
	s31 =	sadd.s32 $0x14, s19  }
0x10: {  	v1 =	vmov s10;
	s10 =	smax.u32 s13, $0x1;
	s13 =	simm.s32 $0x1F400;
	s15 =	simm.s32 $0x1  }
0x11: {  	v5 =	vlaneseq.u32;
	s18 =	sshrl.u32 s5, $0x3;
	s5 =	sadd.s32 s28, s17;
	s12 =	sshrl.u32 s12, $0x3  }
0x12: {  	v7 =	vimm.f32 $0.0e+00;
	v8 =	vor.u32 $0x300, v5;
	v2 =	vmov s16;
	s16 =	simm.s32 $0x2;
	s17 =	simm.s32 $0x0;
	s6 =	sadd.s32 s11, s18  }
0x13: {  	v0 =	vmov s9;
	v4 =	vmov s19;
	v6 =	vmov s31;
	s9 =	sadd.s32 s11, s12;
	s11 =	simm.s32 $0x1FC00;
	s12 =	simm.s32 $0x3  }
.LBB2_1:
0x14: {  	[tilespmem:s11], [sflag:$0x3] =	stream.linear.gather [hbm4b:s2+s3], $0x80, $0x38;
	[tilespmem:$0x1FC80] =	vst v63  }
0x15: {  	_ =	swait.ge [sflag:s12], $0x80  }
0x16: {  	[sflag:s12] =	ssyncset.done $0x0  }
0x17: {  	[sflag:s12] =	ssyncadd.s32 $0xFFFFFF80  }
0x18: {  	s18 =	simm.s32 $0x0;
	s19 =	simm.s32 $0x800;
	v9 =	vld.idx.msk [tilespmem:v0+s11+$0x0], $0xffff  }
.LBB2_2:
0x19: {  	p0 =	sne.s32 s19, $0x7C800;
	[tilespmem:s18+$0x1F0] =	vst v7  }
0x1a: {  	[tilespmem:s18+$0x0] =	vst v7  }
0x1b: {  	[tilespmem:s18+$0x10] =	vst v7  }
0x1c: {  	[tilespmem:s18+$0x20] =	vst v7  }
0x1d: {  	[tilespmem:s18+$0x30] =	vst v7  }
0x1e: {  	[tilespmem:s18+$0x40] =	vst v7  }
0x1f: {  	[tilespmem:s18+$0x50] =	vst v7  }
0x20: {  	[tilespmem:s18+$0x60] =	vst v7  }
0x21: {  	[tilespmem:s18+$0x70] =	vst v7  }
0x22: {  	[tilespmem:s18+$0x80] =	vst v7  }
0x23: {  	[tilespmem:s18+$0x90] =	vst v7  }
0x24: {  	[tilespmem:s18+$0xA0] =	vst v7  }
0x25: {  	[tilespmem:s18+$0xB0] =	vst v7  }
0x26: {  	[tilespmem:s18+$0xC0] =	vst v7  }
0x27: {  	[tilespmem:s18+$0xD0] =	vst v7  }
0x28: {  	[tilespmem:s18+$0xE0] =	vst v7  }
0x29: {  	[tilespmem:s18+$0xF0] =	vst v7  }
0x2a: {  	[tilespmem:s18+$0x100] =	vst v7  }
0x2b: {  	[tilespmem:s18+$0x110] =	vst v7  }
0x2c: {  	[tilespmem:s18+$0x120] =	vst v7  }
0x2d: {  	[tilespmem:s18+$0x130] =	vst v7  }
0x2e: {  	[tilespmem:s18+$0x140] =	vst v7  }
0x2f: {  	[tilespmem:s18+$0x150] =	vst v7  }
0x30: {  	[tilespmem:s18+$0x160] =	vst v7  }
0x31: {  	[tilespmem:s18+$0x170] =	vst v7  }
0x32: {  	[tilespmem:s18+$0x180] =	vst v7  }
0x33: {  	[tilespmem:s18+$0x190] =	vst v7  }
.Ltmp0:
0x34: {  	[tilespmem:s18+$0x1A0] =	vst v7;
	(pc) =	sbr.rel @p0 .LBB2_2-.Ltmp0, $4  }
0x35: {  	[tilespmem:s18+$0x1B0] =	vst v7  }
0x36: {  	[tilespmem:s18+$0x1C0] =	vst v7  }
0x37: {  	[tilespmem:s18+$0x1D0] =	vst v7  }
0x38: {  	[tilespmem:s18+$0x1E0] =	vst v7;
	s18 =	sshra.s32 s19, $0x2;
	s19 =	sadd.s32 $0x800, s19  }
0x39: {  	[tilespmem:s18+$0x1F0] =	vst v7  }
0x3a: {  	[tilespmem:s18+$0x0] =	vst v7  }
0x3b: {  	[tilespmem:s18+$0x10] =	vst v7  }
0x3c: {  	[tilespmem:s18+$0x20] =	vst v7  }
0x3d: {  	[tilespmem:s18+$0x30] =	vst v7  }
0x3e: {  	[tilespmem:s18+$0x40] =	vst v7  }
0x3f: {  	[tilespmem:s18+$0x50] =	vst v7  }
0x40: {  	[tilespmem:s18+$0x60] =	vst v7  }
0x41: {  	[tilespmem:s18+$0x70] =	vst v7  }
0x42: {  	[tilespmem:s18+$0x80] =	vst v7  }
0x43: {  	[tilespmem:s18+$0x90] =	vst v7  }
0x44: {  	[tilespmem:s18+$0xA0] =	vst v7  }
0x45: {  	[tilespmem:s18+$0xB0] =	vst v7  }
0x46: {  	[tilespmem:s18+$0xC0] =	vst v7  }
0x47: {  	[tilespmem:s18+$0xD0] =	vst v7  }
0x48: {  	[tilespmem:s18+$0xE0] =	vst v7  }
0x49: {  	[tilespmem:s18+$0xF0] =	vst v7  }
0x4a: {  	[tilespmem:s18+$0x100] =	vst v7  }
0x4b: {  	[tilespmem:s18+$0x110] =	vst v7  }
0x4c: {  	[tilespmem:s18+$0x120] =	vst v7  }
0x4d: {  	[tilespmem:s18+$0x130] =	vst v7  }
0x4e: {  	[tilespmem:s18+$0x140] =	vst v7  }
0x4f: {  	[tilespmem:s18+$0x150] =	vst v7  }
0x50: {  	[tilespmem:s18+$0x160] =	vst v7  }
0x51: {  	[tilespmem:s18+$0x170] =	vst v7  }
0x52: {  	[tilespmem:s18+$0x180] =	vst v7  }
0x53: {  	[tilespmem:s18+$0x190] =	vst v7  }
0x54: {  	[tilespmem:s18+$0x1A0] =	vst v7  }
0x55: {  	[tilespmem:s18+$0x1B0] =	vst v7  }
0x56: {  	[tilespmem:s18+$0x1C0] =	vst v7  }
0x57: {  	[tilespmem:s18+$0x1D0] =	vst v7  }
0x58: {  	[tilespmem:s18+$0x1E0] =	vst v7;
	s18 =	simm.s32 $0x0;
	s19 =	simm.s32 $0x0  }
0x59: {  	[tilespmem:s13], [sflag:$0x1] =	stream.linear.gather [hbm4b:s4+s18], $0x400, $0x38;
	[tilespmem:$0x1FC80] =	vst v63  }
.LBB2_4:
0x5a: {  	s20 =	sshllo.u32 s19, $0x1;
	v10 =	vor.u32 s18, v5  }
0x5b: {  	s21 =	sshll.u32 s20, $0x7;
	v11 =	vmul.u32 $0x3, v10  }
0x5c: {  	s21 =	sadd.s32 s21, s4  }
0x5d: {  	[tilespmem:s14], [sflag:$0x2] =	stream.linear.gather [hbm4b:s21+s18], $0x400, $0x38;
	v12 =	vadd.s32 $0x1, v11;
	[tilespmem:$0x1FC80] =	vst v63  }
0x5e: {  	v13 =	vadd.s32 $0x2, v11;
	_ =	swait.ge [sflag:s15], $0x400  }
0x5f: {  	[sflag:s15] =	ssyncset.done $0x0  }
0x60: {  	[sflag:s15] =	ssyncadd.s32 $0xFFFFFC00  }
0x61: {  	v16 =	vld.idx.msk [tilespmem:v11+s13+$0x0], $0xffff  }
0x62: {  	v12 =	vld.idx.msk [tilespmem:v12+s13+$0x0], $0xffff  }
0x63: {  	s23 =	simm.s32 $0x10;
	s31 =	sshll.u32 s19, $0x9;
	v13 =	vld.idx.msk [tilespmem:v13+s13+$0x0], $0xffff  }
0x64: {  	v21 =	vmov s18;
	v14 =	vor.u32 s23, v5;
	v17 =	vmov s31  }
0x65: {  	s22 =	simm.s32 $0x20;
	v21 =	vand.u32 $0xFF, v21;
	v15 =	vmul.u32 $0x3, v14;
	v20 =	vor.u32 v17, v10  }
0x66: {  	v14 =	vor.u32 v17, v14;
	v10 =	vor.u32 s22, v5;
	v22 =	vtrunc.f32 v16  }
0x67: {  	v21 =	vor.u32 v8, v21;
	vm0 =	vlt.s32 v20, v9;
	v22 =	vcvt.f32.s32 v22  }
0x68: {  	v18 =	vadd.s32 $0x1, v15;
	v23 =	vtrunc.f32 v12;
	v24 =	vtrunc.f32 v13  }
0x69: {  	v11 =	vmul.u32 $0x3, v10;
	v23 =	vcvt.f32.s32 v23;
	v20 =	vcvt.f32.s32 v24  }
0x6a: {  	v24 =	vcvt.s32.f32 v22;
	vm1 =	vge.s32 v22, v1;
	vm2 =	vgt.s32 v2, v22  }
0x6b: {  	v26 =	vsub.s32 v22, v1;
	v25 =	vcvt.s32.f32 v23;
	v23 =	vmul.u32 $0x50, v23  }
0x6c: {  	vm3 =	vgt.s32 v26, $0x0;
	vm1 =	vmand vm1, vm2;
	v16 =	vsub.f32 v16, v24  }
0x6d: {  	v21 =	vld.idx.msk [tilespmem:v21+s13+$0x0], $0xffff;
	v24 =	vcvt.s32.f32 v20;
	vm1 =	vmand vm0, vm1;
	v25 =	vsub.f32 v12, v25  }
0x6e: {  	v12 =	vadd.s32 $0x1, v22;
	v22 =	vnsel vm3, $0x0, v26;
	v20 =	vadd.s32 v20, v23  }
0x6f: {  	v24 =	vsub.f32 v13, v24;
	v13 =	vsub.s32 v12, v1;
	v26 =	vsub.f32 $1.000000000e+00, v16  }
0x70: {  	vm2 =	vlt.s32 v12, v2;
	v22 =	vmin.u32 v22, $0x13;
	v27 =	vadd.s32 $0x50, v20  }
0x71: {  	vm3 =	vgt.s32 v13, $0x0;
	v23 =	vsub.f32 $1.000000000e+00, v25;
	v22 =	vmul.u32 $0x1900, v22  }
0x72: {  	v13 =	vnsel vm3, $0x0, v13;
	v26 =	vmul.f32 v26, v21;
	vm3 =	vge.s32 v12, v1  }
0x73: {  	v28 =	vsub.f32 $1.000000000e+00, v24;
	v12 =	vmin.u32 v13, $0x13;
	v29 =	vadd.s32 v22, v20  }
0x74: {  	v30 =	vadd.s32 v22, v27;
	v13 =	vmul.f32 v23, v26;
	v22 =	vadd.s32 $0x1, v29  }
0x75: {  	v10 =	vor.u32 v17, v10;
	v16 =	vmul.f32 v16, v21;
	vm0 =	vmand vm2, vm0  }
0x76: {  	vm0 =	vmand vm0, vm3;
	v12 =	vmul.u32 $0x1900, v12;
	v31 =	vmul.f32 v28, v13  }
0x77: {  	v26 =	vmul.f32 v26, v25;
	v32 =	vadd.s32 $0x1, v30;
	v33 =	vmul.f32 v13, v24  }
0x78: {  	v19 =	vadd.s32 $0x2, v15;
	v34 =	vadd.s32 v12, v20;
	v21 =	vadd.s32 v12, v27;
	[tilespmem:v29+s3+$0x0] =	vst.idx.add.f32.msk vm1, v31  }
0x79: {  	v20 =	vmul.f32 v23, v16;
	v23 =	vmul.f32 v28, v26;
	[tilespmem:v22+s3+$0x0] =	vst.idx.add.f32.msk vm1, v33;
	v22 =	vadd.s32 $0x1, v34  }
0x7a: {  	v12 =	vadd.s32 $0x1, v11;
	v26 =	vmul.f32 v26, v24;
	v27 =	vmul.f32 v25, v16  }
0x7b: {  	s21 =	simm.s32 $0x30;
	v13 =	vadd.s32 $0x2, v11;
	v63 =	vmul.f32 v28, v20;
	[tilespmem:v30+s3+$0x0] =	vst.idx.add.f32.msk vm1, v23;
	v23 =	vadd.s32 $0x1, v21  }
0x7c: {  	v16 =	vor.u32 s21, v5;
	v25 =	vmul.f32 v20, v24;
	v24 =	vmul.f32 v24, v27;
	[tilespmem:v32+s3+$0x0] =	vst.idx.add.f32.msk vm1, v26  }
0x7d: {  	s24 =	simm.s32 $0x40;
	v20 =	vmul.u32 $0x3, v16;
	v16 =	vor.u32 v17, v16;
	v26 =	vmul.f32 v28, v27;
	[tilespmem:v34+s3+$0x0] =	vst.idx.add.f32.msk vm0, v63  }
.LBB2_5:
0x7e: {  	p0 =	sne.s32 s24, $0xF0;
	[tilespmem:v22+s3+$0x0] =	vst.idx.add.f32.msk vm0, v25;
	s25 =	smov.u32 s24;
	s24 =	sadd.s32 $0x10, s24  }
0x7f: {  	v22 =	vadd.s32 $0x1, v20;
	[tilespmem:v21+s3+$0x0] =	vst.idx.add.f32.msk vm0, v26  }
0x80: {  	[tilespmem:v23+s3+$0x0] =	vst.idx.add.f32.msk vm0, v24  }
0x81: {  	v21 =	vadd.s32 $0x2, v20;
	v23 =	vld.idx.msk [tilespmem:v15+s13+$0x0], $0xffff;
	v15 =	vmov v11;
	v11 =	vmov v20  }
0x82: {  	v20 =	vld.idx.msk [tilespmem:v18+s13+$0x0], $0xffff;
	v18 =	vmov v12;
	v12 =	vmov v22  }
0x83: {  	v22 =	vld.idx.msk [tilespmem:v19+s13+$0x0], $0xffff;
	v19 =	vmov v13;
	v13 =	vmov v21;
	_ =	sdelay $0x1  }
0x84: {  	v21 =	vmov s23;
	s23 =	smov.u32 s22;
	s22 =	smov.u32 s21;
	s21 =	smov.u32 s25  }
0x85: {  	v21 =	vand.u32 $0xFF, v21  }
0x86: {  	v21 =	vor.u32 v8, v21;
	v24 =	vtrunc.f32 v23  }
0x87: {  	v24 =	vcvt.f32.s32 v24;
	v25 =	vtrunc.f32 v20  }
0x88: {  	vm0 =	vlt.s32 v14, v9;
	v14 =	vmovc v10;
	v10 =	vmovc v16;
	v25 =	vcvt.f32.s32 v25;
	v26 =	vtrunc.f32 v22  }
0x89: {  	v16 =	vcvt.f32.s32 v26;
	v26 =	vcvt.s32.f32 v24;
	vm1 =	vge.s32 v24, v1  }
0x8a: {  	vm2 =	vgt.s32 v2, v24;
	v27 =	vcvt.s32.f32 v25;
	v25 =	vmul.u32 $0x50, v25  }
0x8b: {  	v28 =	vsub.s32 v24, v1;
	v23 =	vsub.f32 v23, v26;
	v26 =	vcvt.s32.f32 v16;
	v21 =	vld.idx.msk [tilespmem:v21+s13+$0x0], $0xffff  }
0x8c: {  	v24 =	vadd.s32 $0x1, v24;
	vm3 =	vgt.s32 v28, $0x0;
	v20 =	vsub.f32 v20, v27  }
0x8d: {  	v27 =	vsub.s32 v24, v1;
	v26 =	vsub.f32 v22, v26;
	v22 =	vnsel vm3, $0x0, v28  }
0x8e: {  	v16 =	vadd.s32 v16, v25;
	vm3 =	vgt.s32 v27, $0x0;
	v28 =	vsub.f32 $1.000000000e+00, v23  }
0x8f: {  	vm1 =	vmand vm1, vm2;
	vm2 =	vlt.s32 v24, v2;
	v25 =	vsub.f32 $1.000000000e+00, v20  }
0x90: {  	v29 =	vadd.s32 $0x50, v16;
	v22 =	vmin.u32 v22, $0x13;
	v27 =	vnsel vm3, $0x0, v27  }
0x91: {  	vm3 =	vge.s32 v24, v1;
	v22 =	vmul.u32 $0x1900, v22;
	v24 =	vmul.f32 v28, v21  }
0x92: {  	vm1 =	vmand vm0, vm1;
	v27 =	vmin.u32 v27, $0x13;
	v28 =	vsub.f32 $1.000000000e+00, v26  }
0x93: {  	v31 =	vadd.s32 v22, v16;
	v32 =	vadd.s32 v22, v29;
	v30 =	vmul.f32 v25, v24  }
0x94: {  	v22 =	vmul.u32 $0x1900, v27;
	v27 =	vadd.s32 $0x1, v31;
	v24 =	vmul.f32 v24, v20  }
0x95: {  	vm0 =	vmand vm2, vm0;
	v23 =	vmul.f32 v23, v21;
	v33 =	vmul.f32 v30, v26  }
0x96: {  	vm0 =	vmand vm0, vm3;
	v34 =	vadd.s32 $0x1, v32;
	v30 =	vmul.f32 v28, v30  }
0x97: {  	v35 =	vadd.s32 v22, v16;
	v21 =	vadd.s32 v22, v29;
	v16 =	vmul.f32 v24, v26  }
.Ltmp1:
0x98: {  	v25 =	vmul.f32 v25, v23;
	v22 =	vadd.s32 $0x1, v35;
	v24 =	vmul.f32 v28, v24;
	[tilespmem:v31+s3+$0x0] =	vst.idx.add.f32.msk vm1, v30;
	(pc) =	sbr.rel @p0 .LBB2_5-.Ltmp1, $4  }
0x99: {  	v29 =	vmul.f32 v20, v23;
	[tilespmem:v27+s3+$0x0] =	vst.idx.add.f32.msk vm1, v33  }
0x9a: {  	v23 =	vadd.s32 $0x1, v21;
	v30 =	vmul.f32 v28, v25;
	v27 =	vor.u32 s21, v5;
	[tilespmem:v32+s3+$0x0] =	vst.idx.add.f32.msk vm1, v24  }
0x9b: {  	v25 =	vmul.f32 v25, v26;
	v20 =	vmul.u32 $0x3, v27;
	v24 =	vmul.f32 v26, v29;
	[tilespmem:v34+s3+$0x0] =	vst.idx.add.f32.msk vm1, v16  }
0x9c: {  	v26 =	vmul.f32 v28, v29;
	v16 =	vor.u32 v17, v27;
	[tilespmem:v35+s3+$0x0] =	vst.idx.add.f32.msk vm0, v30  }
0x9d: {  	_ =	sdelay $0x4  }
0x9e: {  	[tilespmem:v22+s3+$0x0] =	vst.idx.add.f32.msk vm0, v25  }
0x9f: {  	[tilespmem:v21+s3+$0x0] =	vst.idx.add.f32.msk vm0, v26  }
0xa0: {  	[tilespmem:v23+s3+$0x0] =	vst.idx.add.f32.msk vm0, v24  }
0xa1: {  	v15 =	vld.idx.msk [tilespmem:v15+s13+$0x0], $0xffff  }
0xa2: {  	v17 =	vld.idx.msk [tilespmem:v18+s13+$0x0], $0xffff  }
0xa3: {  	v18 =	vld.idx.msk [tilespmem:v19+s13+$0x0], $0xffff;
	_ =	sdelay $0x2  }
0xa4: {  	v19 =	vmov s23;
	v21 =	vtrunc.f32 v15  }
0xa5: {  	v19 =	vand.u32 $0xFF, v19;
	v22 =	vtrunc.f32 v17;
	v21 =	vcvt.f32.s32 v21  }
0xa6: {  	v19 =	vor.u32 v8, v19;
	v23 =	vtrunc.f32 v18;
	v22 =	vcvt.f32.s32 v22  }
0xa7: {  	vm0 =	vlt.s32 v14, v9;
	v14 =	vcvt.f32.s32 v23;
	v23 =	vcvt.s32.f32 v21  }
0xa8: {  	vm1 =	vge.s32 v21, v1;
	v24 =	vcvt.s32.f32 v22;
	vm2 =	vgt.s32 v2, v21  }
0xa9: {  	v22 =	vmul.u32 $0x50, v22;
	v25 =	vsub.s32 v21, v1;
	v21 =	vadd.s32 $0x1, v21  }
0xaa: {  	vm3 =	vgt.s32 v25, $0x0;
	vm1 =	vmand vm1, vm2;
	vm2 =	vlt.s32 v21, v2  }
0xab: {  	v19 =	vld.idx.msk [tilespmem:v19+s13+$0x0], $0xffff;
	v15 =	vsub.f32 v15, v23;
	v23 =	vcvt.s32.f32 v14;
	v17 =	vsub.f32 v17, v24  }
0xac: {  	v24 =	vnsel vm3, $0x0, v25;
	v14 =	vadd.s32 v14, v22;
	vm1 =	vmand vm0, vm1  }
0xad: {  	vm0 =	vmand vm2, vm0;
	v24 =	vmin.u32 v24, $0x13;
	v26 =	vadd.s32 $0x50, v14  }
0xae: {  	v18 =	vsub.f32 v18, v23;
	v23 =	vsub.s32 v21, v1;
	v25 =	vsub.f32 $1.000000000e+00, v15  }
0xaf: {  	v22 =	vsub.f32 $1.000000000e+00, v17;
	v24 =	vmul.u32 $0x1900, v24;
	vm3 =	vgt.s32 v23, $0x0  }
0xb0: {  	v15 =	vmul.f32 v15, v19;
	v23 =	vnsel vm3, $0x0, v23;
	v25 =	vmul.f32 v25, v19  }
0xb1: {  	vm3 =	vge.s32 v21, v1;
	v28 =	vadd.s32 v24, v14;
	v21 =	vmin.u32 v23, $0x13  }
0xb2: {  	v23 =	vsub.f32 $1.000000000e+00, v18;
	v29 =	vadd.s32 $0x1, v28;
	v27 =	vmul.f32 v22, v25  }
0xb3: {  	v24 =	vadd.s32 v24, v26;
	vm0 =	vmand vm0, vm3;
	v21 =	vmul.u32 $0x1900, v21  }
0xb4: {  	v30 =	vadd.s32 $0x1, v24;
	v25 =	vmul.f32 v25, v17;
	v19 =	vmul.f32 v23, v27  }
0xb5: {  	v27 =	vmul.f32 v27, v18;
	v14 =	vadd.s32 v21, v14  }
0xb6: {  	v22 =	vmul.f32 v22, v15;
	v58 =	vadd.s32 $0x1, v14;
	[tilespmem:v28+s3+$0x0] =	vst.idx.add.f32.msk vm1, v19;
	v19 =	vmul.f32 v23, v25  }
0xb7: {  	v21 =	vadd.s32 v21, v26;
	v25 =	vmul.f32 v25, v18;
	[tilespmem:v29+s3+$0x0] =	vst.idx.add.f32.msk vm1, v27  }
0xb8: {  	v15 =	vmul.f32 v17, v15;
	v17 =	vmul.f32 v23, v22;
	[tilespmem:v24+s3+$0x0] =	vst.idx.add.f32.msk vm1, v19;
	v19 =	vadd.s32 $0x1, v21  }
0xb9: {  	v22 =	vmul.f32 v22, v18;
	[tilespmem:v30+s3+$0x0] =	vst.idx.add.f32.msk vm1, v25  }
0xba: {  	[tilespmem:v14+s3+$0x0] =	vst.idx.add.f32.msk vm0, v17;
	v14 =	vmul.f32 v23, v15  }
0xbb: {  	v15 =	vmul.f32 v18, v15;
	[tilespmem:v58+s3+$0x0] =	vst.idx.add.f32.msk vm0, v22  }
0xbc: {  	[tilespmem:v21+s3+$0x0] =	vst.idx.add.f32.msk vm0, v14  }
0xbd: {  	[tilespmem:v19+s3+$0x0] =	vst.idx.add.f32.msk vm0, v15  }
0xbe: {  	v11 =	vld.idx.msk [tilespmem:v11+s13+$0x0], $0xffff  }
0xbf: {  	v12 =	vld.idx.msk [tilespmem:v12+s13+$0x0], $0xffff  }
0xc0: {  	v13 =	vld.idx.msk [tilespmem:v13+s13+$0x0], $0xffff;
	_ =	sdelay $0x2  }
0xc1: {  	v14 =	vmov s22;
	v15 =	vtrunc.f32 v11  }
0xc2: {  	v14 =	vand.u32 $0xFF, v14;
	v17 =	vtrunc.f32 v12;
	v15 =	vcvt.f32.s32 v15  }
0xc3: {  	v14 =	vor.u32 v8, v14;
	v18 =	vtrunc.f32 v13;
	v17 =	vcvt.f32.s32 v17  }
0xc4: {  	vm0 =	vlt.s32 v10, v9;
	v10 =	vcvt.f32.s32 v18;
	v18 =	vcvt.s32.f32 v15  }
0xc5: {  	vm1 =	vge.s32 v15, v1;
	v19 =	vcvt.s32.f32 v17;
	vm2 =	vgt.s32 v2, v15  }
0xc6: {  	v17 =	vmul.u32 $0x50, v17;
	v21 =	vsub.s32 v15, v1;
	v15 =	vadd.s32 $0x1, v15  }
0xc7: {  	vm3 =	vgt.s32 v21, $0x0;
	vm1 =	vmand vm1, vm2;
	vm2 =	vlt.s32 v15, v2  }
0xc8: {  	v14 =	vld.idx.msk [tilespmem:v14+s13+$0x0], $0xffff;
	v11 =	vsub.f32 v11, v18;
	v18 =	vcvt.s32.f32 v10;
	v12 =	vsub.f32 v12, v19  }
0xc9: {  	v19 =	vnsel vm3, $0x0, v21;
	v10 =	vadd.s32 v10, v17;
	vm1 =	vmand vm0, vm1  }
0xca: {  	vm0 =	vmand vm2, vm0;
	v19 =	vmin.u32 v19, $0x13;
	v22 =	vadd.s32 $0x50, v10  }
0xcb: {  	v13 =	vsub.f32 v13, v18;
	v18 =	vsub.s32 v15, v1;
	v21 =	vsub.f32 $1.000000000e+00, v11  }
0xcc: {  	v17 =	vsub.f32 $1.000000000e+00, v12;
	v19 =	vmul.u32 $0x1900, v19;
	vm3 =	vgt.s32 v18, $0x0  }
0xcd: {  	v11 =	vmul.f32 v11, v14;
	v18 =	vnsel vm3, $0x0, v18;
	v21 =	vmul.f32 v21, v14  }
0xce: {  	vm3 =	vge.s32 v15, v1;
	v24 =	vadd.s32 v19, v10;
	v15 =	vmin.u32 v18, $0x13  }
0xcf: {  	v18 =	vsub.f32 $1.000000000e+00, v13;
	v25 =	vadd.s32 $0x1, v24;
	v23 =	vmul.f32 v17, v21  }
0xd0: {  	v19 =	vadd.s32 v19, v22;
	vm0 =	vmand vm0, vm3;
	v15 =	vmul.u32 $0x1900, v15  }
0xd1: {  	v26 =	vadd.s32 $0x1, v19;
	v21 =	vmul.f32 v21, v12;
	v14 =	vmul.f32 v18, v23  }
0xd2: {  	v23 =	vmul.f32 v23, v13;
	v10 =	vadd.s32 v15, v10  }
0xd3: {  	v17 =	vmul.f32 v17, v11;
	[tilespmem:v24+s3+$0x0] =	vst.idx.add.f32.msk vm1, v14;
	v14 =	vmul.f32 v18, v21;
	v24 =	vadd.s32 $0x1, v10  }
0xd4: {  	v15 =	vadd.s32 v15, v22;
	v21 =	vmul.f32 v21, v13;
	[tilespmem:v25+s3+$0x0] =	vst.idx.add.f32.msk vm1, v23  }
0xd5: {  	v11 =	vmul.f32 v12, v11;
	v12 =	vmul.f32 v18, v17;
	[tilespmem:v19+s3+$0x0] =	vst.idx.add.f32.msk vm1, v14;
	v14 =	vadd.s32 $0x1, v15  }
0xd6: {  	v17 =	vmul.f32 v17, v13;
	[tilespmem:v26+s3+$0x0] =	vst.idx.add.f32.msk vm1, v21  }
0xd7: {  	v19 =	vadd.s32 $0x1, v20;
	[tilespmem:v10+s3+$0x0] =	vst.idx.add.f32.msk vm0, v12;
	v10 =	vmul.f32 v18, v11  }
0xd8: {  	v12 =	vadd.s32 $0x2, v20;
	v11 =	vmul.f32 v13, v11;
	[tilespmem:v24+s3+$0x0] =	vst.idx.add.f32.msk vm0, v17  }
0xd9: {  	[tilespmem:v15+s3+$0x0] =	vst.idx.add.f32.msk vm0, v10  }
0xda: {  	[tilespmem:v14+s3+$0x0] =	vst.idx.add.f32.msk vm0, v11  }
0xdb: {  	v10 =	vld.idx.msk [tilespmem:v20+s13+$0x0], $0xffff  }
0xdc: {  	v11 =	vld.idx.msk [tilespmem:v19+s13+$0x0], $0xffff  }
0xdd: {  	v12 =	vld.idx.msk [tilespmem:v12+s13+$0x0], $0xffff;
	_ =	sdelay $0x2  }
0xde: {  	v13 =	vmov s21;
	v14 =	vtrunc.f32 v10  }
0xdf: {  	v13 =	vand.u32 $0xFF, v13;
	v15 =	vtrunc.f32 v11;
	v14 =	vcvt.f32.s32 v14  }
0xe0: {  	v13 =	vor.u32 v8, v13;
	v15 =	vcvt.f32.s32 v15;
	v17 =	vtrunc.f32 v12  }
0xe1: {  	vm0 =	vlt.s32 v16, v9;
	v16 =	vcvt.f32.s32 v17;
	v17 =	vcvt.s32.f32 v14  }
0xe2: {  	vm1 =	vge.s32 v14, v1;
	v18 =	vcvt.s32.f32 v15;
	vm2 =	vgt.s32 v2, v14  }
0xe3: {  	v15 =	vmul.u32 $0x50, v15;
	v19 =	vsub.s32 v14, v1;
	v14 =	vadd.s32 $0x1, v14  }
0xe4: {  	vm3 =	vgt.s32 v19, $0x0;
	vm1 =	vmand vm1, vm2;
	vm2 =	vlt.s32 v14, v2  }
0xe5: {  	v13 =	vld.idx.msk [tilespmem:v13+s13+$0x0], $0xffff;
	v10 =	vsub.f32 v10, v17;
	v17 =	vcvt.s32.f32 v16;
	v11 =	vsub.f32 v11, v18  }
0xe6: {  	v18 =	vnsel vm3, $0x0, v19;
	v15 =	vadd.s32 v16, v15;
	vm1 =	vmand vm0, vm1  }
0xe7: {  	vm0 =	vmand vm2, vm0;
	v18 =	vmin.u32 v18, $0x13;
	v20 =	vadd.s32 $0x50, v15  }
0xe8: {  	v12 =	vsub.f32 v12, v17;
	v17 =	vsub.s32 v14, v1;
	v19 =	vsub.f32 $1.000000000e+00, v10  }
0xe9: {  	v16 =	vsub.f32 $1.000000000e+00, v11;
	v18 =	vmul.u32 $0x1900, v18;
	vm3 =	vgt.s32 v17, $0x0  }
0xea: {  	v10 =	vmul.f32 v10, v13;
	v17 =	vnsel vm3, $0x0, v17;
	v19 =	vmul.f32 v19, v13  }
0xeb: {  	vm3 =	vge.s32 v14, v1;
	v22 =	vadd.s32 v18, v15;
	v14 =	vmin.u32 v17, $0x13  }
0xec: {  	v17 =	vsub.f32 $1.000000000e+00, v12;
	v23 =	vadd.s32 $0x1, v22;
	v21 =	vmul.f32 v16, v19  }
0xed: {  	v18 =	vadd.s32 v18, v20;
	vm0 =	vmand vm0, vm3;
	v14 =	vmul.u32 $0x1900, v14  }
0xee: {  	v24 =	vadd.s32 $0x1, v18;
	v19 =	vmul.f32 v19, v11;
	v13 =	vmul.f32 v17, v21  }
0xef: {  	v21 =	vmul.f32 v21, v12;
	v15 =	vadd.s32 v14, v15  }
0xf0: {  	v16 =	vmul.f32 v16, v10;
	[tilespmem:v22+s3+$0x0] =	vst.idx.add.f32.msk vm1, v13;
	v13 =	vmul.f32 v17, v19;
	v22 =	vadd.s32 $0x1, v15  }
0xf1: {  	v14 =	vadd.s32 v14, v20;
	v19 =	vmul.f32 v19, v12;
	[tilespmem:v23+s3+$0x0] =	vst.idx.add.f32.msk vm1, v21  }
0xf2: {  	v10 =	vmul.f32 v11, v10;
	v11 =	vmul.f32 v17, v16;
	[tilespmem:v18+s3+$0x0] =	vst.idx.add.f32.msk vm1, v13;
	v13 =	vadd.s32 $0x1, v14  }
0xf3: {  	v16 =	vmul.f32 v16, v12;
	[tilespmem:v24+s3+$0x0] =	vst.idx.add.f32.msk vm1, v19  }
0xf4: {  	s31 =	simm.s32 $0x0;
	[tilespmem:v15+s3+$0x0] =	vst.idx.add.f32.msk vm0, v11;
	v11 =	vmul.f32 v17, v10  }
0xf5: {  	p0 =	seq.s32 s19, $0xF;
	v10 =	vmul.f32 v12, v10;
	v12 =	vor.u32 s31, v5;
	[tilespmem:v22+s3+$0x0] =	vst.idx.add.f32.msk vm0, v16  }
0xf6: {  	s21 =	sshll.u32 @!p0 s19, $0x8;
	[tilespmem:v14+s3+$0x0] =	vst.idx.add.f32.msk vm0, v11;
	v11 =	vmul.u32 $0x3, v12  }
0xf7: {  	s24 =	simm.s32 @!p0 $0x1F400;
	s22 =	simm.s32 @!p0 $0x0;
	s21 =	sadd.s32 @!p0 s21, s5;
	[tilespmem:v13+s3+$0x0] =	vst.idx.add.f32.msk vm0, v10  }
0xf8: {  	[tilespmem:s24], [sflag:$0x1] =	stream.linear.gather @!p0 [hbm4b:s21+s22], $0x400, $0x38;
	v10 =	vadd.s32 $0x1, v11;
	[tilespmem:$0x1FC80] =	vst v63  }
0xf9: {  	v13 =	vadd.s32 $0x2, v11;
	_ =	swait.ge [sflag:s16], $0x400  }
0xfa: {  	[sflag:s16] =	ssyncset.done $0x0  }
0xfb: {  	[sflag:s16] =	ssyncadd.s32 $0xFFFFFC00  }
0xfc: {  	v16 =	vld.idx.msk [tilespmem:v11+s14+$0x0], $0xffff  }
0xfd: {  	s20 =	sshll.u32 s20, $0x8;
	s22 =	simm.s32 $0x10;
	v20 =	vld.idx.msk [tilespmem:v10+s14+$0x0], $0xffff  }
0xfe: {  	v21 =	vmov s31;
	v17 =	vmov s20;
	v14 =	vor.u32 s22, v5;
	v13 =	vld.idx.msk [tilespmem:v13+s14+$0x0], $0xffff  }
0xff: {  	v21 =	vand.u32 $0xFF, v21;
	v12 =	vor.u32 v17, v12;
	v15 =	vmul.u32 $0x3, v14  }
0x100: {  	v21 =	vor.u32 v8, v21;
	vm0 =	vlt.s32 v12, v9;
	s21 =	simm.s32 $0x20;
	v14 =	vor.u32 v17, v14  }
0x101: {  	v18 =	vadd.s32 $0x1, v15;
	v10 =	vor.u32 s21, v5;
	v22 =	vtrunc.f32 v16  }
0x102: {  	v11 =	vmul.u32 $0x3, v10;
	v22 =	vcvt.f32.s32 v22;
	v23 =	vtrunc.f32 v20  }
0x103: {  	v10 =	vor.u32 v17, v10;
	v24 =	vtrunc.f32 v13;
	v23 =	vcvt.f32.s32 v23  }
0x104: {  	v12 =	vcvt.f32.s32 v24;
	v24 =	vcvt.s32.f32 v22;
	vm1 =	vge.s32 v22, v1  }
0x105: {  	vm2 =	vgt.s32 v2, v22;
	v26 =	vsub.s32 v22, v1;
	v22 =	vadd.s32 $0x1, v22  }
0x106: {  	v25 =	vcvt.s32.f32 v23;
	v23 =	vmul.u32 $0x50, v23;
	vm3 =	vgt.s32 v26, $0x0  }
0x107: {  	v21 =	vld.idx.msk [tilespmem:v21+s14+$0x0], $0xffff;
	vm1 =	vmand vm1, vm2;
	vm2 =	vlt.s32 v22, v2;
	v16 =	vsub.f32 v16, v24  }
0x108: {  	v24 =	vcvt.s32.f32 v12;
	vm1 =	vmand vm0, vm1;
	vm0 =	vmand vm2, vm0  }
0x109: {  	v20 =	vsub.f32 v20, v25;
	v25 =	vnsel vm3, $0x0, v26;
	v12 =	vadd.s32 v12, v23  }
0x10a: {  	v24 =	vsub.f32 v13, v24;
	v26 =	vsub.f32 $1.000000000e+00, v16;
	v25 =	vmin.u32 v25, $0x13  }
0x10b: {  	v13 =	vsub.s32 v22, v1;
	v27 =	vadd.s32 $0x50, v12;
	v25 =	vmul.u32 $0x1900, v25  }
0x10c: {  	vm3 =	vgt.s32 v13, $0x0;
	v23 =	vsub.f32 $1.000000000e+00, v20;
	v26 =	vmul.f32 v26, v21  }
0x10d: {  	v13 =	vnsel vm3, $0x0, v13;
	vm3 =	vge.s32 v22, v1;
	v60 =	vadd.s32 v25, v12  }
0x10e: {  	v59 =	vsub.f32 $1.000000000e+00, v24;
	v22 =	vmul.f32 v23, v26;
	v61 =	vadd.s32 $0x1, v60  }
0x10f: {  	v16 =	vmul.f32 v16, v21;
	v13 =	vmin.u32 v13, $0x13;
	v25 =	vadd.s32 v25, v27  }
0x110: {  	vm0 =	vmand vm0, vm3;
	v13 =	vmul.u32 $0x1900, v13;
	v31 =	vmul.f32 v59, v22  }
0x111: {  	v26 =	vmul.f32 v26, v20;
	v32 =	vadd.s32 $0x1, v25;
	v22 =	vmul.f32 v22, v24  }
0x112: {  	v19 =	vadd.s32 $0x2, v15;
	v33 =	vadd.s32 v13, v12;
	v21 =	vadd.s32 v13, v27;
	[tilespmem:v60+s3+$0x0] =	vst.idx.add.f32.msk vm1, v31  }
0x113: {  	v27 =	vmul.f32 v23, v16;
	v23 =	vmul.f32 v59, v26;
	[tilespmem:v61+s3+$0x0] =	vst.idx.add.f32.msk vm1, v22;
	v22 =	vadd.s32 $0x1, v33  }
0x114: {  	s20 =	simm.s32 $0x30;
	v62 =	vmul.f32 v20, v16;
	v12 =	vadd.s32 $0x1, v11;
	v26 =	vmul.f32 v26, v24  }
0x115: {  	v16 =	vor.u32 s20, v5;
	v63 =	vmul.f32 v59, v27;
	[tilespmem:v25+s3+$0x0] =	vst.idx.add.f32.msk vm1, v23;
	v23 =	vadd.s32 $0x1, v21  }
0x116: {  	v20 =	vmul.u32 $0x3, v16;
	v16 =	vor.u32 v17, v16;
	v25 =	vmul.f32 v27, v24;
	[tilespmem:v32+s3+$0x0] =	vst.idx.add.f32.msk vm1, v26  }
0x117: {  	s23 =	simm.s32 $0x40;
	v13 =	vadd.s32 $0x2, v11;
	v24 =	vmul.f32 v24, v62;
	v26 =	vmul.f32 v59, v62;
	[tilespmem:v33+s3+$0x0] =	vst.idx.add.f32.msk vm0, v63  }
.LBB2_7:
0x118: {  	p0 =	sne.s32 s23, $0xF0;
	[tilespmem:v22+s3+$0x0] =	vst.idx.add.f32.msk vm0, v25;
	s24 =	smov.u32 s23;
	s23 =	sadd.s32 $0x10, s23  }
0x119: {  	v22 =	vadd.s32 $0x1, v20;
	[tilespmem:v21+s3+$0x0] =	vst.idx.add.f32.msk vm0, v26  }
0x11a: {  	[tilespmem:v23+s3+$0x0] =	vst.idx.add.f32.msk vm0, v24  }
0x11b: {  	v21 =	vadd.s32 $0x2, v20;
	v23 =	vld.idx.msk [tilespmem:v15+s14+$0x0], $0xffff;
	v15 =	vmov v11;
	v11 =	vmov v20  }
0x11c: {  	v20 =	vld.idx.msk [tilespmem:v18+s14+$0x0], $0xffff;
	v18 =	vmov v12;
	v12 =	vmov v22  }
0x11d: {  	v22 =	vld.idx.msk [tilespmem:v19+s14+$0x0], $0xffff;
	v19 =	vmov v13;
	v13 =	vmov v21;
	_ =	sdelay $0x1  }
0x11e: {  	v21 =	vmov s22;
	s22 =	smov.u32 s21;
	s21 =	smov.u32 s20;
	s20 =	smov.u32 s24  }
0x11f: {  	v21 =	vand.u32 $0xFF, v21  }
0x120: {  	v21 =	vor.u32 v8, v21;
	v24 =	vtrunc.f32 v23  }
0x121: {  	v24 =	vcvt.f32.s32 v24;
	v25 =	vtrunc.f32 v20  }
0x122: {  	vm0 =	vlt.s32 v14, v9;
	v14 =	vmovc v10;
	v10 =	vmovc v16;
	v25 =	vcvt.f32.s32 v25;
	v26 =	vtrunc.f32 v22  }
0x123: {  	v16 =	vcvt.f32.s32 v26;
	v26 =	vcvt.s32.f32 v24;
	vm1 =	vge.s32 v24, v1  }
0x124: {  	vm2 =	vgt.s32 v2, v24;
	v27 =	vcvt.s32.f32 v25;
	v25 =	vmul.u32 $0x50, v25  }
0x125: {  	v28 =	vsub.s32 v24, v1;
	v23 =	vsub.f32 v23, v26;
	v26 =	vcvt.s32.f32 v16;
	v21 =	vld.idx.msk [tilespmem:v21+s14+$0x0], $0xffff  }
0x126: {  	v24 =	vadd.s32 $0x1, v24;
	vm3 =	vgt.s32 v28, $0x0;
	v20 =	vsub.f32 v20, v27  }
0x127: {  	v27 =	vsub.s32 v24, v1;
	v26 =	vsub.f32 v22, v26;
	v22 =	vnsel vm3, $0x0, v28  }
0x128: {  	v16 =	vadd.s32 v16, v25;
	vm3 =	vgt.s32 v27, $0x0;
	v28 =	vsub.f32 $1.000000000e+00, v23  }
0x129: {  	vm1 =	vmand vm1, vm2;
	vm2 =	vlt.s32 v24, v2;
	v25 =	vsub.f32 $1.000000000e+00, v20  }
0x12a: {  	v29 =	vadd.s32 $0x50, v16;
	v22 =	vmin.u32 v22, $0x13;
	v27 =	vnsel vm3, $0x0, v27  }
0x12b: {  	vm3 =	vge.s32 v24, v1;
	v22 =	vmul.u32 $0x1900, v22;
	v24 =	vmul.f32 v28, v21  }
0x12c: {  	vm1 =	vmand vm0, vm1;
	v27 =	vmin.u32 v27, $0x13;
	v28 =	vsub.f32 $1.000000000e+00, v26  }
0x12d: {  	v31 =	vadd.s32 v22, v16;
	v32 =	vadd.s32 v22, v29;
	v30 =	vmul.f32 v25, v24  }
0x12e: {  	v22 =	vmul.u32 $0x1900, v27;
	v27 =	vadd.s32 $0x1, v31;
	v24 =	vmul.f32 v24, v20  }
0x12f: {  	vm0 =	vmand vm2, vm0;
	v23 =	vmul.f32 v23, v21;
	v33 =	vmul.f32 v30, v26  }
0x130: {  	vm0 =	vmand vm0, vm3;
	v34 =	vadd.s32 $0x1, v32;
	v30 =	vmul.f32 v28, v30  }
0x131: {  	v35 =	vadd.s32 v22, v16;
	v21 =	vadd.s32 v22, v29;
	v16 =	vmul.f32 v24, v26  }
.Ltmp2:
0x132: {  	v25 =	vmul.f32 v25, v23;
	v22 =	vadd.s32 $0x1, v35;
	v24 =	vmul.f32 v28, v24;
	[tilespmem:v31+s3+$0x0] =	vst.idx.add.f32.msk vm1, v30;
	(pc) =	sbr.rel @p0 .LBB2_7-.Ltmp2, $4  }
0x133: {  	v29 =	vmul.f32 v20, v23;
	[tilespmem:v27+s3+$0x0] =	vst.idx.add.f32.msk vm1, v33  }
0x134: {  	v23 =	vadd.s32 $0x1, v21;
	v30 =	vmul.f32 v28, v25;
	v27 =	vor.u32 s20, v5;
	[tilespmem:v32+s3+$0x0] =	vst.idx.add.f32.msk vm1, v24  }
0x135: {  	v25 =	vmul.f32 v25, v26;
	v20 =	vmul.u32 $0x3, v27;
	v24 =	vmul.f32 v26, v29;
	[tilespmem:v34+s3+$0x0] =	vst.idx.add.f32.msk vm1, v16  }
0x136: {  	v26 =	vmul.f32 v28, v29;
	v16 =	vor.u32 v17, v27;
	[tilespmem:v35+s3+$0x0] =	vst.idx.add.f32.msk vm0, v30  }
0x137: {  	_ =	sdelay $0x4  }
0x138: {  	[tilespmem:v22+s3+$0x0] =	vst.idx.add.f32.msk vm0, v25  }
0x139: {  	[tilespmem:v21+s3+$0x0] =	vst.idx.add.f32.msk vm0, v26  }
0x13a: {  	[tilespmem:v23+s3+$0x0] =	vst.idx.add.f32.msk vm0, v24  }
0x13b: {  	v15 =	vld.idx.msk [tilespmem:v15+s14+$0x0], $0xffff  }
0x13c: {  	v17 =	vld.idx.msk [tilespmem:v18+s14+$0x0], $0xffff  }
0x13d: {  	v63 =	vld.idx.msk [tilespmem:v19+s14+$0x0], $0xffff;
	_ =	sdelay $0x2  }
0x13e: {  	v28 =	vmov s22;
	v29 =	vtrunc.f32 v15  }
0x13f: {  	v19 =	vand.u32 $0xFF, v28;
	v30 =	vtrunc.f32 v17;
	v21 =	vcvt.f32.s32 v29  }
0x140: {  	v19 =	vor.u32 v8, v19;
	v31 =	vtrunc.f32 v63;
	v22 =	vcvt.f32.s32 v30  }
0x141: {  	vm8 =	vlt.s32 v14, v9;
	v32 =	vcvt.f32.s32 v31;
	v33 =	vcvt.s32.f32 v21  }
0x142: {  	vm1 =	vge.s32 v21, v1;
	v34 =	vcvt.s32.f32 v22;
	vm2 =	vgt.s32 v2, v21  }
0x143: {  	v22 =	vmul.u32 $0x50, v22;
	v36 =	vsub.s32 v21, v1;
	v21 =	vadd.s32 $0x1, v21  }
0x144: {  	v35 =	vcvt.s32.f32 v32;
	vm3 =	vgt.s32 v36, $0x0;
	v37 =	vsub.s32 v21, v1  }
0x145: {  	v19 =	vld.idx.msk [tilespmem:v19+s14+$0x0], $0xffff;
	vm1 =	vmand vm1, vm2;
	vm10 =	vlt.s32 v21, v2;
	v15 =	vsub.f32 v15, v33  }
0x146: {  	vm11 =	vge.s32 v21, v1;
	v17 =	vsub.f32 v17, v34;
	v18 =	vsub.f32 v63, v35  }
0x147: {  	v38 =	vnsel vm3, $0x0, v36;
	vm9 =	vgt.s32 v37, $0x0;
	v14 =	vadd.s32 v32, v22  }
0x148: {  	vm1 =	vmand vm8, vm1;
	v24 =	vmin.u32 v38, $0x13;
	v39 =	vsub.f32 $1.000000000e+00, v15  }
0x149: {  	vm0 =	vmand vm10, vm8;
	v23 =	vnsel vm9, $0x0, v37;
	v24 =	vmul.u32 $0x1900, v24  }
0x14a: {  	v41 =	vadd.s32 $0x50, v14;
	v40 =	vsub.f32 $1.000000000e+00, v17;
	v25 =	vmul.f32 v39, v19  }
0x14b: {  	vm0 =	vmand vm0, vm11;
	v42 =	vmin.u32 v23, $0x13;
	v28 =	vadd.s32 v24, v14  }
0x14c: {  	v43 =	vsub.f32 $1.000000000e+00, v18;
	v29 =	vadd.s32 $0x1, v28;
	v27 =	vmul.f32 v40, v25  }
0x14d: {  	v15 =	vmul.f32 v15, v19;
	v21 =	vmul.u32 $0x1900, v42;
	v24 =	vadd.s32 v24, v41  }
0x14e: {  	v30 =	vadd.s32 $0x1, v24;
	v25 =	vmul.f32 v25, v17;
	v44 =	vmul.f32 v43, v27  }
0x14f: {  	v14 =	vadd.s32 v21, v14;
	v27 =	vmul.f32 v27, v18  }
0x150: {  	v22 =	vmul.f32 v40, v15;
	v46 =	vadd.s32 $0x1, v14;
	v45 =	vmul.f32 v43, v25;
	[tilespmem:v28+s3+$0x0] =	vst.idx.add.f32.msk vm1, v44  }
0x151: {  	v21 =	vadd.s32 v21, v41;
	v25 =	vmul.f32 v25, v18;
	[tilespmem:v29+s3+$0x0] =	vst.idx.add.f32.msk vm1, v27  }
0x152: {  	v15 =	vmul.f32 v17, v15;
	v47 =	vmul.f32 v43, v22;
	v48 =	vadd.s32 $0x1, v21;
	[tilespmem:v24+s3+$0x0] =	vst.idx.add.f32.msk vm1, v45  }
0x153: {  	v22 =	vmul.f32 v22, v18;
	[tilespmem:v30+s3+$0x0] =	vst.idx.add.f32.msk vm1, v25  }
0x154: {  	v49 =	vmul.f32 v43, v15;
	[tilespmem:v14+s3+$0x0] =	vst.idx.add.f32.msk vm0, v47  }
0x155: {  	v15 =	vmul.f32 v18, v15;
	[tilespmem:v46+s3+$0x0] =	vst.idx.add.f32.msk vm0, v22  }
0x156: {  	[tilespmem:v21+s3+$0x0] =	vst.idx.add.f32.msk vm0, v49  }
0x157: {  	[tilespmem:v48+s3+$0x0] =	vst.idx.add.f32.msk vm0, v15  }
0x158: {  	v11 =	vld.idx.msk [tilespmem:v11+s14+$0x0], $0xffff  }
0x159: {  	v12 =	vld.idx.msk [tilespmem:v12+s14+$0x0], $0xffff  }
0x15a: {  	v13 =	vld.idx.msk [tilespmem:v13+s14+$0x0], $0xffff;
	_ =	sdelay $0x2  }
0x15b: {  	v50 =	vmov s21;
	v51 =	vtrunc.f32 v11  }
0x15c: {  	v14 =	vand.u32 $0xFF, v50;
	v52 =	vtrunc.f32 v12;
	v15 =	vcvt.f32.s32 v51  }
0x15d: {  	v14 =	vor.u32 v8, v14;
	v53 =	vtrunc.f32 v13;
	v17 =	vcvt.f32.s32 v52  }
0x15e: {  	vm12 =	vlt.s32 v10, v9;
	v10 =	vcvt.f32.s32 v53;
	v54 =	vcvt.s32.f32 v15  }
0x15f: {  	vm13 =	vge.s32 v15, v1;
	v55 =	vcvt.s32.f32 v17;
	vm14 =	vgt.s32 v2, v15  }
0x160: {  	v17 =	vmul.u32 $0x50, v17;
	v57 =	vsub.s32 v15, v1;
	v15 =	vadd.s32 $0x1, v15  }
0x161: {  	v56 =	vcvt.s32.f32 v10;
	vm15 =	vgt.s32 v57, $0x0;
	v58 =	vsub.s32 v15, v1  }
0x162: {  	v14 =	vld.idx.msk [tilespmem:v14+s14+$0x0], $0xffff;
	vm1 =	vmand vm13, vm14;
	vm7 =	vlt.s32 v15, v2;
	v11 =	vsub.f32 v11, v54  }
0x163: {  	vm8 =	vge.s32 v15, v1;
	v12 =	vsub.f32 v12, v55;
	v13 =	vsub.f32 v13, v56  }
0x164: {  	v59 =	vnsel vm15, $0x0, v57;
	vm6 =	vgt.s32 v58, $0x0;
	v10 =	vadd.s32 v10, v17  }
0x165: {  	vm1 =	vmand vm12, vm1;
	v19 =	vmin.u32 v59, $0x13;
	v60 =	vsub.f32 $1.000000000e+00, v11  }
0x166: {  	vm0 =	vmand vm7, vm12;
	v18 =	vnsel vm6, $0x0, v58;
	v19 =	vmul.u32 $0x1900, v19  }
0x167: {  	v62 =	vadd.s32 $0x50, v10;
	v61 =	vsub.f32 $1.000000000e+00, v12;
	v21 =	vmul.f32 v60, v14  }
0x168: {  	vm0 =	vmand vm0, vm8;
	v63 =	vmin.u32 v18, $0x13;
	v30 =	vadd.s32 v19, v10  }
0x169: {  	v28 =	vsub.f32 $1.000000000e+00, v13;
	v31 =	vadd.s32 $0x1, v30;
	v29 =	vmul.f32 v61, v21  }
0x16a: {  	v11 =	vmul.f32 v11, v14;
	v15 =	vmul.u32 $0x1900, v63;
	v19 =	vadd.s32 v19, v62  }
0x16b: {  	v33 =	vadd.s32 $0x1, v19;
	v21 =	vmul.f32 v21, v12;
	v32 =	vmul.f32 v28, v29  }
0x16c: {  	v10 =	vadd.s32 v15, v10;
	v23 =	vmul.f32 v29, v13  }
0x16d: {  	v17 =	vmul.f32 v61, v11;
	v35 =	vadd.s32 $0x1, v10;
	v34 =	vmul.f32 v28, v21;
	[tilespmem:v30+s3+$0x0] =	vst.idx.add.f32.msk vm1, v32  }
0x16e: {  	v15 =	vadd.s32 v15, v62;
	v21 =	vmul.f32 v21, v13;
	[tilespmem:v31+s3+$0x0] =	vst.idx.add.f32.msk vm1, v23  }
0x16f: {  	v11 =	vmul.f32 v12, v11;
	v36 =	vmul.f32 v28, v17;
	v37 =	vadd.s32 $0x1, v15;
	[tilespmem:v19+s3+$0x0] =	vst.idx.add.f32.msk vm1, v34  }
0x170: {  	v17 =	vmul.f32 v17, v13;
	[tilespmem:v33+s3+$0x0] =	vst.idx.add.f32.msk vm1, v21  }
0x171: {  	v38 =	vadd.s32 $0x1, v20;
	[tilespmem:v10+s3+$0x0] =	vst.idx.add.f32.msk vm0, v36;
	v10 =	vmul.f32 v28, v11  }
0x172: {  	v39 =	vadd.s32 $0x2, v20;
	v11 =	vmul.f32 v13, v11;
	[tilespmem:v35+s3+$0x0] =	vst.idx.add.f32.msk vm0, v17  }
0x173: {  	[tilespmem:v15+s3+$0x0] =	vst.idx.add.f32.msk vm0, v10  }
0x174: {  	[tilespmem:v37+s3+$0x0] =	vst.idx.add.f32.msk vm0, v11  }
0x175: {  	v10 =	vld.idx.msk [tilespmem:v20+s14+$0x0], $0xffff  }
0x176: {  	v11 =	vld.idx.msk [tilespmem:v38+s14+$0x0], $0xffff  }
0x177: {  	v12 =	vld.idx.msk [tilespmem:v39+s14+$0x0], $0xffff;
	_ =	sdelay $0x2  }
0x178: {  	v40 =	vmov s20;
	v41 =	vtrunc.f32 v10  }
0x179: {  	v13 =	vand.u32 $0xFF, v40;
	v42 =	vtrunc.f32 v11;
	v14 =	vcvt.f32.s32 v41  }
0x17a: {  	v13 =	vor.u32 v8, v13;
	v43 =	vtrunc.f32 v12;
	v15 =	vcvt.f32.s32 v42  }
0x17b: {  	vm9 =	vlt.s32 v16, v9;
	v44 =	vcvt.f32.s32 v43;
	v45 =	vcvt.s32.f32 v14  }
0x17c: {  	vm10 =	vge.s32 v14, v1;
	v46 =	vcvt.s32.f32 v15;
	vm11 =	vgt.s32 v2, v14  }
0x17d: {  	v15 =	vmul.u32 $0x50, v15;
	v48 =	vsub.s32 v14, v1;
	v14 =	vadd.s32 $0x1, v14  }
0x17e: {  	v47 =	vcvt.s32.f32 v44;
	vm12 =	vgt.s32 v48, $0x0;
	v49 =	vsub.s32 v14, v1  }
0x17f: {  	v13 =	vld.idx.msk [tilespmem:v13+s14+$0x0], $0xffff;
	vm1 =	vmand vm10, vm11;
	vm14 =	vlt.s32 v14, v2;
	v10 =	vsub.f32 v10, v45  }
0x180: {  	vm15 =	vge.s32 v14, v1;
	v11 =	vsub.f32 v11, v46;
	v12 =	vsub.f32 v12, v47  }
0x181: {  	v50 =	vnsel vm12, $0x0, v48;
	vm13 =	vgt.s32 v49, $0x0;
	v15 =	vadd.s32 v44, v15  }
0x182: {  	vm1 =	vmand vm9, vm1;
	v18 =	vmin.u32 v50, $0x13;
	v51 =	vsub.f32 $1.000000000e+00, v10  }
0x183: {  	vm0 =	vmand vm14, vm9;
	v17 =	vnsel vm13, $0x0, v49;
	v18 =	vmul.u32 $0x1900, v18  }
0x184: {  	v53 =	vadd.s32 $0x50, v15;
	v52 =	vsub.f32 $1.000000000e+00, v11;
	v19 =	vmul.f32 v51, v13  }
0x185: {  	vm0 =	vmand vm0, vm15;
	v54 =	vmin.u32 v17, $0x13;
	v57 =	vadd.s32 v18, v15  }
0x186: {  	v55 =	vsub.f32 $1.000000000e+00, v12;
	v58 =	vadd.s32 $0x1, v57;
	v56 =	vmul.f32 v52, v19  }
0x187: {  	v10 =	vmul.f32 v10, v13;
	v14 =	vmul.u32 $0x1900, v54;
	v18 =	vadd.s32 v18, v53  }
0x188: {  	v60 =	vadd.s32 $0x1, v18;
	v19 =	vmul.f32 v19, v11;
	v59 =	vmul.f32 v55, v56  }
0x189: {  	v15 =	vadd.s32 v14, v15;
	v21 =	vmul.f32 v56, v12  }
0x18a: {  	v16 =	vmul.f32 v52, v10;
	v62 =	vadd.s32 $0x1, v15;
	v61 =	vmul.f32 v55, v19;
	[tilespmem:v57+s3+$0x0] =	vst.idx.add.f32.msk vm1, v59  }
0x18b: {  	s19 =	sadd.s32 $0x1, s19;
	v14 =	vadd.s32 v14, v53;
	v19 =	vmul.f32 v19, v12;
	[tilespmem:v58+s3+$0x0] =	vst.idx.add.f32.msk vm1, v21  }
0x18c: {  	p0 =	sne.s32 s19, $0x10;
	v10 =	vmul.f32 v11, v10;
	v11 =	vmul.f32 v55, v16;
	v63 =	vadd.s32 $0x1, v14;
	[tilespmem:v18+s3+$0x0] =	vst.idx.add.f32.msk vm1, v61  }
.Ltmp3:
0x18d: {  	v16 =	vmul.f32 v16, v12;
	[tilespmem:v60+s3+$0x0] =	vst.idx.add.f32.msk vm1, v19;
	(pc) =	sbr.rel @p0 .LBB2_4-.Ltmp3, $4  }
0x18e: {  	[tilespmem:v15+s3+$0x0] =	vst.idx.add.f32.msk vm0, v11;
	v11 =	vmul.f32 v55, v10  }
0x18f: {  	v10 =	vmul.f32 v12, v10;
	[tilespmem:v62+s3+$0x0] =	vst.idx.add.f32.msk vm0, v16  }
0x190: {  	[tilespmem:v14+s3+$0x0] =	vst.idx.add.f32.msk vm0, v11  }
0x191: {  	[tilespmem:v63+s3+$0x0] =	vst.idx.add.f32.msk vm0, v10  }
0x192: {  	s18 =	simm.s32 $0x0  }
0x193: {  	v9 =	vld [tilespmem:s18+$0x1F0]  }
0x194: {  	v10 =	vld [tilespmem:s18+$0x160]  }
0x195: {  	v11 =	vld [tilespmem:s18+$0x1A0]  }
0x196: {  	v14 =	vld [tilespmem:s18+$0x190]  }
0x197: {  	v15 =	vld [tilespmem:s18+$0x180]  }
0x198: {  	v17 =	vld [tilespmem:s18+$0x1B0]  }
0x199: {  	v18 =	vld [tilespmem:s18+$0x170]  }
0x19a: {  	v16 =	vld [tilespmem:s18+$0x30]  }
0x19b: {  	v20 =	vld [tilespmem:s18+$0x100]  }
0x19c: {  	v12 =	vld [tilespmem:s18+$0x150];
	v9 =	vsub.f32 $0.0e+00, v9;
	v11 =	vsub.f32 $0.0e+00, v11  }
0x19d: {  	v13 =	vld [tilespmem:s18+$0x90];
	v14 =	vsub.f32 $0.0e+00, v14;
	v15 =	vsub.f32 $0.0e+00, v15  }
0x19e: {  	v19 =	vld [tilespmem:s18+$0x1C0];
	v17 =	vsub.f32 $0.0e+00, v17;
	v18 =	vsub.f32 $0.0e+00, v18  }
0x19f: {  	v21 =	vld [tilespmem:s18+$0xB0];
	v16 =	vsub.f32 $0.0e+00, v16;
	v9 =	vmul.f32 $1.442695020e+00, v9;
	v11 =	vmul.f32 $1.442695020e+00, v11  }
0x1a0: {  	v23 =	vld [tilespmem:s18+$0xE0];
	v20 =	vsub.f32 $0.0e+00, v20;
	v14 =	vmul.f32 $1.442695020e+00, v14;
	v15 =	vmul.f32 $1.442695020e+00, v15  }
0x1a1: {  	v22 =	vld [tilespmem:s18+$0x1E0];
	v12 =	vsub.f32 $0.0e+00, v12;
	v17 =	vmul.f32 $1.442695020e+00, v17;
	(erf) = vpow2.f32 v9  }
0x1a2: {  	v10 =	vsub.f32 $0.0e+00, v10;
	v18 =	vmul.f32 $1.442695020e+00, v18;
	(erf) = vpow2.f32 v11;
	v11 =	vld [tilespmem:s18+$0x0]  }
0x1a3: {  	v24 =	vld [tilespmem:s18+$0x1D0];
	v13 =	vsub.f32 $0.0e+00, v13;
	v20 =	vmul.f32 $1.442695020e+00, v20;
	v12 =	vmul.f32 $1.442695020e+00, v12  }
0x1a4: {  	v21 =	vsub.f32 $0.0e+00, v21;
	v16 =	vmul.f32 $1.442695020e+00, v16;
	v10 =	vmul.f32 $1.442695020e+00, v10;
	v9 =	vld [tilespmem:s18+$0x130]  }
0x1a5: {  	v23 =	vsub.f32 $0.0e+00, v23;
	v13 =	vmul.f32 $1.442695020e+00, v13;
	(erf) = vpow2.f32 v14;
	v14 =	vld [tilespmem:s18+$0x10]  }
0x1a6: {  	v22 =	vsub.f32 $0.0e+00, v22;
	v21 =	vmul.f32 $1.442695020e+00, v21;
	(erf) = vpow2.f32 v15;
	v15 =	vld [tilespmem:s18+$0xC0]  }
0x1a7: {  	v23 =	vmul.f32 $1.442695020e+00, v23;
	(erf) = vpow2.f32 v17;
	v17 =	vld [tilespmem:s18+$0x60];
	v11 =	vsub.f32 $0.0e+00, v11  }
0x1a8: {  	v24 =	vsub.f32 $0.0e+00, v24;
	v22 =	vmul.f32 $1.442695020e+00, v22;
	(erf) = vpow2.f32 v18  }
0x1a9: {  	v9 =	vsub.f32 $0.0e+00, v9;
	v18 =	vld [tilespmem:s18+$0x50];
	(erf) = vpow2.f32 v16;
	v11 =	vmul.f32 $1.442695020e+00, v11  }
0x1aa: {  	v24 =	vmul.f32 $1.442695020e+00, v24;
	v16 =	vld [tilespmem:s18+$0x70];
	v14 =	vsub.f32 $0.0e+00, v14;
	(erf) = vpow2.f32 v20  }
0x1ab: {  	v34 =	vmul.f32 $1.442695020e+00, v9;
	v15 =	vsub.f32 $0.0e+00, v15;
	(erf) = vpow2.f32 v11;
	v11 =	vld [tilespmem:s18+$0xF0]  }
0x1ac: {  	v20 =	vld [tilespmem:s18+$0x20];
	v25 =	vmul.f32 $1.442695020e+00, v14;
	v14 =	vsub.f32 $0.0e+00, v19;
	v19 =	vpop (erf);
	v17 =	vsub.f32 $0.0e+00, v17  }
0x1ad: {  	v15 =	vmul.f32 $1.442695020e+00, v15;
	v19 =	vmul.f32 $7.250000000e+01, v19  }
0x1ae: {  	v27 =	vld [tilespmem:s18+$0x40];
	v26 =	vpop (erf);
	v18 =	vsub.f32 $0.0e+00, v18;
	v17 =	vmul.f32 $1.442695020e+00, v17;
	(erf) = vpow2.f32 v10  }
0x1af: {  	v29 =	vld [tilespmem:s18+$0x110];
	v28 =	vpop (erf);
	v16 =	vsub.f32 $0.0e+00, v16;
	v61 =	vmul.f32 $1.442695020e+00, v14;
	v62 =	vmul.f32 $7.250000000e+01, v26  }
0x1b0: {  	v33 =	vld [tilespmem:s18+$0x140];
	v30 =	vpop (erf);
	v28 =	vmul.f32 $7.250000000e+01, v28;
	v19 =	vadd.f32 $6.500000000e+00, v19;
	v11 =	vsub.f32 $0.0e+00, v11  }
0x1b1: {  	v20 =	vsub.f32 $0.0e+00, v20;
	v18 =	vmul.f32 $1.442695020e+00, v18;
	(erf) = vpow2.f32 v15;
	v32 =	vpop (erf)  }
0x1b2: {  	v60 =	vld [tilespmem:s18+$0xD0];
	v16 =	vmul.f32 $1.442695020e+00, v16;
	(erf) = vpow2.f32 v34;
	v10 =	vpop (erf)  }
0x1b3: {  	v27 =	vsub.f32 $0.0e+00, v27;
	[tilespmem:s18+$0x1F0] =	vst v19;
	v19 =	vmul.f32 $1.442695020e+00, v20;
	v20 =	vld [tilespmem:s18+$0x120];
	v10 =	vmul.f32 $7.250000000e+01, v10;
	v35 =	vpop (erf)  }
0x1b4: {  	v29 =	vsub.f32 $0.0e+00, v29;
	(erf) = vpow2.f32 v18;
	v9 =	vmul.f32 $1.442695020e+00, v11;
	v11 =	vpop (erf)  }
0x1b5: {  	v31 =	vld [tilespmem:s18+$0xA0];
	v14 =	vsub.f32 $0.0e+00, v33;
	v18 =	vmul.f32 $1.442695020e+00, v27;
	(erf) = vpow2.f32 v13;
	v59 =	vpop (erf)  }
0x1b6: {  	v15 =	vadd.f32 $6.500000000e+00, v28;
	(erf) = vpow2.f32 v21;
	v28 =	vmul.f32 $7.250000000e+01, v59  }
0x1b7: {  	v10 =	vadd.f32 $6.500000000e+00, v10;
	(erf) = vpow2.f32 v12;
	v12 =	vsub.f32 $0.0e+00, v60  }
0x1b8: {  	[tilespmem:s18+$0x190] =	vst v15;
	v20 =	vsub.f32 $0.0e+00, v20;
	(erf) = vpow2.f32 v16;
	v13 =	vadd.f32 $6.500000000e+00, v28  }
0x1b9: {  	[tilespmem:s18+$0x170] =	vst v10;
	v10 =	vmul.f32 $1.442695020e+00, v29;
	(erf) = vpow2.f32 v24  }
0x1ba: {  	v15 =	vld [tilespmem:s18+$0x80];
	[tilespmem:s18+$0x0] =	vst v13;
	v13 =	vmul.f32 $1.442695020e+00, v20;
	v20 =	vmul.f32 $1.442695020e+00, v12;
	v12 =	vsub.f32 $0.0e+00, v31  }
0x1bb: {  	v16 =	vmul.f32 $1.442695020e+00, v14;
	v14 =	vpop (erf);
	(erf) = vpow2.f32 v17  }
0x1bc: {  	v17 =	vmul.f32 $7.250000000e+01, v11;
	v21 =	vmul.f32 $7.250000000e+01, v14;
	v14 =	vpop (erf)  }
0x1bd: {  	v11 =	vpop (erf);
	(erf) = vpow2.f32 v13;
	v13 =	vmul.f32 $7.250000000e+01, v14  }
0x1be: {  	v14 =	vmul.f32 $1.442695020e+00, v12;
	(erf) = vpow2.f32 v16;
	v12 =	vpop (erf)  }
0x1bf: {  	v30 =	vmul.f32 $7.250000000e+01, v30;
	v16 =	vsub.f32 $0.0e+00, v15;
	v15 =	vpop (erf);
	(erf) = vpow2.f32 v10  }
0x1c0: {  	v10 =	vadd.f32 $6.500000000e+00, v17;
	v17 =	vmul.f32 $7.250000000e+01, v15;
	(erf) = vpow2.f32 v18;
	v15 =	vpop (erf)  }
0x1c1: {  	v13 =	vadd.f32 $6.500000000e+00, v13;
	v16 =	vmul.f32 $1.442695020e+00, v16;
	v18 =	vpop (erf);
	(erf) = vpow2.f32 v61  }
0x1c2: {  	v30 =	vadd.f32 $6.500000000e+00, v30;
	v63 =	vmul.f32 $7.250000000e+01, v18;
	(erf) = vpow2.f32 v19  }
0x1c3: {  	[tilespmem:s18+$0x100] =	vst v10;
	v18 =	vpop (erf);
	v10 =	vadd.f32 $6.500000000e+00, v17;
	v19 =	vadd.f32 $6.500000000e+00, v21;
	v21 =	vmul.f32 $7.250000000e+01, v35  }
0x1c4: {  	[tilespmem:s18+$0x180] =	vst v30;
	v24 =	vadd.f32 $6.500000000e+00, v62;
	v18 =	vmul.f32 $7.250000000e+01, v18;
	(erf) = vpow2.f32 v16  }
0x1c5: {  	[tilespmem:s18+$0xC0] =	vst v13;
	v13 =	vpop (erf);
	v16 =	vmul.f32 $7.250000000e+01, v32;
	(erf) = vpow2.f32 v22  }
0x1c6: {  	[tilespmem:s18+$0x1A0] =	vst v24;
	v26 =	vadd.f32 $6.500000000e+00, v63;
	v17 =	vpop (erf);
	v22 =	vmul.f32 $7.250000000e+01, v12;
	(erf) = vpow2.f32 v25  }
0x1c7: {  	[tilespmem:s18+$0x90] =	vst v10;
	v12 =	vmul.f32 $7.250000000e+01, v13;
	v10 =	vpop (erf);
	(erf) = vpow2.f32 v20  }
0x1c8: {  	s19 =	simm.s32 $0x800;
	v16 =	vadd.f32 $6.500000000e+00, v16;
	[tilespmem:s18+$0x150] =	vst v26;
	v20 =	vadd.f32 $6.500000000e+00, v22;
	(erf) = vpow2.f32 v23;
	v13 =	vpop (erf)  }
.LBB2_10:
0x1c9: {  	s20 =	sshra.s32 s19, $0x2;
	p0 =	sne.s32 s19, $0x7C800;
	s19 =	sadd.s32 $0x800, s19;
	v17 =	vmul.f32 $7.250000000e+01, v17;
	v18 =	vadd.f32 $6.500000000e+00, v18;
	(erf) = vpow2.f32 v14;
	v14 =	vpop (erf)  }
0x1ca: {  	v15 =	vmul.f32 $7.250000000e+01, v15;
	v11 =	vmul.f32 $7.250000000e+01, v11;
	v22 =	vld [tilespmem:s20+$0x1F0];
	[tilespmem:s18+$0x160] =	vst v19;
	v19 =	vpop (erf)  }
0x1cb: {  	v26 =	vadd.f32 $6.500000000e+00, v21;
	v23 =	vld [tilespmem:s20+$0x160];
	v17 =	vadd.f32 $6.500000000e+00, v17;
	[tilespmem:s18+$0x70] =	vst v18;
	(erf) = vpow2.f32 v9;
	v9 =	vpop (erf)  }
0x1cc: {  	v19 =	vmul.f32 $7.250000000e+01, v19;
	v11 =	vadd.f32 $6.500000000e+00, v11;
	v18 =	vld [tilespmem:s20+$0x1A0];
	[tilespmem:s18+$0x50] =	vst v20;
	v9 =	vmul.f32 $7.250000000e+01, v9;
	v20 =	vpop (erf)  }
0x1cd: {  	v10 =	vmul.f32 $7.250000000e+01, v10;
	v12 =	vadd.f32 $6.500000000e+00, v12;
	v14 =	vmul.f32 $7.250000000e+01, v14;
	v24 =	vld [tilespmem:s20+$0x150];
	[tilespmem:s18+$0x1B0] =	vst v16;
	v16 =	vpop (erf)  }
0x1ce: {  	v28 =	vadd.f32 $6.500000000e+00, v15;
	v20 =	vmul.f32 $7.250000000e+01, v20;
	v29 =	vadd.f32 $6.500000000e+00, v19;
	v25 =	vld [tilespmem:s20+$0x90];
	[tilespmem:s18+$0x30] =	vst v26;
	v21 =	vpop (erf)  }
0x1cf: {  	v16 =	vmul.f32 $7.250000000e+01, v16;
	v9 =	vadd.f32 $6.500000000e+00, v9;
	v26 =	vld [tilespmem:s20+$0x190];
	[tilespmem:s18+$0x130] =	vst v11;
	v11 =	vmul.f32 $7.250000000e+01, v21;
	v21 =	vpop (erf)  }
0x1d0: {  	v22 =	vsub.f32 $0.0e+00, v22;
	v30 =	vadd.f32 $6.500000000e+00, v20;
	v27 =	vld [tilespmem:s20+$0x30];
	v21 =	vmul.f32 $7.250000000e+01, v21;
	[tilespmem:s18+$0xB0] =	vst v28;
	v15 =	vpop (erf)  }
0x1d1: {  	v10 =	vadd.f32 $6.500000000e+00, v10;
	v28 =	vld [tilespmem:s20+$0x180];
	[tilespmem:s18+$0x40] =	vst v29;
	v15 =	vmul.f32 $7.250000000e+01, v15;
	v11 =	vadd.f32 $6.500000000e+00, v11;
	v19 =	vpop (erf)  }
0x1d2: {  	v13 =	vmul.f32 $7.250000000e+01, v13;
	v22 =	vmul.f32 $1.442695020e+00, v22;
	v29 =	vld [tilespmem:s20+$0x1B0];
	v21 =	vadd.f32 $6.500000000e+00, v21;
	[tilespmem:s18+$0x20] =	vst v30;
	v20 =	vpop (erf)  }
0x1d3: {  	v19 =	vmul.f32 $7.250000000e+01, v19;
	v30 =	vld [tilespmem:s20+$0x170];
	v20 =	vmul.f32 $7.250000000e+01, v20;
	v15 =	vadd.f32 $6.500000000e+00, v15;
	[tilespmem:s18+$0x1C0] =	vst v9  }
0x1d4: {  	v13 =	vadd.f32 $6.500000000e+00, v13;
	v9 =	vsub.f32 $0.0e+00, v18;
	v18 =	vld [tilespmem:s20+$0x1C0];
	(erf) = vpow2.f32 v22;
	[tilespmem:s18+$0x60] =	vst v17;
	v17 =	vpop (erf)  }
0x1d5: {  	v26 =	vsub.f32 $0.0e+00, v26;
	v19 =	vadd.f32 $6.500000000e+00, v19;
	v22 =	vld [tilespmem:s20+$0xB0];
	[tilespmem:s18+$0x10] =	vst v21;
	v17 =	vmul.f32 $7.250000000e+01, v17  }
0x1d6: {  	v9 =	vmul.f32 $1.442695020e+00, v9;
	v20 =	vadd.f32 $6.500000000e+00, v20;
	v21 =	vld [tilespmem:s20+$0x100];
	v28 =	vsub.f32 $0.0e+00, v28;
	[tilespmem:s18+$0xD0] =	vst v15  }
0x1d7: {  	v14 =	vadd.f32 $6.500000000e+00, v14;
	v26 =	vmul.f32 $1.442695020e+00, v26;
	v15 =	vld [tilespmem:s20+$0x130];
	v29 =	vsub.f32 $0.0e+00, v29;
	[tilespmem:s18+$0x140] =	vst v13  }
0x1d8: {  	v13 =	vld [tilespmem:s20+$0x0];
	v28 =	vmul.f32 $1.442695020e+00, v28;
	(erf) = vpow2.f32 v9;
	[tilespmem:s18+$0xA0] =	vst v20;
	v9 =	vadd.f32 $6.500000000e+00, v17  }
0x1d9: {  	v16 =	vadd.f32 $6.500000000e+00, v16;
	v20 =	vsub.f32 $0.0e+00, v30;
	v17 =	vld [tilespmem:s20+$0x10];
	(erf) = vpow2.f32 v26;
	[tilespmem:s18+$0x1E0] =	vst v11  }
0x1da: {  	v11 =	vsub.f32 $0.0e+00, v27;
	v29 =	vmul.f32 $1.442695020e+00, v29;
	v27 =	vld [tilespmem:s20+$0x1E0];
	(erf) = vpow2.f32 v28;
	[tilespmem:s18+$0xF0] =	vst v9  }
0x1db: {  	v24 =	vsub.f32 $0.0e+00, v24;
	v20 =	vmul.f32 $1.442695020e+00, v20;
	v9 =	vld [tilespmem:s20+$0xC0];
	v21 =	vsub.f32 $0.0e+00, v21;
	[tilespmem:s18+$0x80] =	vst v16  }
0x1dc: {  	v23 =	vsub.f32 $0.0e+00, v23;
	v16 =	vld [tilespmem:s20+$0x60];
	v15 =	vsub.f32 $0.0e+00, v15;
	(erf) = vpow2.f32 v29;
	[tilespmem:s18+$0x110] =	vst v14  }
0x1dd: {  	v24 =	vmul.f32 $1.442695020e+00, v24;
	v22 =	vsub.f32 $0.0e+00, v22;
	v14 =	vld [tilespmem:s20+$0x50];
	v21 =	vmul.f32 $1.442695020e+00, v21;
	v26 =	vpop (erf);
	[tilespmem:s18+$0xE0] =	vst v19  }
0x1de: {  	v11 =	vmul.f32 $1.442695020e+00, v11;
	v13 =	vsub.f32 $0.0e+00, v13;
	v19 =	vsub.f32 $0.0e+00, v25;
	v25 =	vld [tilespmem:s20+$0xE0];
	[tilespmem:s18+$0x1D0] =	vst v12  }
0x1df: {  	v12 =	vsub.f32 $0.0e+00, v17;
	v17 =	vmul.f32 $1.442695020e+00, v23;
	v23 =	vld [tilespmem:s20+$0x1D0];
	(erf) = vpow2.f32 v20;
	[tilespmem:s18+$0x120] =	vst v10;
	s18 =	smov.u32 s20  }
0x1e0: {  	v31 =	vmul.f32 $1.442695020e+00, v13;
	v19 =	vmul.f32 $1.442695020e+00, v19;
	v20 =	vld [tilespmem:s18+$0x40];
	v9 =	vsub.f32 $0.0e+00, v9  }
0x1e1: {  	v18 =	vsub.f32 $0.0e+00, v18;
	v10 =	vmul.f32 $1.442695020e+00, v12;
	v12 =	vld [tilespmem:s18+$0x110];
	(erf) = vpow2.f32 v11;
	v28 =	vpop (erf)  }
0x1e2: {  	v22 =	vmul.f32 $1.442695020e+00, v22;
	v11 =	vsub.f32 $0.0e+00, v16;
	v16 =	vld [tilespmem:s18+$0x70];
	(erf) = vpow2.f32 v21;
	v21 =	vpop (erf)  }
0x1e3: {  	v30 =	vmul.f32 $1.442695020e+00, v9;
	v29 =	vld [tilespmem:s18+$0x20];
	v9 =	vsub.f32 $0.0e+00, v25;
	(erf) = vpow2.f32 v31;
	v13 =	vpop (erf)  }
0x1e4: {  	v27 =	vsub.f32 $0.0e+00, v27;
	v11 =	vmul.f32 $1.442695020e+00, v11;
	v25 =	vld [tilespmem:s18+$0xF0];
	v23 =	vsub.f32 $0.0e+00, v23  }
0x1e5: {  	v26 =	vmul.f32 $7.250000000e+01, v26;
	v21 =	vmul.f32 $7.250000000e+01, v21;
	v20 =	vsub.f32 $0.0e+00, v20;
	v31 =	vpop (erf)  }
0x1e6: {  	v14 =	vsub.f32 $0.0e+00, v14;
	v32 =	vmul.f32 $1.442695020e+00, v9;
	v12 =	vsub.f32 $0.0e+00, v12  }
0x1e7: {  	v26 =	vadd.f32 $6.500000000e+00, v26;
	v9 =	vmul.f32 $7.250000000e+01, v13;
	v13 =	vmul.f32 $1.442695020e+00, v27;
	v33 =	vld [tilespmem:s18+$0xA0]  }
0x1e8: {  	v14 =	vmul.f32 $1.442695020e+00, v14;
	v27 =	vsub.f32 $0.0e+00, v29;
	v29 =	vld [tilespmem:s18+$0x140];
	(erf) = vpow2.f32 v17;
	v17 =	vpop (erf)  }
0x1e9: {  	v16 =	vsub.f32 $0.0e+00, v16;
	v36 =	vsub.f32 $0.0e+00, v25;
	v17 =	vmul.f32 $7.250000000e+01, v17;
	[tilespmem:s18+$0x1F0] =	vst v26  }
0x1ea: {  	v15 =	vmul.f32 $1.442695020e+00, v15;
	v37 =	vadd.f32 $6.500000000e+00, v9;
	v26 =	vmul.f32 $1.442695020e+00, v27;
	v27 =	vld [tilespmem:s18+$0x120];
	v35 =	vpop (erf)  }
0x1eb: {  	v21 =	vadd.f32 $6.500000000e+00, v21;
	v16 =	vmul.f32 $1.442695020e+00, v16;
	v9 =	vmul.f32 $1.442695020e+00, v36;
	v25 =	vpop (erf)  }
0x1ec: {  	v17 =	vadd.f32 $6.500000000e+00, v17;
	v33 =	vsub.f32 $0.0e+00, v33;
	[tilespmem:s18+$0x180] =	vst v37;
	v34 =	vpop (erf);
	(erf) = vpow2.f32 v30  }
0x1ed: {  	v30 =	vld [tilespmem:s18+$0xD0];
	v29 =	vsub.f32 $0.0e+00, v29;
	[tilespmem:s18+$0x190] =	vst v21;
	v21 =	vmul.f32 $1.442695020e+00, v23;
	(erf) = vpow2.f32 v15  }
0x1ee: {  	v15 =	vmul.f32 $7.250000000e+01, v34;
	[tilespmem:s18+$0x170] =	vst v17;
	(erf) = vpow2.f32 v14  }
0x1ef: {  	v17 =	vmul.f32 $1.442695020e+00, v20;
	v14 =	vsub.f32 $0.0e+00, v27;
	(erf) = vpow2.f32 v19  }
0x1f0: {  	v18 =	vmul.f32 $1.442695020e+00, v18;
	v15 =	vadd.f32 $6.500000000e+00, v15;
	(erf) = vpow2.f32 v22  }
0x1f1: {  	v12 =	vmul.f32 $1.442695020e+00, v12;
	(erf) = vpow2.f32 v24;
	v19 =	vpop (erf)  }
0x1f2: {  	v14 =	vmul.f32 $1.442695020e+00, v14;
	[tilespmem:s18+$0x0] =	vst v15;
	v15 =	vld [tilespmem:s18+$0x80];
	v20 =	vsub.f32 $0.0e+00, v30;
	(erf) = vpow2.f32 v16  }
0x1f3: {  	v16 =	vmul.f32 $1.442695020e+00, v29;
	(erf) = vpow2.f32 v21  }
0x1f4: {  	v20 =	vmul.f32 $1.442695020e+00, v20;
	(erf) = vpow2.f32 v11  }
0x1f5: {  	v19 =	vmul.f32 $7.250000000e+01, v19;
	v11 =	vpop (erf);
	(erf) = vpow2.f32 v14  }
0x1f6: {  	v22 =	vmul.f32 $7.250000000e+01, v25;
	v21 =	vmul.f32 $7.250000000e+01, v11;
	v11 =	vpop (erf)  }
0x1f7: {  	v14 =	vmul.f32 $1.442695020e+00, v33;
	v23 =	vsub.f32 $0.0e+00, v15;
	v24 =	vpop (erf);
	(erf) = vpow2.f32 v16  }
0x1f8: {  	v25 =	vmul.f32 $7.250000000e+01, v28;
	v16 =	vadd.f32 $6.500000000e+00, v22;
	v15 =	vpop (erf);
	(erf) = vpow2.f32 v12  }
0x1f9: {  	v21 =	vadd.f32 $6.500000000e+00, v21;
	v12 =	vmul.f32 $7.250000000e+01, v15;
	(erf) = vpow2.f32 v17;
	v15 =	vpop (erf)  }
0x1fa: {  	v23 =	vmul.f32 $1.442695020e+00, v23;
	[tilespmem:s18+$0x100] =	vst v16;
	v16 =	vadd.f32 $6.500000000e+00, v25;
	v22 =	vpop (erf);
	(erf) = vpow2.f32 v18  }
0x1fb: {  	v12 =	vadd.f32 $6.500000000e+00, v12;
	[tilespmem:s18+$0xC0] =	vst v21;
	v21 =	vmul.f32 $7.250000000e+01, v22;
	(erf) = vpow2.f32 v26;
	v18 =	vpop (erf)  }
.Ltmp4:
0x1fc: {  	v18 =	vmul.f32 $7.250000000e+01, v18;
	(erf) = vpow2.f32 v23;
	v22 =	vpop (erf);
	(pc) =	sbr.rel @p0 .LBB2_10-.Ltmp4, $4  }
0x1fd: {  	v21 =	vadd.f32 $6.500000000e+00, v21;
	[tilespmem:s18+$0x1A0] =	vst v16;
	v16 =	vmul.f32 $7.250000000e+01, v31;
	v17 =	vpop (erf);
	(erf) = vpow2.f32 v13  }
0x1fe: {  	v19 =	vadd.f32 $6.500000000e+00, v19;
	v23 =	vmul.f32 $7.250000000e+01, v24;
	[tilespmem:s18+$0x90] =	vst v12;
	(erf) = vpow2.f32 v10;
	v10 =	vpop (erf)  }
0x1ff: {  	v12 =	vmul.f32 $7.250000000e+01, v22;
	[tilespmem:s18+$0x150] =	vst v21;
	v16 =	vadd.f32 $6.500000000e+00, v16;
	(erf) = vpow2.f32 v20  }
0x200: {  	v21 =	vmul.f32 $7.250000000e+01, v35;
	v20 =	vadd.f32 $6.500000000e+00, v23;
	(erf) = vpow2.f32 v32;
	v13 =	vpop (erf)  }
0x201: {  	[tilespmem:s18+$0x160] =	vst v19  }
0x202: {  	v18 =	vadd.f32 $6.500000000e+00, v18;
	(erf) = vpow2.f32 v14;
	v47 =	vpop (erf);
	[tilespmem:s18+$0x1B0] =	vst v16  }
0x203: {  	v11 =	vmul.f32 $7.250000000e+01, v11;
	v12 =	vadd.f32 $6.500000000e+00, v12;
	v48 =	vpop (erf);
	[tilespmem:s18+$0x50] =	vst v20  }
0x204: {  	v15 =	vmul.f32 $7.250000000e+01, v15;
	v49 =	vadd.f32 $6.500000000e+00, v21;
	(erf) = vpow2.f32 v9;
	[tilespmem:s18+$0x70] =	vst v18;
	v9 =	vpop (erf)  }
0x205: {  	v13 =	vmul.f32 $7.250000000e+01, v13;
	v11 =	vadd.f32 $6.500000000e+00, v11;
	[tilespmem:s18+$0x1D0] =	vst v12;
	v50 =	vpop (erf)  }
0x206: {  	v19 =	vmul.f32 $7.250000000e+01, v48;
	v15 =	vadd.f32 $6.500000000e+00, v15;
	[tilespmem:s18+$0x30] =	vst v49;
	v51 =	vpop (erf)  }
0x207: {  	v13 =	vadd.f32 $6.500000000e+00, v13;
	v9 =	vmul.f32 $7.250000000e+01, v9;
	[tilespmem:s18+$0x130] =	vst v11;
	v53 =	vpop (erf)  }
0x208: {  	v20 =	vmul.f32 $7.250000000e+01, v50;
	v52 =	vadd.f32 $6.500000000e+00, v19;
	[tilespmem:s18+$0xB0] =	vst v15;
	v54 =	vpop (erf)  }
0x209: {  	v11 =	vmul.f32 $7.250000000e+01, v17;
	[tilespmem:s18+$0x140] =	vst v13;
	v9 =	vadd.f32 $6.500000000e+00, v9;
	v56 =	vpop (erf)  }
0x20a: {  	v16 =	vmul.f32 $7.250000000e+01, v51;
	v20 =	vadd.f32 $6.500000000e+00, v20;
	[tilespmem:s18+$0x40] =	vst v52;
	v57 =	vpop (erf)  }
0x20b: {  	v11 =	vadd.f32 $6.500000000e+00, v11;
	v55 =	vmul.f32 $7.250000000e+01, v54;
	[tilespmem:s18+$0x1C0] =	vst v9;
	v58 =	vpop (erf)  }
0x20c: {  	v63 =	vadd.f32 $6.500000000e+00, v16;
	[tilespmem:s18+$0x20] =	vst v20;
	v9 =	vmul.f32 $7.250000000e+01, v58  }
0x20d: {  	[tilespmem:s18+$0x60] =	vst v11;
	v11 =	vmul.f32 $7.250000000e+01, v53;
	v15 =	vadd.f32 $6.500000000e+00, v55;
	v59 =	vpop (erf)  }
0x20e: {  	[tilespmem:s18+$0x80] =	vst v63;
	v60 =	vmul.f32 $7.250000000e+01, v59;
	v9 =	vadd.f32 $6.500000000e+00, v9  }
0x20f: {  	v17 =	vmul.f32 $7.250000000e+01, v56;
	v11 =	vadd.f32 $6.500000000e+00, v11;
	[tilespmem:s18+$0x10] =	vst v15  }
0x210: {  	v61 =	vmul.f32 $7.250000000e+01, v47;
	[tilespmem:s18+$0xA0] =	vst v9;
	v9 =	vadd.f32 $6.500000000e+00, v60  }
0x211: {  	v62 =	vmul.f32 $7.250000000e+01, v57;
	v17 =	vadd.f32 $6.500000000e+00, v17;
	[tilespmem:s18+$0x1E0] =	vst v11  }
0x212: {  	v11 =	vadd.f32 $6.500000000e+00, v61;
	[tilespmem:s18+$0xF0] =	vst v9;
	v9 =	vmul.f32 $7.250000000e+01, v10  }
0x213: {  	[tilespmem:s18+$0xD0] =	vst v17;
	v10 =	vadd.f32 $6.500000000e+00, v62  }
0x214: {  	[tilespmem:s18+$0x110] =	vst v11;
	v9 =	vadd.f32 $6.500000000e+00, v9  }
0x215: {  	[tilespmem:s18+$0xE0] =	vst v10  }
0x216: {  	s31 =	simm.s32 $0x0;
	[tilespmem:s18+$0x120] =	vst v9  }
0x217: {  	[hbm4b:s6+s31] =	stream.linear.scatter [tilespmem:s31], [sflag:$0x3], $0x1F400, $0x38;
	[tilespmem:$0x1FC80] =	vst v63  }
0x218: {  	_ =	swait.ge [sflag:s12], $0x1F400  }
0x219: {  	[sflag:s12] =	ssyncset.done $0x0  }
0x21a: {  	[sflag:s12] =	ssyncadd.s32 $0xFFFE0C00  }
0x21b: {  	s19 =	simm.s32 $0x800;
	s18 =	simm.s32 $0x0;
	v9 =	vld.idx.msk [tilespmem:v3+s11+$0x0], $0xffff  }
.LBB2_12:
0x21c: {  	p0 =	sne.s32 s19, $0x7C800;
	[tilespmem:s18+$0x1F0] =	vst v7  }
0x21d: {  	[tilespmem:s18+$0x0] =	vst v7  }
0x21e: {  	[tilespmem:s18+$0x10] =	vst v7  }
0x21f: {  	[tilespmem:s18+$0x20] =	vst v7  }
0x220: {  	[tilespmem:s18+$0x30] =	vst v7  }
0x221: {  	[tilespmem:s18+$0x40] =	vst v7  }
0x222: {  	[tilespmem:s18+$0x50] =	vst v7  }
0x223: {  	[tilespmem:s18+$0x60] =	vst v7  }
0x224: {  	[tilespmem:s18+$0x70] =	vst v7  }
0x225: {  	[tilespmem:s18+$0x80] =	vst v7  }
0x226: {  	[tilespmem:s18+$0x90] =	vst v7  }
0x227: {  	[tilespmem:s18+$0xA0] =	vst v7  }
0x228: {  	[tilespmem:s18+$0xB0] =	vst v7  }
0x229: {  	[tilespmem:s18+$0xC0] =	vst v7  }
0x22a: {  	[tilespmem:s18+$0xD0] =	vst v7  }
0x22b: {  	[tilespmem:s18+$0xE0] =	vst v7  }
0x22c: {  	[tilespmem:s18+$0xF0] =	vst v7  }
0x22d: {  	[tilespmem:s18+$0x100] =	vst v7  }
0x22e: {  	[tilespmem:s18+$0x110] =	vst v7  }
0x22f: {  	[tilespmem:s18+$0x120] =	vst v7  }
0x230: {  	[tilespmem:s18+$0x130] =	vst v7  }
0x231: {  	[tilespmem:s18+$0x140] =	vst v7  }
0x232: {  	[tilespmem:s18+$0x150] =	vst v7  }
0x233: {  	[tilespmem:s18+$0x160] =	vst v7  }
0x234: {  	[tilespmem:s18+$0x170] =	vst v7  }
0x235: {  	[tilespmem:s18+$0x180] =	vst v7  }
0x236: {  	[tilespmem:s18+$0x190] =	vst v7  }
.Ltmp5:
0x237: {  	[tilespmem:s18+$0x1A0] =	vst v7;
	(pc) =	sbr.rel @p0 .LBB2_12-.Ltmp5, $4  }
0x238: {  	[tilespmem:s18+$0x1B0] =	vst v7  }
0x239: {  	[tilespmem:s18+$0x1C0] =	vst v7  }
0x23a: {  	[tilespmem:s18+$0x1D0] =	vst v7  }
0x23b: {  	[tilespmem:s18+$0x1E0] =	vst v7;
	s18 =	sshra.s32 s19, $0x2;
	s19 =	sadd.s32 $0x800, s19  }
0x23c: {  	[tilespmem:s18+$0x1F0] =	vst v7  }
0x23d: {  	[tilespmem:s18+$0x0] =	vst v7  }
0x23e: {  	[tilespmem:s18+$0x10] =	vst v7  }
0x23f: {  	[tilespmem:s18+$0x20] =	vst v7  }
0x240: {  	[tilespmem:s18+$0x30] =	vst v7  }
0x241: {  	[tilespmem:s18+$0x40] =	vst v7  }
0x242: {  	[tilespmem:s18+$0x50] =	vst v7  }
0x243: {  	[tilespmem:s18+$0x60] =	vst v7  }
0x244: {  	[tilespmem:s18+$0x70] =	vst v7  }
0x245: {  	[tilespmem:s18+$0x80] =	vst v7  }
0x246: {  	[tilespmem:s18+$0x90] =	vst v7  }
0x247: {  	[tilespmem:s18+$0xA0] =	vst v7  }
0x248: {  	[tilespmem:s18+$0xB0] =	vst v7  }
0x249: {  	[tilespmem:s18+$0xC0] =	vst v7  }
0x24a: {  	[tilespmem:s18+$0xD0] =	vst v7  }
0x24b: {  	[tilespmem:s18+$0xE0] =	vst v7  }
0x24c: {  	[tilespmem:s18+$0xF0] =	vst v7  }
0x24d: {  	[tilespmem:s18+$0x100] =	vst v7  }
0x24e: {  	[tilespmem:s18+$0x110] =	vst v7  }
0x24f: {  	[tilespmem:s18+$0x120] =	vst v7  }
0x250: {  	[tilespmem:s18+$0x130] =	vst v7  }
0x251: {  	[tilespmem:s18+$0x140] =	vst v7  }
0x252: {  	[tilespmem:s18+$0x150] =	vst v7  }
0x253: {  	[tilespmem:s18+$0x160] =	vst v7  }
0x254: {  	[tilespmem:s18+$0x170] =	vst v7  }
0x255: {  	[tilespmem:s18+$0x180] =	vst v7  }
0x256: {  	[tilespmem:s18+$0x190] =	vst v7  }
0x257: {  	[tilespmem:s18+$0x1A0] =	vst v7  }
0x258: {  	[tilespmem:s18+$0x1B0] =	vst v7  }
0x259: {  	[tilespmem:s18+$0x1C0] =	vst v7  }
0x25a: {  	[tilespmem:s18+$0x1D0] =	vst v7  }
0x25b: {  	[tilespmem:s18+$0x1E0] =	vst v7;
	s18 =	simm.s32 $0x0;
	s19 =	simm.s32 $0x0  }
0x25c: {  	[tilespmem:s13], [sflag:$0x1] =	stream.linear.gather [hbm4b:s7+s18], $0x400, $0x38;
	[tilespmem:$0x1FC80] =	vst v63  }
.LBB2_14:
0x25d: {  	s20 =	sshllo.u32 s19, $0x1;
	v10 =	vor.u32 s18, v5  }
0x25e: {  	s21 =	sshll.u32 s20, $0x7;
	v11 =	vmul.u32 $0x3, v10  }
0x25f: {  	s21 =	sadd.s32 s21, s7  }
0x260: {  	[tilespmem:s14], [sflag:$0x2] =	stream.linear.gather [hbm4b:s21+s18], $0x400, $0x38;
	v12 =	vadd.s32 $0x1, v11;
	[tilespmem:$0x1FC80] =	vst v63  }
0x261: {  	v13 =	vadd.s32 $0x2, v11;
	_ =	swait.ge [sflag:s15], $0x400  }
0x262: {  	[sflag:s15] =	ssyncset.done $0x0  }
0x263: {  	[sflag:s15] =	ssyncadd.s32 $0xFFFFFC00  }
0x264: {  	v16 =	vld.idx.msk [tilespmem:v11+s13+$0x0], $0xffff  }
0x265: {  	v12 =	vld.idx.msk [tilespmem:v12+s13+$0x0], $0xffff  }
0x266: {  	s23 =	simm.s32 $0x10;
	s31 =	sshll.u32 s19, $0x9;
	v13 =	vld.idx.msk [tilespmem:v13+s13+$0x0], $0xffff  }
0x267: {  	v21 =	vmov s18;
	v14 =	vor.u32 s23, v5;
	v17 =	vmov s31  }
0x268: {  	s22 =	simm.s32 $0x20;
	v21 =	vand.u32 $0xFF, v21;
	v15 =	vmul.u32 $0x3, v14;
	v20 =	vor.u32 v17, v10  }
0x269: {  	v14 =	vor.u32 v17, v14;
	v10 =	vor.u32 s22, v5;
	v22 =	vtrunc.f32 v16  }
0x26a: {  	v21 =	vor.u32 v8, v21;
	vm0 =	vlt.s32 v20, v9;
	v22 =	vcvt.f32.s32 v22  }
0x26b: {  	v18 =	vadd.s32 $0x1, v15;
	v23 =	vtrunc.f32 v12;
	v24 =	vtrunc.f32 v13  }
0x26c: {  	v11 =	vmul.u32 $0x3, v10;
	v23 =	vcvt.f32.s32 v23;
	v20 =	vcvt.f32.s32 v24  }
0x26d: {  	v24 =	vcvt.s32.f32 v22;
	vm1 =	vge.s32 v22, v4;
	vm2 =	vgt.s32 v6, v22  }
0x26e: {  	v26 =	vsub.s32 v22, v4;
	v25 =	vcvt.s32.f32 v23;
	v23 =	vmul.u32 $0x50, v23  }
0x26f: {  	vm3 =	vgt.s32 v26, $0x0;
	vm1 =	vmand vm1, vm2;
	v16 =	vsub.f32 v16, v24  }
0x270: {  	v21 =	vld.idx.msk [tilespmem:v21+s13+$0x0], $0xffff;
	v24 =	vcvt.s32.f32 v20;
	vm1 =	vmand vm0, vm1;
	v25 =	vsub.f32 v12, v25  }
0x271: {  	v12 =	vadd.s32 $0x1, v22;
	v22 =	vnsel vm3, $0x0, v26;
	v20 =	vadd.s32 v20, v23  }
0x272: {  	v24 =	vsub.f32 v13, v24;
	v13 =	vsub.s32 v12, v4;
	v26 =	vsub.f32 $1.000000000e+00, v16  }
0x273: {  	vm2 =	vlt.s32 v12, v6;
	v22 =	vmin.u32 v22, $0x13;
	v27 =	vadd.s32 $0x50, v20  }
0x274: {  	vm3 =	vgt.s32 v13, $0x0;
	v23 =	vsub.f32 $1.000000000e+00, v25;
	v22 =	vmul.u32 $0x1900, v22  }
0x275: {  	v13 =	vnsel vm3, $0x0, v13;
	v26 =	vmul.f32 v26, v21;
	vm3 =	vge.s32 v12, v4  }
0x276: {  	v28 =	vsub.f32 $1.000000000e+00, v24;
	v12 =	vmin.u32 v13, $0x13;
	v29 =	vadd.s32 v22, v20  }
0x277: {  	v30 =	vadd.s32 v22, v27;
	v13 =	vmul.f32 v23, v26;
	v22 =	vadd.s32 $0x1, v29  }
0x278: {  	v10 =	vor.u32 v17, v10;
	v16 =	vmul.f32 v16, v21;
	vm0 =	vmand vm2, vm0  }
0x279: {  	vm0 =	vmand vm0, vm3;
	v12 =	vmul.u32 $0x1900, v12;
	v31 =	vmul.f32 v28, v13  }
0x27a: {  	v26 =	vmul.f32 v26, v25;
	v32 =	vadd.s32 $0x1, v30;
	v33 =	vmul.f32 v13, v24  }
0x27b: {  	v19 =	vadd.s32 $0x2, v15;
	v34 =	vadd.s32 v12, v20;
	v21 =	vadd.s32 v12, v27;
	[tilespmem:v29+s3+$0x0] =	vst.idx.add.f32.msk vm1, v31  }
0x27c: {  	v20 =	vmul.f32 v23, v16;
	v23 =	vmul.f32 v28, v26;
	[tilespmem:v22+s3+$0x0] =	vst.idx.add.f32.msk vm1, v33;
	v22 =	vadd.s32 $0x1, v34  }
0x27d: {  	v12 =	vadd.s32 $0x1, v11;
	v26 =	vmul.f32 v26, v24;
	v27 =	vmul.f32 v25, v16  }
0x27e: {  	s21 =	simm.s32 $0x30;
	v13 =	vadd.s32 $0x2, v11;
	v63 =	vmul.f32 v28, v20;
	[tilespmem:v30+s3+$0x0] =	vst.idx.add.f32.msk vm1, v23;
	v23 =	vadd.s32 $0x1, v21  }
0x27f: {  	v16 =	vor.u32 s21, v5;
	v25 =	vmul.f32 v20, v24;
	v24 =	vmul.f32 v24, v27;
	[tilespmem:v32+s3+$0x0] =	vst.idx.add.f32.msk vm1, v26  }
0x280: {  	s24 =	simm.s32 $0x40;
	v20 =	vmul.u32 $0x3, v16;
	v16 =	vor.u32 v17, v16;
	v26 =	vmul.f32 v28, v27;
	[tilespmem:v34+s3+$0x0] =	vst.idx.add.f32.msk vm0, v63  }
.LBB2_15:
0x281: {  	p0 =	sne.s32 s24, $0xF0;
	[tilespmem:v22+s3+$0x0] =	vst.idx.add.f32.msk vm0, v25;
	s25 =	smov.u32 s24;
	s24 =	sadd.s32 $0x10, s24  }
0x282: {  	v22 =	vadd.s32 $0x1, v20;
	[tilespmem:v21+s3+$0x0] =	vst.idx.add.f32.msk vm0, v26  }
0x283: {  	[tilespmem:v23+s3+$0x0] =	vst.idx.add.f32.msk vm0, v24  }
0x284: {  	v21 =	vadd.s32 $0x2, v20;
	v23 =	vld.idx.msk [tilespmem:v15+s13+$0x0], $0xffff;
	v15 =	vmov v11;
	v11 =	vmov v20  }
0x285: {  	v20 =	vld.idx.msk [tilespmem:v18+s13+$0x0], $0xffff;
	v18 =	vmov v12;
	v12 =	vmov v22  }
0x286: {  	v22 =	vld.idx.msk [tilespmem:v19+s13+$0x0], $0xffff;
	v19 =	vmov v13;
	v13 =	vmov v21;
	_ =	sdelay $0x1  }
0x287: {  	v21 =	vmov s23;
	s23 =	smov.u32 s22;
	s22 =	smov.u32 s21;
	s21 =	smov.u32 s25  }
0x288: {  	v21 =	vand.u32 $0xFF, v21  }
0x289: {  	v21 =	vor.u32 v8, v21;
	v24 =	vtrunc.f32 v23  }
0x28a: {  	v24 =	vcvt.f32.s32 v24;
	v25 =	vtrunc.f32 v20  }
0x28b: {  	vm0 =	vlt.s32 v14, v9;
	v14 =	vmovc v10;
	v10 =	vmovc v16;
	v25 =	vcvt.f32.s32 v25;
	v26 =	vtrunc.f32 v22  }
0x28c: {  	v16 =	vcvt.f32.s32 v26;
	v26 =	vcvt.s32.f32 v24;
	vm1 =	vge.s32 v24, v4  }
0x28d: {  	vm2 =	vgt.s32 v6, v24;
	v27 =	vcvt.s32.f32 v25;
	v25 =	vmul.u32 $0x50, v25  }
0x28e: {  	v28 =	vsub.s32 v24, v4;
	v23 =	vsub.f32 v23, v26;
	v26 =	vcvt.s32.f32 v16;
	v21 =	vld.idx.msk [tilespmem:v21+s13+$0x0], $0xffff  }
0x28f: {  	v24 =	vadd.s32 $0x1, v24;
	vm3 =	vgt.s32 v28, $0x0;
	v20 =	vsub.f32 v20, v27  }
0x290: {  	v27 =	vsub.s32 v24, v4;
	v26 =	vsub.f32 v22, v26;
	v22 =	vnsel vm3, $0x0, v28  }
0x291: {  	v16 =	vadd.s32 v16, v25;
	vm3 =	vgt.s32 v27, $0x0;
	v28 =	vsub.f32 $1.000000000e+00, v23  }
0x292: {  	vm1 =	vmand vm1, vm2;
	vm2 =	vlt.s32 v24, v6;
	v25 =	vsub.f32 $1.000000000e+00, v20  }
0x293: {  	v29 =	vadd.s32 $0x50, v16;
	v22 =	vmin.u32 v22, $0x13;
	v27 =	vnsel vm3, $0x0, v27  }
0x294: {  	vm3 =	vge.s32 v24, v4;
	v22 =	vmul.u32 $0x1900, v22;
	v24 =	vmul.f32 v28, v21  }
0x295: {  	vm1 =	vmand vm0, vm1;
	v27 =	vmin.u32 v27, $0x13;
	v28 =	vsub.f32 $1.000000000e+00, v26  }
0x296: {  	v31 =	vadd.s32 v22, v16;
	v32 =	vadd.s32 v22, v29;
	v30 =	vmul.f32 v25, v24  }
0x297: {  	v22 =	vmul.u32 $0x1900, v27;
	v27 =	vadd.s32 $0x1, v31;
	v24 =	vmul.f32 v24, v20  }
0x298: {  	vm0 =	vmand vm2, vm0;
	v23 =	vmul.f32 v23, v21;
	v33 =	vmul.f32 v30, v26  }
0x299: {  	vm0 =	vmand vm0, vm3;
	v34 =	vadd.s32 $0x1, v32;
	v30 =	vmul.f32 v28, v30  }
0x29a: {  	v35 =	vadd.s32 v22, v16;
	v21 =	vadd.s32 v22, v29;
	v16 =	vmul.f32 v24, v26  }
.Ltmp6:
0x29b: {  	v25 =	vmul.f32 v25, v23;
	v22 =	vadd.s32 $0x1, v35;
	v24 =	vmul.f32 v28, v24;
	[tilespmem:v31+s3+$0x0] =	vst.idx.add.f32.msk vm1, v30;
	(pc) =	sbr.rel @p0 .LBB2_15-.Ltmp6, $4  }
0x29c: {  	v29 =	vmul.f32 v20, v23;
	[tilespmem:v27+s3+$0x0] =	vst.idx.add.f32.msk vm1, v33  }
0x29d: {  	v23 =	vadd.s32 $0x1, v21;
	v30 =	vmul.f32 v28, v25;
	v27 =	vor.u32 s21, v5;
	[tilespmem:v32+s3+$0x0] =	vst.idx.add.f32.msk vm1, v24  }
0x29e: {  	v25 =	vmul.f32 v25, v26;
	v20 =	vmul.u32 $0x3, v27;
	v24 =	vmul.f32 v26, v29;
	[tilespmem:v34+s3+$0x0] =	vst.idx.add.f32.msk vm1, v16  }
0x29f: {  	v26 =	vmul.f32 v28, v29;
	v16 =	vor.u32 v17, v27;
	[tilespmem:v35+s3+$0x0] =	vst.idx.add.f32.msk vm0, v30  }
0x2a0: {  	_ =	sdelay $0x4  }
0x2a1: {  	[tilespmem:v22+s3+$0x0] =	vst.idx.add.f32.msk vm0, v25  }
0x2a2: {  	[tilespmem:v21+s3+$0x0] =	vst.idx.add.f32.msk vm0, v26  }
0x2a3: {  	[tilespmem:v23+s3+$0x0] =	vst.idx.add.f32.msk vm0, v24  }
0x2a4: {  	v15 =	vld.idx.msk [tilespmem:v15+s13+$0x0], $0xffff  }
0x2a5: {  	v17 =	vld.idx.msk [tilespmem:v18+s13+$0x0], $0xffff  }
0x2a6: {  	v18 =	vld.idx.msk [tilespmem:v19+s13+$0x0], $0xffff;
	_ =	sdelay $0x2  }
0x2a7: {  	v19 =	vmov s23;
	v21 =	vtrunc.f32 v15  }
0x2a8: {  	v19 =	vand.u32 $0xFF, v19;
	v22 =	vtrunc.f32 v17;
	v21 =	vcvt.f32.s32 v21  }
0x2a9: {  	v19 =	vor.u32 v8, v19;
	v23 =	vtrunc.f32 v18;
	v22 =	vcvt.f32.s32 v22  }
0x2aa: {  	vm0 =	vlt.s32 v14, v9;
	v14 =	vcvt.f32.s32 v23;
	v23 =	vcvt.s32.f32 v21  }
0x2ab: {  	vm1 =	vge.s32 v21, v4;
	v24 =	vcvt.s32.f32 v22;
	vm2 =	vgt.s32 v6, v21  }
0x2ac: {  	v22 =	vmul.u32 $0x50, v22;
	v25 =	vsub.s32 v21, v4;
	v21 =	vadd.s32 $0x1, v21  }
0x2ad: {  	vm3 =	vgt.s32 v25, $0x0;
	vm1 =	vmand vm1, vm2;
	vm2 =	vlt.s32 v21, v6  }
0x2ae: {  	v19 =	vld.idx.msk [tilespmem:v19+s13+$0x0], $0xffff;
	v15 =	vsub.f32 v15, v23;
	v23 =	vcvt.s32.f32 v14;
	v17 =	vsub.f32 v17, v24  }
0x2af: {  	v24 =	vnsel vm3, $0x0, v25;
	v14 =	vadd.s32 v14, v22;
	vm1 =	vmand vm0, vm1  }
0x2b0: {  	vm0 =	vmand vm2, vm0;
	v24 =	vmin.u32 v24, $0x13;
	v26 =	vadd.s32 $0x50, v14  }
0x2b1: {  	v18 =	vsub.f32 v18, v23;
	v23 =	vsub.s32 v21, v4;
	v25 =	vsub.f32 $1.000000000e+00, v15  }
0x2b2: {  	v22 =	vsub.f32 $1.000000000e+00, v17;
	v24 =	vmul.u32 $0x1900, v24;
	vm3 =	vgt.s32 v23, $0x0  }
0x2b3: {  	v15 =	vmul.f32 v15, v19;
	v23 =	vnsel vm3, $0x0, v23;
	v25 =	vmul.f32 v25, v19  }
0x2b4: {  	vm3 =	vge.s32 v21, v4;
	v28 =	vadd.s32 v24, v14;
	v21 =	vmin.u32 v23, $0x13  }
0x2b5: {  	v23 =	vsub.f32 $1.000000000e+00, v18;
	v29 =	vadd.s32 $0x1, v28;
	v27 =	vmul.f32 v22, v25  }
0x2b6: {  	v24 =	vadd.s32 v24, v26;
	vm0 =	vmand vm0, vm3;
	v21 =	vmul.u32 $0x1900, v21  }
0x2b7: {  	v30 =	vadd.s32 $0x1, v24;
	v25 =	vmul.f32 v25, v17;
	v19 =	vmul.f32 v23, v27  }
0x2b8: {  	v27 =	vmul.f32 v27, v18;
	v14 =	vadd.s32 v21, v14  }
0x2b9: {  	v22 =	vmul.f32 v22, v15;
	v58 =	vadd.s32 $0x1, v14;
	[tilespmem:v28+s3+$0x0] =	vst.idx.add.f32.msk vm1, v19;
	v19 =	vmul.f32 v23, v25  }
0x2ba: {  	v21 =	vadd.s32 v21, v26;
	v25 =	vmul.f32 v25, v18;
	[tilespmem:v29+s3+$0x0] =	vst.idx.add.f32.msk vm1, v27  }
0x2bb: {  	v15 =	vmul.f32 v17, v15;
	v17 =	vmul.f32 v23, v22;
	[tilespmem:v24+s3+$0x0] =	vst.idx.add.f32.msk vm1, v19;
	v19 =	vadd.s32 $0x1, v21  }
0x2bc: {  	v22 =	vmul.f32 v22, v18;
	[tilespmem:v30+s3+$0x0] =	vst.idx.add.f32.msk vm1, v25  }
0x2bd: {  	[tilespmem:v14+s3+$0x0] =	vst.idx.add.f32.msk vm0, v17;
	v14 =	vmul.f32 v23, v15  }
0x2be: {  	v15 =	vmul.f32 v18, v15;
	[tilespmem:v58+s3+$0x0] =	vst.idx.add.f32.msk vm0, v22  }
0x2bf: {  	[tilespmem:v21+s3+$0x0] =	vst.idx.add.f32.msk vm0, v14  }
0x2c0: {  	[tilespmem:v19+s3+$0x0] =	vst.idx.add.f32.msk vm0, v15  }
0x2c1: {  	v11 =	vld.idx.msk [tilespmem:v11+s13+$0x0], $0xffff  }
0x2c2: {  	v12 =	vld.idx.msk [tilespmem:v12+s13+$0x0], $0xffff  }
0x2c3: {  	v13 =	vld.idx.msk [tilespmem:v13+s13+$0x0], $0xffff;
	_ =	sdelay $0x2  }
0x2c4: {  	v14 =	vmov s22;
	v15 =	vtrunc.f32 v11  }
0x2c5: {  	v14 =	vand.u32 $0xFF, v14;
	v17 =	vtrunc.f32 v12;
	v15 =	vcvt.f32.s32 v15  }
0x2c6: {  	v14 =	vor.u32 v8, v14;
	v18 =	vtrunc.f32 v13;
	v17 =	vcvt.f32.s32 v17  }
0x2c7: {  	vm0 =	vlt.s32 v10, v9;
	v10 =	vcvt.f32.s32 v18;
	v18 =	vcvt.s32.f32 v15  }
0x2c8: {  	vm1 =	vge.s32 v15, v4;
	v19 =	vcvt.s32.f32 v17;
	vm2 =	vgt.s32 v6, v15  }
0x2c9: {  	v17 =	vmul.u32 $0x50, v17;
	v21 =	vsub.s32 v15, v4;
	v15 =	vadd.s32 $0x1, v15  }
0x2ca: {  	vm3 =	vgt.s32 v21, $0x0;
	vm1 =	vmand vm1, vm2;
	vm2 =	vlt.s32 v15, v6  }
0x2cb: {  	v14 =	vld.idx.msk [tilespmem:v14+s13+$0x0], $0xffff;
	v11 =	vsub.f32 v11, v18;
	v18 =	vcvt.s32.f32 v10;
	v12 =	vsub.f32 v12, v19  }
0x2cc: {  	v19 =	vnsel vm3, $0x0, v21;
	v10 =	vadd.s32 v10, v17;
	vm1 =	vmand vm0, vm1  }
0x2cd: {  	vm0 =	vmand vm2, vm0;
	v19 =	vmin.u32 v19, $0x13;
	v22 =	vadd.s32 $0x50, v10  }
0x2ce: {  	v13 =	vsub.f32 v13, v18;
	v18 =	vsub.s32 v15, v4;
	v21 =	vsub.f32 $1.000000000e+00, v11  }
0x2cf: {  	v17 =	vsub.f32 $1.000000000e+00, v12;
	v19 =	vmul.u32 $0x1900, v19;
	vm3 =	vgt.s32 v18, $0x0  }
0x2d0: {  	v11 =	vmul.f32 v11, v14;
	v18 =	vnsel vm3, $0x0, v18;
	v21 =	vmul.f32 v21, v14  }
0x2d1: {  	vm3 =	vge.s32 v15, v4;
	v24 =	vadd.s32 v19, v10;
	v15 =	vmin.u32 v18, $0x13  }
0x2d2: {  	v18 =	vsub.f32 $1.000000000e+00, v13;
	v25 =	vadd.s32 $0x1, v24;
	v23 =	vmul.f32 v17, v21  }
0x2d3: {  	v19 =	vadd.s32 v19, v22;
	vm0 =	vmand vm0, vm3;
	v15 =	vmul.u32 $0x1900, v15  }
0x2d4: {  	v26 =	vadd.s32 $0x1, v19;
	v21 =	vmul.f32 v21, v12;
	v14 =	vmul.f32 v18, v23  }
0x2d5: {  	v23 =	vmul.f32 v23, v13;
	v10 =	vadd.s32 v15, v10  }
0x2d6: {  	v17 =	vmul.f32 v17, v11;
	[tilespmem:v24+s3+$0x0] =	vst.idx.add.f32.msk vm1, v14;
	v14 =	vmul.f32 v18, v21;
	v24 =	vadd.s32 $0x1, v10  }
0x2d7: {  	v15 =	vadd.s32 v15, v22;
	v21 =	vmul.f32 v21, v13;
	[tilespmem:v25+s3+$0x0] =	vst.idx.add.f32.msk vm1, v23  }
0x2d8: {  	v11 =	vmul.f32 v12, v11;
	v12 =	vmul.f32 v18, v17;
	[tilespmem:v19+s3+$0x0] =	vst.idx.add.f32.msk vm1, v14;
	v14 =	vadd.s32 $0x1, v15  }
0x2d9: {  	v17 =	vmul.f32 v17, v13;
	[tilespmem:v26+s3+$0x0] =	vst.idx.add.f32.msk vm1, v21  }
0x2da: {  	v19 =	vadd.s32 $0x1, v20;
	[tilespmem:v10+s3+$0x0] =	vst.idx.add.f32.msk vm0, v12;
	v10 =	vmul.f32 v18, v11  }
0x2db: {  	v12 =	vadd.s32 $0x2, v20;
	v11 =	vmul.f32 v13, v11;
	[tilespmem:v24+s3+$0x0] =	vst.idx.add.f32.msk vm0, v17  }
0x2dc: {  	[tilespmem:v15+s3+$0x0] =	vst.idx.add.f32.msk vm0, v10  }
0x2dd: {  	[tilespmem:v14+s3+$0x0] =	vst.idx.add.f32.msk vm0, v11  }
0x2de: {  	v10 =	vld.idx.msk [tilespmem:v20+s13+$0x0], $0xffff  }
0x2df: {  	v11 =	vld.idx.msk [tilespmem:v19+s13+$0x0], $0xffff  }
0x2e0: {  	v12 =	vld.idx.msk [tilespmem:v12+s13+$0x0], $0xffff;
	_ =	sdelay $0x2  }
0x2e1: {  	v13 =	vmov s21;
	v14 =	vtrunc.f32 v10  }
0x2e2: {  	v13 =	vand.u32 $0xFF, v13;
	v15 =	vtrunc.f32 v11;
	v14 =	vcvt.f32.s32 v14  }
0x2e3: {  	v13 =	vor.u32 v8, v13;
	v15 =	vcvt.f32.s32 v15;
	v17 =	vtrunc.f32 v12  }
0x2e4: {  	vm0 =	vlt.s32 v16, v9;
	v16 =	vcvt.f32.s32 v17;
	v17 =	vcvt.s32.f32 v14  }
0x2e5: {  	vm1 =	vge.s32 v14, v4;
	v18 =	vcvt.s32.f32 v15;
	vm2 =	vgt.s32 v6, v14  }
0x2e6: {  	v15 =	vmul.u32 $0x50, v15;
	v19 =	vsub.s32 v14, v4;
	v14 =	vadd.s32 $0x1, v14  }
0x2e7: {  	vm3 =	vgt.s32 v19, $0x0;
	vm1 =	vmand vm1, vm2;
	vm2 =	vlt.s32 v14, v6  }
0x2e8: {  	v13 =	vld.idx.msk [tilespmem:v13+s13+$0x0], $0xffff;
	v10 =	vsub.f32 v10, v17;
	v17 =	vcvt.s32.f32 v16;
	v11 =	vsub.f32 v11, v18  }
0x2e9: {  	v18 =	vnsel vm3, $0x0, v19;
	v15 =	vadd.s32 v16, v15;
	vm1 =	vmand vm0, vm1  }
0x2ea: {  	vm0 =	vmand vm2, vm0;
	v18 =	vmin.u32 v18, $0x13;
	v20 =	vadd.s32 $0x50, v15  }
0x2eb: {  	v12 =	vsub.f32 v12, v17;
	v17 =	vsub.s32 v14, v4;
	v19 =	vsub.f32 $1.000000000e+00, v10  }
0x2ec: {  	v16 =	vsub.f32 $1.000000000e+00, v11;
	v18 =	vmul.u32 $0x1900, v18;
	vm3 =	vgt.s32 v17, $0x0  }
0x2ed: {  	v10 =	vmul.f32 v10, v13;
	v17 =	vnsel vm3, $0x0, v17;
	v19 =	vmul.f32 v19, v13  }
0x2ee: {  	vm3 =	vge.s32 v14, v4;
	v22 =	vadd.s32 v18, v15;
	v14 =	vmin.u32 v17, $0x13  }
0x2ef: {  	v17 =	vsub.f32 $1.000000000e+00, v12;
	v23 =	vadd.s32 $0x1, v22;
	v21 =	vmul.f32 v16, v19  }
0x2f0: {  	v18 =	vadd.s32 v18, v20;
	vm0 =	vmand vm0, vm3;
	v14 =	vmul.u32 $0x1900, v14  }
0x2f1: {  	v24 =	vadd.s32 $0x1, v18;
	v19 =	vmul.f32 v19, v11;
	v13 =	vmul.f32 v17, v21  }
0x2f2: {  	v21 =	vmul.f32 v21, v12;
	v15 =	vadd.s32 v14, v15  }
0x2f3: {  	v16 =	vmul.f32 v16, v10;
	[tilespmem:v22+s3+$0x0] =	vst.idx.add.f32.msk vm1, v13;
	v13 =	vmul.f32 v17, v19;
	v22 =	vadd.s32 $0x1, v15  }
0x2f4: {  	v14 =	vadd.s32 v14, v20;
	v19 =	vmul.f32 v19, v12;
	[tilespmem:v23+s3+$0x0] =	vst.idx.add.f32.msk vm1, v21  }
0x2f5: {  	v10 =	vmul.f32 v11, v10;
	v11 =	vmul.f32 v17, v16;
	[tilespmem:v18+s3+$0x0] =	vst.idx.add.f32.msk vm1, v13;
	v13 =	vadd.s32 $0x1, v14  }
0x2f6: {  	v16 =	vmul.f32 v16, v12;
	[tilespmem:v24+s3+$0x0] =	vst.idx.add.f32.msk vm1, v19  }
0x2f7: {  	s31 =	simm.s32 $0x0;
	[tilespmem:v15+s3+$0x0] =	vst.idx.add.f32.msk vm0, v11;
	v11 =	vmul.f32 v17, v10  }
0x2f8: {  	p0 =	seq.s32 s19, $0xF;
	v10 =	vmul.f32 v12, v10;
	v12 =	vor.u32 s31, v5;
	[tilespmem:v22+s3+$0x0] =	vst.idx.add.f32.msk vm0, v16  }
0x2f9: {  	s21 =	sshll.u32 @!p0 s19, $0x8;
	[tilespmem:v14+s3+$0x0] =	vst.idx.add.f32.msk vm0, v11;
	v11 =	vmul.u32 $0x3, v12  }
0x2fa: {  	s24 =	simm.s32 @!p0 $0x1F400;
	s22 =	simm.s32 @!p0 $0x0;
	s21 =	sadd.s32 @!p0 s21, s8;
	[tilespmem:v13+s3+$0x0] =	vst.idx.add.f32.msk vm0, v10  }
0x2fb: {  	[tilespmem:s24], [sflag:$0x1] =	stream.linear.gather @!p0 [hbm4b:s21+s22], $0x400, $0x38;
	v10 =	vadd.s32 $0x1, v11;
	[tilespmem:$0x1FC80] =	vst v63  }
0x2fc: {  	v13 =	vadd.s32 $0x2, v11;
	_ =	swait.ge [sflag:s16], $0x400  }
0x2fd: {  	[sflag:s16] =	ssyncset.done $0x0  }
0x2fe: {  	[sflag:s16] =	ssyncadd.s32 $0xFFFFFC00  }
0x2ff: {  	v16 =	vld.idx.msk [tilespmem:v11+s14+$0x0], $0xffff  }
0x300: {  	s20 =	sshll.u32 s20, $0x8;
	s22 =	simm.s32 $0x10;
	v20 =	vld.idx.msk [tilespmem:v10+s14+$0x0], $0xffff  }
0x301: {  	v21 =	vmov s31;
	v17 =	vmov s20;
	v14 =	vor.u32 s22, v5;
	v13 =	vld.idx.msk [tilespmem:v13+s14+$0x0], $0xffff  }
0x302: {  	v21 =	vand.u32 $0xFF, v21;
	v12 =	vor.u32 v17, v12;
	v15 =	vmul.u32 $0x3, v14  }
0x303: {  	v21 =	vor.u32 v8, v21;
	vm0 =	vlt.s32 v12, v9;
	s21 =	simm.s32 $0x20;
	v14 =	vor.u32 v17, v14  }
0x304: {  	v18 =	vadd.s32 $0x1, v15;
	v10 =	vor.u32 s21, v5;
	v22 =	vtrunc.f32 v16  }
0x305: {  	v11 =	vmul.u32 $0x3, v10;
	v22 =	vcvt.f32.s32 v22;
	v23 =	vtrunc.f32 v20  }
0x306: {  	v10 =	vor.u32 v17, v10;
	v24 =	vtrunc.f32 v13;
	v23 =	vcvt.f32.s32 v23  }
0x307: {  	v12 =	vcvt.f32.s32 v24;
	v24 =	vcvt.s32.f32 v22;
	vm1 =	vge.s32 v22, v4  }
0x308: {  	vm2 =	vgt.s32 v6, v22;
	v26 =	vsub.s32 v22, v4;
	v22 =	vadd.s32 $0x1, v22  }
0x309: {  	v25 =	vcvt.s32.f32 v23;
	v23 =	vmul.u32 $0x50, v23;
	vm3 =	vgt.s32 v26, $0x0  }
0x30a: {  	v21 =	vld.idx.msk [tilespmem:v21+s14+$0x0], $0xffff;
	vm1 =	vmand vm1, vm2;
	vm2 =	vlt.s32 v22, v6;
	v16 =	vsub.f32 v16, v24  }
0x30b: {  	v24 =	vcvt.s32.f32 v12;
	vm1 =	vmand vm0, vm1;
	vm0 =	vmand vm2, vm0  }
0x30c: {  	v20 =	vsub.f32 v20, v25;
	v25 =	vnsel vm3, $0x0, v26;
	v12 =	vadd.s32 v12, v23  }
0x30d: {  	v24 =	vsub.f32 v13, v24;
	v26 =	vsub.f32 $1.000000000e+00, v16;
	v25 =	vmin.u32 v25, $0x13  }
0x30e: {  	v13 =	vsub.s32 v22, v4;
	v27 =	vadd.s32 $0x50, v12;
	v25 =	vmul.u32 $0x1900, v25  }
0x30f: {  	vm3 =	vgt.s32 v13, $0x0;
	v23 =	vsub.f32 $1.000000000e+00, v20;
	v26 =	vmul.f32 v26, v21  }
0x310: {  	v13 =	vnsel vm3, $0x0, v13;
	vm3 =	vge.s32 v22, v4;
	v60 =	vadd.s32 v25, v12  }
0x311: {  	v59 =	vsub.f32 $1.000000000e+00, v24;
	v22 =	vmul.f32 v23, v26;
	v61 =	vadd.s32 $0x1, v60  }
0x312: {  	v16 =	vmul.f32 v16, v21;
	v13 =	vmin.u32 v13, $0x13;
	v25 =	vadd.s32 v25, v27  }
0x313: {  	vm0 =	vmand vm0, vm3;
	v13 =	vmul.u32 $0x1900, v13;
	v31 =	vmul.f32 v59, v22  }
0x314: {  	v26 =	vmul.f32 v26, v20;
	v32 =	vadd.s32 $0x1, v25;
	v22 =	vmul.f32 v22, v24  }
0x315: {  	v19 =	vadd.s32 $0x2, v15;
	v33 =	vadd.s32 v13, v12;
	v21 =	vadd.s32 v13, v27;
	[tilespmem:v60+s3+$0x0] =	vst.idx.add.f32.msk vm1, v31  }
0x316: {  	v27 =	vmul.f32 v23, v16;
	v23 =	vmul.f32 v59, v26;
	[tilespmem:v61+s3+$0x0] =	vst.idx.add.f32.msk vm1, v22;
	v22 =	vadd.s32 $0x1, v33  }
0x317: {  	s20 =	simm.s32 $0x30;
	v62 =	vmul.f32 v20, v16;
	v12 =	vadd.s32 $0x1, v11;
	v26 =	vmul.f32 v26, v24  }
0x318: {  	v16 =	vor.u32 s20, v5;
	v63 =	vmul.f32 v59, v27;
	[tilespmem:v25+s3+$0x0] =	vst.idx.add.f32.msk vm1, v23;
	v23 =	vadd.s32 $0x1, v21  }
0x319: {  	v20 =	vmul.u32 $0x3, v16;
	v16 =	vor.u32 v17, v16;
	v25 =	vmul.f32 v27, v24;
	[tilespmem:v32+s3+$0x0] =	vst.idx.add.f32.msk vm1, v26  }
0x31a: {  	s23 =	simm.s32 $0x40;
	v13 =	vadd.s32 $0x2, v11;
	v24 =	vmul.f32 v24, v62;
	v26 =	vmul.f32 v59, v62;
	[tilespmem:v33+s3+$0x0] =	vst.idx.add.f32.msk vm0, v63  }
.LBB2_17:
0x31b: {  	p0 =	sne.s32 s23, $0xF0;
	[tilespmem:v22+s3+$0x0] =	vst.idx.add.f32.msk vm0, v25;
	s24 =	smov.u32 s23;
	s23 =	sadd.s32 $0x10, s23  }
0x31c: {  	v22 =	vadd.s32 $0x1, v20;
	[tilespmem:v21+s3+$0x0] =	vst.idx.add.f32.msk vm0, v26  }
0x31d: {  	[tilespmem:v23+s3+$0x0] =	vst.idx.add.f32.msk vm0, v24  }
0x31e: {  	v21 =	vadd.s32 $0x2, v20;
	v23 =	vld.idx.msk [tilespmem:v15+s14+$0x0], $0xffff;
	v15 =	vmov v11;
	v11 =	vmov v20  }
0x31f: {  	v20 =	vld.idx.msk [tilespmem:v18+s14+$0x0], $0xffff;
	v18 =	vmov v12;
	v12 =	vmov v22  }
0x320: {  	v22 =	vld.idx.msk [tilespmem:v19+s14+$0x0], $0xffff;
	v19 =	vmov v13;
	v13 =	vmov v21;
	_ =	sdelay $0x1  }
0x321: {  	v21 =	vmov s22;
	s22 =	smov.u32 s21;
	s21 =	smov.u32 s20;
	s20 =	smov.u32 s24  }
0x322: {  	v21 =	vand.u32 $0xFF, v21  }
0x323: {  	v21 =	vor.u32 v8, v21;
	v24 =	vtrunc.f32 v23  }
0x324: {  	v24 =	vcvt.f32.s32 v24;
	v25 =	vtrunc.f32 v20  }
0x325: {  	vm0 =	vlt.s32 v14, v9;
	v14 =	vmovc v10;
	v10 =	vmovc v16;
	v25 =	vcvt.f32.s32 v25;
	v26 =	vtrunc.f32 v22  }
0x326: {  	v16 =	vcvt.f32.s32 v26;
	v26 =	vcvt.s32.f32 v24;
	vm1 =	vge.s32 v24, v4  }
0x327: {  	vm2 =	vgt.s32 v6, v24;
	v27 =	vcvt.s32.f32 v25;
	v25 =	vmul.u32 $0x50, v25  }
0x328: {  	v28 =	vsub.s32 v24, v4;
	v23 =	vsub.f32 v23, v26;
	v26 =	vcvt.s32.f32 v16;
	v21 =	vld.idx.msk [tilespmem:v21+s14+$0x0], $0xffff  }
0x329: {  	v24 =	vadd.s32 $0x1, v24;
	vm3 =	vgt.s32 v28, $0x0;
	v20 =	vsub.f32 v20, v27  }
0x32a: {  	v27 =	vsub.s32 v24, v4;
	v26 =	vsub.f32 v22, v26;
	v22 =	vnsel vm3, $0x0, v28  }
0x32b: {  	v16 =	vadd.s32 v16, v25;
	vm3 =	vgt.s32 v27, $0x0;
	v28 =	vsub.f32 $1.000000000e+00, v23  }
0x32c: {  	vm1 =	vmand vm1, vm2;
	vm2 =	vlt.s32 v24, v6;
	v25 =	vsub.f32 $1.000000000e+00, v20  }
0x32d: {  	v29 =	vadd.s32 $0x50, v16;
	v22 =	vmin.u32 v22, $0x13;
	v27 =	vnsel vm3, $0x0, v27  }
0x32e: {  	vm3 =	vge.s32 v24, v4;
	v22 =	vmul.u32 $0x1900, v22;
	v24 =	vmul.f32 v28, v21  }
0x32f: {  	vm1 =	vmand vm0, vm1;
	v27 =	vmin.u32 v27, $0x13;
	v28 =	vsub.f32 $1.000000000e+00, v26  }
0x330: {  	v31 =	vadd.s32 v22, v16;
	v32 =	vadd.s32 v22, v29;
	v30 =	vmul.f32 v25, v24  }
0x331: {  	v22 =	vmul.u32 $0x1900, v27;
	v27 =	vadd.s32 $0x1, v31;
	v24 =	vmul.f32 v24, v20  }
0x332: {  	vm0 =	vmand vm2, vm0;
	v23 =	vmul.f32 v23, v21;
	v33 =	vmul.f32 v30, v26  }
0x333: {  	vm0 =	vmand vm0, vm3;
	v34 =	vadd.s32 $0x1, v32;
	v30 =	vmul.f32 v28, v30  }
0x334: {  	v35 =	vadd.s32 v22, v16;
	v21 =	vadd.s32 v22, v29;
	v16 =	vmul.f32 v24, v26  }
.Ltmp7:
0x335: {  	v25 =	vmul.f32 v25, v23;
	v22 =	vadd.s32 $0x1, v35;
	v24 =	vmul.f32 v28, v24;
	[tilespmem:v31+s3+$0x0] =	vst.idx.add.f32.msk vm1, v30;
	(pc) =	sbr.rel @p0 .LBB2_17-.Ltmp7, $4  }
0x336: {  	v29 =	vmul.f32 v20, v23;
	[tilespmem:v27+s3+$0x0] =	vst.idx.add.f32.msk vm1, v33  }
0x337: {  	v23 =	vadd.s32 $0x1, v21;
	v30 =	vmul.f32 v28, v25;
	v27 =	vor.u32 s20, v5;
	[tilespmem:v32+s3+$0x0] =	vst.idx.add.f32.msk vm1, v24  }
0x338: {  	v25 =	vmul.f32 v25, v26;
	v20 =	vmul.u32 $0x3, v27;
	v24 =	vmul.f32 v26, v29;
	[tilespmem:v34+s3+$0x0] =	vst.idx.add.f32.msk vm1, v16  }
0x339: {  	v26 =	vmul.f32 v28, v29;
	v16 =	vor.u32 v17, v27;
	[tilespmem:v35+s3+$0x0] =	vst.idx.add.f32.msk vm0, v30  }
0x33a: {  	_ =	sdelay $0x4  }
0x33b: {  	[tilespmem:v22+s3+$0x0] =	vst.idx.add.f32.msk vm0, v25  }
0x33c: {  	[tilespmem:v21+s3+$0x0] =	vst.idx.add.f32.msk vm0, v26  }
0x33d: {  	[tilespmem:v23+s3+$0x0] =	vst.idx.add.f32.msk vm0, v24  }
0x33e: {  	v15 =	vld.idx.msk [tilespmem:v15+s14+$0x0], $0xffff  }
0x33f: {  	v17 =	vld.idx.msk [tilespmem:v18+s14+$0x0], $0xffff  }
0x340: {  	v63 =	vld.idx.msk [tilespmem:v19+s14+$0x0], $0xffff;
	_ =	sdelay $0x2  }
0x341: {  	v28 =	vmov s22;
	v29 =	vtrunc.f32 v15  }
0x342: {  	v19 =	vand.u32 $0xFF, v28;
	v30 =	vtrunc.f32 v17;
	v21 =	vcvt.f32.s32 v29  }
0x343: {  	v19 =	vor.u32 v8, v19;
	v31 =	vtrunc.f32 v63;
	v22 =	vcvt.f32.s32 v30  }
0x344: {  	vm8 =	vlt.s32 v14, v9;
	v32 =	vcvt.f32.s32 v31;
	v33 =	vcvt.s32.f32 v21  }
0x345: {  	vm1 =	vge.s32 v21, v4;
	v34 =	vcvt.s32.f32 v22;
	vm2 =	vgt.s32 v6, v21  }
0x346: {  	v22 =	vmul.u32 $0x50, v22;
	v36 =	vsub.s32 v21, v4;
	v21 =	vadd.s32 $0x1, v21  }
0x347: {  	v35 =	vcvt.s32.f32 v32;
	vm3 =	vgt.s32 v36, $0x0;
	v37 =	vsub.s32 v21, v4  }
0x348: {  	v19 =	vld.idx.msk [tilespmem:v19+s14+$0x0], $0xffff;
	vm1 =	vmand vm1, vm2;
	vm10 =	vlt.s32 v21, v6;
	v15 =	vsub.f32 v15, v33  }
0x349: {  	vm11 =	vge.s32 v21, v4;
	v17 =	vsub.f32 v17, v34;
	v18 =	vsub.f32 v63, v35  }
0x34a: {  	v38 =	vnsel vm3, $0x0, v36;
	vm9 =	vgt.s32 v37, $0x0;
	v14 =	vadd.s32 v32, v22  }
0x34b: {  	vm1 =	vmand vm8, vm1;
	v24 =	vmin.u32 v38, $0x13;
	v39 =	vsub.f32 $1.000000000e+00, v15  }
0x34c: {  	vm0 =	vmand vm10, vm8;
	v23 =	vnsel vm9, $0x0, v37;
	v24 =	vmul.u32 $0x1900, v24  }
0x34d: {  	v41 =	vadd.s32 $0x50, v14;
	v40 =	vsub.f32 $1.000000000e+00, v17;
	v25 =	vmul.f32 v39, v19  }
0x34e: {  	vm0 =	vmand vm0, vm11;
	v42 =	vmin.u32 v23, $0x13;
	v28 =	vadd.s32 v24, v14  }
0x34f: {  	v43 =	vsub.f32 $1.000000000e+00, v18;
	v29 =	vadd.s32 $0x1, v28;
	v27 =	vmul.f32 v40, v25  }
0x350: {  	v15 =	vmul.f32 v15, v19;
	v21 =	vmul.u32 $0x1900, v42;
	v24 =	vadd.s32 v24, v41  }
0x351: {  	v30 =	vadd.s32 $0x1, v24;
	v25 =	vmul.f32 v25, v17;
	v44 =	vmul.f32 v43, v27  }
0x352: {  	v14 =	vadd.s32 v21, v14;
	v27 =	vmul.f32 v27, v18  }
0x353: {  	v22 =	vmul.f32 v40, v15;
	v46 =	vadd.s32 $0x1, v14;
	v45 =	vmul.f32 v43, v25;
	[tilespmem:v28+s3+$0x0] =	vst.idx.add.f32.msk vm1, v44  }
0x354: {  	v21 =	vadd.s32 v21, v41;
	v25 =	vmul.f32 v25, v18;
	[tilespmem:v29+s3+$0x0] =	vst.idx.add.f32.msk vm1, v27  }
0x355: {  	v15 =	vmul.f32 v17, v15;
	v47 =	vmul.f32 v43, v22;
	v48 =	vadd.s32 $0x1, v21;
	[tilespmem:v24+s3+$0x0] =	vst.idx.add.f32.msk vm1, v45  }
0x356: {  	v22 =	vmul.f32 v22, v18;
	[tilespmem:v30+s3+$0x0] =	vst.idx.add.f32.msk vm1, v25  }
0x357: {  	v49 =	vmul.f32 v43, v15;
	[tilespmem:v14+s3+$0x0] =	vst.idx.add.f32.msk vm0, v47  }
0x358: {  	v15 =	vmul.f32 v18, v15;
	[tilespmem:v46+s3+$0x0] =	vst.idx.add.f32.msk vm0, v22  }
0x359: {  	[tilespmem:v21+s3+$0x0] =	vst.idx.add.f32.msk vm0, v49  }
0x35a: {  	[tilespmem:v48+s3+$0x0] =	vst.idx.add.f32.msk vm0, v15  }
0x35b: {  	v11 =	vld.idx.msk [tilespmem:v11+s14+$0x0], $0xffff  }
0x35c: {  	v12 =	vld.idx.msk [tilespmem:v12+s14+$0x0], $0xffff  }
0x35d: {  	v13 =	vld.idx.msk [tilespmem:v13+s14+$0x0], $0xffff;
	_ =	sdelay $0x2  }
0x35e: {  	v50 =	vmov s21;
	v51 =	vtrunc.f32 v11  }
0x35f: {  	v14 =	vand.u32 $0xFF, v50;
	v52 =	vtrunc.f32 v12;
	v15 =	vcvt.f32.s32 v51  }
0x360: {  	v14 =	vor.u32 v8, v14;
	v53 =	vtrunc.f32 v13;
	v17 =	vcvt.f32.s32 v52  }
0x361: {  	vm12 =	vlt.s32 v10, v9;
	v10 =	vcvt.f32.s32 v53;
	v54 =	vcvt.s32.f32 v15  }
0x362: {  	vm13 =	vge.s32 v15, v4;
	v55 =	vcvt.s32.f32 v17;
	vm14 =	vgt.s32 v6, v15  }
0x363: {  	v17 =	vmul.u32 $0x50, v17;
	v57 =	vsub.s32 v15, v4;
	v15 =	vadd.s32 $0x1, v15  }
0x364: {  	v56 =	vcvt.s32.f32 v10;
	vm15 =	vgt.s32 v57, $0x0;
	v58 =	vsub.s32 v15, v4  }
0x365: {  	v14 =	vld.idx.msk [tilespmem:v14+s14+$0x0], $0xffff;
	vm1 =	vmand vm13, vm14;
	vm7 =	vlt.s32 v15, v6;
	v11 =	vsub.f32 v11, v54  }
0x366: {  	vm8 =	vge.s32 v15, v4;
	v12 =	vsub.f32 v12, v55;
	v13 =	vsub.f32 v13, v56  }
0x367: {  	v59 =	vnsel vm15, $0x0, v57;
	vm6 =	vgt.s32 v58, $0x0;
	v10 =	vadd.s32 v10, v17  }
0x368: {  	vm1 =	vmand vm12, vm1;
	v19 =	vmin.u32 v59, $0x13;
	v60 =	vsub.f32 $1.000000000e+00, v11  }
0x369: {  	vm0 =	vmand vm7, vm12;
	v18 =	vnsel vm6, $0x0, v58;
	v19 =	vmul.u32 $0x1900, v19  }
0x36a: {  	v62 =	vadd.s32 $0x50, v10;
	v61 =	vsub.f32 $1.000000000e+00, v12;
	v21 =	vmul.f32 v60, v14  }
0x36b: {  	vm0 =	vmand vm0, vm8;
	v63 =	vmin.u32 v18, $0x13;
	v30 =	vadd.s32 v19, v10  }
0x36c: {  	v28 =	vsub.f32 $1.000000000e+00, v13;
	v31 =	vadd.s32 $0x1, v30;
	v29 =	vmul.f32 v61, v21  }
0x36d: {  	v11 =	vmul.f32 v11, v14;
	v15 =	vmul.u32 $0x1900, v63;
	v19 =	vadd.s32 v19, v62  }
0x36e: {  	v33 =	vadd.s32 $0x1, v19;
	v21 =	vmul.f32 v21, v12;
	v32 =	vmul.f32 v28, v29  }
0x36f: {  	v10 =	vadd.s32 v15, v10;
	v23 =	vmul.f32 v29, v13  }
0x370: {  	v17 =	vmul.f32 v61, v11;
	v35 =	vadd.s32 $0x1, v10;
	v34 =	vmul.f32 v28, v21;
	[tilespmem:v30+s3+$0x0] =	vst.idx.add.f32.msk vm1, v32  }
0x371: {  	v15 =	vadd.s32 v15, v62;
	v21 =	vmul.f32 v21, v13;
	[tilespmem:v31+s3+$0x0] =	vst.idx.add.f32.msk vm1, v23  }
0x372: {  	v11 =	vmul.f32 v12, v11;
	v36 =	vmul.f32 v28, v17;
	v37 =	vadd.s32 $0x1, v15;
	[tilespmem:v19+s3+$0x0] =	vst.idx.add.f32.msk vm1, v34  }
0x373: {  	v17 =	vmul.f32 v17, v13;
	[tilespmem:v33+s3+$0x0] =	vst.idx.add.f32.msk vm1, v21  }
0x374: {  	v38 =	vadd.s32 $0x1, v20;
	[tilespmem:v10+s3+$0x0] =	vst.idx.add.f32.msk vm0, v36;
	v10 =	vmul.f32 v28, v11  }
0x375: {  	v39 =	vadd.s32 $0x2, v20;
	v11 =	vmul.f32 v13, v11;
	[tilespmem:v35+s3+$0x0] =	vst.idx.add.f32.msk vm0, v17  }
0x376: {  	[tilespmem:v15+s3+$0x0] =	vst.idx.add.f32.msk vm0, v10  }
0x377: {  	[tilespmem:v37+s3+$0x0] =	vst.idx.add.f32.msk vm0, v11  }
0x378: {  	v10 =	vld.idx.msk [tilespmem:v20+s14+$0x0], $0xffff  }
0x379: {  	v11 =	vld.idx.msk [tilespmem:v38+s14+$0x0], $0xffff  }
0x37a: {  	v12 =	vld.idx.msk [tilespmem:v39+s14+$0x0], $0xffff;
	_ =	sdelay $0x2  }
0x37b: {  	v40 =	vmov s20;
	v41 =	vtrunc.f32 v10  }
0x37c: {  	v13 =	vand.u32 $0xFF, v40;
	v42 =	vtrunc.f32 v11;
	v14 =	vcvt.f32.s32 v41  }
0x37d: {  	v13 =	vor.u32 v8, v13;
	v43 =	vtrunc.f32 v12;
	v15 =	vcvt.f32.s32 v42  }
0x37e: {  	vm9 =	vlt.s32 v16, v9;
	v44 =	vcvt.f32.s32 v43;
	v45 =	vcvt.s32.f32 v14  }
0x37f: {  	vm10 =	vge.s32 v14, v4;
	v46 =	vcvt.s32.f32 v15;
	vm11 =	vgt.s32 v6, v14  }
0x380: {  	v15 =	vmul.u32 $0x50, v15;
	v48 =	vsub.s32 v14, v4;
	v14 =	vadd.s32 $0x1, v14  }
0x381: {  	v47 =	vcvt.s32.f32 v44;
	vm12 =	vgt.s32 v48, $0x0;
	v49 =	vsub.s32 v14, v4  }
0x382: {  	v13 =	vld.idx.msk [tilespmem:v13+s14+$0x0], $0xffff;
	vm1 =	vmand vm10, vm11;
	vm14 =	vlt.s32 v14, v6;
	v10 =	vsub.f32 v10, v45  }
0x383: {  	vm15 =	vge.s32 v14, v4;
	v11 =	vsub.f32 v11, v46;
	v12 =	vsub.f32 v12, v47  }
0x384: {  	v50 =	vnsel vm12, $0x0, v48;
	vm13 =	vgt.s32 v49, $0x0;
	v15 =	vadd.s32 v44, v15  }
0x385: {  	vm1 =	vmand vm9, vm1;
	v18 =	vmin.u32 v50, $0x13;
	v51 =	vsub.f32 $1.000000000e+00, v10  }
0x386: {  	vm0 =	vmand vm14, vm9;
	v17 =	vnsel vm13, $0x0, v49;
	v18 =	vmul.u32 $0x1900, v18  }
0x387: {  	v53 =	vadd.s32 $0x50, v15;
	v52 =	vsub.f32 $1.000000000e+00, v11;
	v19 =	vmul.f32 v51, v13  }
0x388: {  	vm0 =	vmand vm0, vm15;
	v54 =	vmin.u32 v17, $0x13;
	v57 =	vadd.s32 v18, v15  }
0x389: {  	v55 =	vsub.f32 $1.000000000e+00, v12;
	v58 =	vadd.s32 $0x1, v57;
	v56 =	vmul.f32 v52, v19  }
0x38a: {  	v10 =	vmul.f32 v10, v13;
	v14 =	vmul.u32 $0x1900, v54;
	v18 =	vadd.s32 v18, v53  }
0x38b: {  	v60 =	vadd.s32 $0x1, v18;
	v19 =	vmul.f32 v19, v11;
	v59 =	vmul.f32 v55, v56  }
0x38c: {  	v15 =	vadd.s32 v14, v15;
	v21 =	vmul.f32 v56, v12  }
0x38d: {  	v16 =	vmul.f32 v52, v10;
	v62 =	vadd.s32 $0x1, v15;
	v61 =	vmul.f32 v55, v19;
	[tilespmem:v57+s3+$0x0] =	vst.idx.add.f32.msk vm1, v59  }
0x38e: {  	s19 =	sadd.s32 $0x1, s19;
	v14 =	vadd.s32 v14, v53;
	v19 =	vmul.f32 v19, v12;
	[tilespmem:v58+s3+$0x0] =	vst.idx.add.f32.msk vm1, v21  }
0x38f: {  	p0 =	sne.s32 s19, $0x10;
	v10 =	vmul.f32 v11, v10;
	v11 =	vmul.f32 v55, v16;
	v63 =	vadd.s32 $0x1, v14;
	[tilespmem:v18+s3+$0x0] =	vst.idx.add.f32.msk vm1, v61  }
.Ltmp8:
0x390: {  	v16 =	vmul.f32 v16, v12;
	[tilespmem:v60+s3+$0x0] =	vst.idx.add.f32.msk vm1, v19;
	(pc) =	sbr.rel @p0 .LBB2_14-.Ltmp8, $4  }
0x391: {  	[tilespmem:v15+s3+$0x0] =	vst.idx.add.f32.msk vm0, v11;
	v11 =	vmul.f32 v55, v10  }
0x392: {  	v10 =	vmul.f32 v12, v10;
	[tilespmem:v62+s3+$0x0] =	vst.idx.add.f32.msk vm0, v16  }
0x393: {  	[tilespmem:v14+s3+$0x0] =	vst.idx.add.f32.msk vm0, v11  }
0x394: {  	[tilespmem:v63+s3+$0x0] =	vst.idx.add.f32.msk vm0, v10  }
0x395: {  	s18 =	simm.s32 $0x0  }
0x396: {  	v9 =	vld [tilespmem:s18+$0x1F0]  }
0x397: {  	v10 =	vld [tilespmem:s18+$0x160]  }
0x398: {  	v11 =	vld [tilespmem:s18+$0x1A0]  }
0x399: {  	v14 =	vld [tilespmem:s18+$0x190]  }
0x39a: {  	v15 =	vld [tilespmem:s18+$0x180]  }
0x39b: {  	v17 =	vld [tilespmem:s18+$0x1B0]  }
0x39c: {  	v18 =	vld [tilespmem:s18+$0x170]  }
0x39d: {  	v16 =	vld [tilespmem:s18+$0x30]  }
0x39e: {  	v20 =	vld [tilespmem:s18+$0x100]  }
0x39f: {  	v12 =	vld [tilespmem:s18+$0x150];
	v9 =	vsub.f32 $0.0e+00, v9;
	v11 =	vsub.f32 $0.0e+00, v11  }
0x3a0: {  	v13 =	vld [tilespmem:s18+$0x90];
	v14 =	vsub.f32 $0.0e+00, v14;
	v15 =	vsub.f32 $0.0e+00, v15  }
0x3a1: {  	v19 =	vld [tilespmem:s18+$0x1C0];
	v17 =	vsub.f32 $0.0e+00, v17;
	v18 =	vsub.f32 $0.0e+00, v18  }
0x3a2: {  	v21 =	vld [tilespmem:s18+$0xB0];
	v16 =	vsub.f32 $0.0e+00, v16;
	v9 =	vmul.f32 $1.442695020e+00, v9;
	v11 =	vmul.f32 $1.442695020e+00, v11  }
0x3a3: {  	v23 =	vld [tilespmem:s18+$0xE0];
	v20 =	vsub.f32 $0.0e+00, v20;
	v14 =	vmul.f32 $1.442695020e+00, v14;
	v15 =	vmul.f32 $1.442695020e+00, v15  }
0x3a4: {  	v22 =	vld [tilespmem:s18+$0x1E0];
	v12 =	vsub.f32 $0.0e+00, v12;
	v17 =	vmul.f32 $1.442695020e+00, v17;
	(erf) = vpow2.f32 v9  }
0x3a5: {  	v10 =	vsub.f32 $0.0e+00, v10;
	v18 =	vmul.f32 $1.442695020e+00, v18;
	(erf) = vpow2.f32 v11;
	v11 =	vld [tilespmem:s18+$0x0]  }
0x3a6: {  	v24 =	vld [tilespmem:s18+$0x1D0];
	v13 =	vsub.f32 $0.0e+00, v13;
	v20 =	vmul.f32 $1.442695020e+00, v20;
	v12 =	vmul.f32 $1.442695020e+00, v12  }
0x3a7: {  	v21 =	vsub.f32 $0.0e+00, v21;
	v16 =	vmul.f32 $1.442695020e+00, v16;
	v10 =	vmul.f32 $1.442695020e+00, v10;
	v9 =	vld [tilespmem:s18+$0x130]  }
0x3a8: {  	v23 =	vsub.f32 $0.0e+00, v23;
	v13 =	vmul.f32 $1.442695020e+00, v13;
	(erf) = vpow2.f32 v14;
	v14 =	vld [tilespmem:s18+$0x10]  }
0x3a9: {  	v22 =	vsub.f32 $0.0e+00, v22;
	v21 =	vmul.f32 $1.442695020e+00, v21;
	(erf) = vpow2.f32 v15;
	v15 =	vld [tilespmem:s18+$0xC0]  }
0x3aa: {  	v23 =	vmul.f32 $1.442695020e+00, v23;
	(erf) = vpow2.f32 v17;
	v17 =	vld [tilespmem:s18+$0x60];
	v11 =	vsub.f32 $0.0e+00, v11  }
0x3ab: {  	v24 =	vsub.f32 $0.0e+00, v24;
	v22 =	vmul.f32 $1.442695020e+00, v22;
	(erf) = vpow2.f32 v18  }
0x3ac: {  	v9 =	vsub.f32 $0.0e+00, v9;
	v18 =	vld [tilespmem:s18+$0x50];
	(erf) = vpow2.f32 v16;
	v11 =	vmul.f32 $1.442695020e+00, v11  }
0x3ad: {  	v24 =	vmul.f32 $1.442695020e+00, v24;
	v16 =	vld [tilespmem:s18+$0x70];
	v14 =	vsub.f32 $0.0e+00, v14;
	(erf) = vpow2.f32 v20  }
0x3ae: {  	v34 =	vmul.f32 $1.442695020e+00, v9;
	v15 =	vsub.f32 $0.0e+00, v15;
	(erf) = vpow2.f32 v11;
	v11 =	vld [tilespmem:s18+$0xF0]  }
0x3af: {  	v20 =	vld [tilespmem:s18+$0x20];
	v25 =	vmul.f32 $1.442695020e+00, v14;
	v14 =	vsub.f32 $0.0e+00, v19;
	v19 =	vpop (erf);
	v17 =	vsub.f32 $0.0e+00, v17  }
0x3b0: {  	v15 =	vmul.f32 $1.442695020e+00, v15;
	v19 =	vmul.f32 $7.250000000e+01, v19  }
0x3b1: {  	v27 =	vld [tilespmem:s18+$0x40];
	v26 =	vpop (erf);
	v18 =	vsub.f32 $0.0e+00, v18;
	v17 =	vmul.f32 $1.442695020e+00, v17;
	(erf) = vpow2.f32 v10  }
0x3b2: {  	v29 =	vld [tilespmem:s18+$0x110];
	v28 =	vpop (erf);
	v16 =	vsub.f32 $0.0e+00, v16;
	v61 =	vmul.f32 $1.442695020e+00, v14;
	v62 =	vmul.f32 $7.250000000e+01, v26  }
0x3b3: {  	v33 =	vld [tilespmem:s18+$0x140];
	v30 =	vpop (erf);
	v28 =	vmul.f32 $7.250000000e+01, v28;
	v19 =	vadd.f32 $6.500000000e+00, v19;
	v11 =	vsub.f32 $0.0e+00, v11  }
0x3b4: {  	v20 =	vsub.f32 $0.0e+00, v20;
	v18 =	vmul.f32 $1.442695020e+00, v18;
	(erf) = vpow2.f32 v15;
	v32 =	vpop (erf)  }
0x3b5: {  	v60 =	vld [tilespmem:s18+$0xD0];
	v16 =	vmul.f32 $1.442695020e+00, v16;
	(erf) = vpow2.f32 v34;
	v10 =	vpop (erf)  }
0x3b6: {  	v27 =	vsub.f32 $0.0e+00, v27;
	[tilespmem:s18+$0x1F0] =	vst v19;
	v19 =	vmul.f32 $1.442695020e+00, v20;
	v20 =	vld [tilespmem:s18+$0x120];
	v10 =	vmul.f32 $7.250000000e+01, v10;
	v35 =	vpop (erf)  }
0x3b7: {  	v29 =	vsub.f32 $0.0e+00, v29;
	(erf) = vpow2.f32 v18;
	v9 =	vmul.f32 $1.442695020e+00, v11;
	v11 =	vpop (erf)  }
0x3b8: {  	v31 =	vld [tilespmem:s18+$0xA0];
	v14 =	vsub.f32 $0.0e+00, v33;
	v18 =	vmul.f32 $1.442695020e+00, v27;
	(erf) = vpow2.f32 v13;
	v59 =	vpop (erf)  }
0x3b9: {  	v15 =	vadd.f32 $6.500000000e+00, v28;
	(erf) = vpow2.f32 v21;
	v28 =	vmul.f32 $7.250000000e+01, v59  }
0x3ba: {  	v10 =	vadd.f32 $6.500000000e+00, v10;
	(erf) = vpow2.f32 v12;
	v12 =	vsub.f32 $0.0e+00, v60  }
0x3bb: {  	[tilespmem:s18+$0x190] =	vst v15;
	v20 =	vsub.f32 $0.0e+00, v20;
	(erf) = vpow2.f32 v16;
	v13 =	vadd.f32 $6.500000000e+00, v28  }
0x3bc: {  	[tilespmem:s18+$0x170] =	vst v10;
	v10 =	vmul.f32 $1.442695020e+00, v29;
	(erf) = vpow2.f32 v24  }
0x3bd: {  	v15 =	vld [tilespmem:s18+$0x80];
	[tilespmem:s18+$0x0] =	vst v13;
	v13 =	vmul.f32 $1.442695020e+00, v20;
	v20 =	vmul.f32 $1.442695020e+00, v12;
	v12 =	vsub.f32 $0.0e+00, v31  }
0x3be: {  	v16 =	vmul.f32 $1.442695020e+00, v14;
	v14 =	vpop (erf);
	(erf) = vpow2.f32 v17  }
0x3bf: {  	v17 =	vmul.f32 $7.250000000e+01, v11;
	v21 =	vmul.f32 $7.250000000e+01, v14;
	v14 =	vpop (erf)  }
0x3c0: {  	v11 =	vpop (erf);
	(erf) = vpow2.f32 v13;
	v13 =	vmul.f32 $7.250000000e+01, v14  }
0x3c1: {  	v14 =	vmul.f32 $1.442695020e+00, v12;
	(erf) = vpow2.f32 v16;
	v12 =	vpop (erf)  }
0x3c2: {  	v30 =	vmul.f32 $7.250000000e+01, v30;
	v16 =	vsub.f32 $0.0e+00, v15;
	v15 =	vpop (erf);
	(erf) = vpow2.f32 v10  }
0x3c3: {  	v10 =	vadd.f32 $6.500000000e+00, v17;
	v17 =	vmul.f32 $7.250000000e+01, v15;
	(erf) = vpow2.f32 v18;
	v15 =	vpop (erf)  }
0x3c4: {  	v13 =	vadd.f32 $6.500000000e+00, v13;
	v16 =	vmul.f32 $1.442695020e+00, v16;
	v18 =	vpop (erf);
	(erf) = vpow2.f32 v61  }
0x3c5: {  	v30 =	vadd.f32 $6.500000000e+00, v30;
	v63 =	vmul.f32 $7.250000000e+01, v18;
	(erf) = vpow2.f32 v19  }
0x3c6: {  	[tilespmem:s18+$0x100] =	vst v10;
	v18 =	vpop (erf);
	v10 =	vadd.f32 $6.500000000e+00, v17;
	v19 =	vadd.f32 $6.500000000e+00, v21;
	v21 =	vmul.f32 $7.250000000e+01, v35  }
0x3c7: {  	[tilespmem:s18+$0x180] =	vst v30;
	v24 =	vadd.f32 $6.500000000e+00, v62;
	v18 =	vmul.f32 $7.250000000e+01, v18;
	(erf) = vpow2.f32 v16  }
0x3c8: {  	[tilespmem:s18+$0xC0] =	vst v13;
	v13 =	vpop (erf);
	v16 =	vmul.f32 $7.250000000e+01, v32;
	(erf) = vpow2.f32 v22  }
0x3c9: {  	[tilespmem:s18+$0x1A0] =	vst v24;
	v26 =	vadd.f32 $6.500000000e+00, v63;
	v17 =	vpop (erf);
	v22 =	vmul.f32 $7.250000000e+01, v12;
	(erf) = vpow2.f32 v25  }
0x3ca: {  	[tilespmem:s18+$0x90] =	vst v10;
	v12 =	vmul.f32 $7.250000000e+01, v13;
	v10 =	vpop (erf);
	(erf) = vpow2.f32 v20  }
0x3cb: {  	s19 =	simm.s32 $0x800;
	v16 =	vadd.f32 $6.500000000e+00, v16;
	[tilespmem:s18+$0x150] =	vst v26;
	v20 =	vadd.f32 $6.500000000e+00, v22;
	(erf) = vpow2.f32 v23;
	v13 =	vpop (erf)  }
.LBB2_20:
0x3cc: {  	s20 =	sshra.s32 s19, $0x2;
	p0 =	sne.s32 s19, $0x7C800;
	s19 =	sadd.s32 $0x800, s19;
	v17 =	vmul.f32 $7.250000000e+01, v17;
	v18 =	vadd.f32 $6.500000000e+00, v18;
	(erf) = vpow2.f32 v14;
	v14 =	vpop (erf)  }
0x3cd: {  	v15 =	vmul.f32 $7.250000000e+01, v15;
	v11 =	vmul.f32 $7.250000000e+01, v11;
	v22 =	vld [tilespmem:s20+$0x1F0];
	[tilespmem:s18+$0x160] =	vst v19;
	v19 =	vpop (erf)  }
0x3ce: {  	v26 =	vadd.f32 $6.500000000e+00, v21;
	v23 =	vld [tilespmem:s20+$0x160];
	v17 =	vadd.f32 $6.500000000e+00, v17;
	[tilespmem:s18+$0x70] =	vst v18;
	(erf) = vpow2.f32 v9;
	v9 =	vpop (erf)  }
0x3cf: {  	v19 =	vmul.f32 $7.250000000e+01, v19;
	v11 =	vadd.f32 $6.500000000e+00, v11;
	v18 =	vld [tilespmem:s20+$0x1A0];
	[tilespmem:s18+$0x50] =	vst v20;
	v9 =	vmul.f32 $7.250000000e+01, v9;
	v20 =	vpop (erf)  }
0x3d0: {  	v10 =	vmul.f32 $7.250000000e+01, v10;
	v12 =	vadd.f32 $6.500000000e+00, v12;
	v14 =	vmul.f32 $7.250000000e+01, v14;
	v24 =	vld [tilespmem:s20+$0x150];
	[tilespmem:s18+$0x1B0] =	vst v16;
	v16 =	vpop (erf)  }
0x3d1: {  	v28 =	vadd.f32 $6.500000000e+00, v15;
	v20 =	vmul.f32 $7.250000000e+01, v20;
	v29 =	vadd.f32 $6.500000000e+00, v19;
	v25 =	vld [tilespmem:s20+$0x90];
	[tilespmem:s18+$0x30] =	vst v26;
	v21 =	vpop (erf)  }
0x3d2: {  	v16 =	vmul.f32 $7.250000000e+01, v16;
	v9 =	vadd.f32 $6.500000000e+00, v9;
	v26 =	vld [tilespmem:s20+$0x190];
	[tilespmem:s18+$0x130] =	vst v11;
	v11 =	vmul.f32 $7.250000000e+01, v21;
	v21 =	vpop (erf)  }
0x3d3: {  	v22 =	vsub.f32 $0.0e+00, v22;
	v30 =	vadd.f32 $6.500000000e+00, v20;
	v27 =	vld [tilespmem:s20+$0x30];
	v21 =	vmul.f32 $7.250000000e+01, v21;
	[tilespmem:s18+$0xB0] =	vst v28;
	v15 =	vpop (erf)  }
0x3d4: {  	v10 =	vadd.f32 $6.500000000e+00, v10;
	v28 =	vld [tilespmem:s20+$0x180];
	[tilespmem:s18+$0x40] =	vst v29;
	v15 =	vmul.f32 $7.250000000e+01, v15;
	v11 =	vadd.f32 $6.500000000e+00, v11;
	v19 =	vpop (erf)  }
0x3d5: {  	v13 =	vmul.f32 $7.250000000e+01, v13;
	v22 =	vmul.f32 $1.442695020e+00, v22;
	v29 =	vld [tilespmem:s20+$0x1B0];
	v21 =	vadd.f32 $6.500000000e+00, v21;
	[tilespmem:s18+$0x20] =	vst v30;
	v20 =	vpop (erf)  }
0x3d6: {  	v19 =	vmul.f32 $7.250000000e+01, v19;
	v30 =	vld [tilespmem:s20+$0x170];
	v20 =	vmul.f32 $7.250000000e+01, v20;
	v15 =	vadd.f32 $6.500000000e+00, v15;
	[tilespmem:s18+$0x1C0] =	vst v9  }
0x3d7: {  	v13 =	vadd.f32 $6.500000000e+00, v13;
	v9 =	vsub.f32 $0.0e+00, v18;
	v18 =	vld [tilespmem:s20+$0x1C0];
	(erf) = vpow2.f32 v22;
	[tilespmem:s18+$0x60] =	vst v17;
	v17 =	vpop (erf)  }
0x3d8: {  	v26 =	vsub.f32 $0.0e+00, v26;
	v19 =	vadd.f32 $6.500000000e+00, v19;
	v22 =	vld [tilespmem:s20+$0xB0];
	[tilespmem:s18+$0x10] =	vst v21;
	v17 =	vmul.f32 $7.250000000e+01, v17  }
0x3d9: {  	v9 =	vmul.f32 $1.442695020e+00, v9;
	v20 =	vadd.f32 $6.500000000e+00, v20;
	v21 =	vld [tilespmem:s20+$0x100];
	v28 =	vsub.f32 $0.0e+00, v28;
	[tilespmem:s18+$0xD0] =	vst v15  }
0x3da: {  	v14 =	vadd.f32 $6.500000000e+00, v14;
	v26 =	vmul.f32 $1.442695020e+00, v26;
	v15 =	vld [tilespmem:s20+$0x130];
	v29 =	vsub.f32 $0.0e+00, v29;
	[tilespmem:s18+$0x140] =	vst v13  }
0x3db: {  	v13 =	vld [tilespmem:s20+$0x0];
	v28 =	vmul.f32 $1.442695020e+00, v28;
	(erf) = vpow2.f32 v9;
	[tilespmem:s18+$0xA0] =	vst v20;
	v9 =	vadd.f32 $6.500000000e+00, v17  }
0x3dc: {  	v16 =	vadd.f32 $6.500000000e+00, v16;
	v20 =	vsub.f32 $0.0e+00, v30;
	v17 =	vld [tilespmem:s20+$0x10];
	(erf) = vpow2.f32 v26;
	[tilespmem:s18+$0x1E0] =	vst v11  }
0x3dd: {  	v11 =	vsub.f32 $0.0e+00, v27;
	v29 =	vmul.f32 $1.442695020e+00, v29;
	v27 =	vld [tilespmem:s20+$0x1E0];
	(erf) = vpow2.f32 v28;
	[tilespmem:s18+$0xF0] =	vst v9  }
0x3de: {  	v24 =	vsub.f32 $0.0e+00, v24;
	v20 =	vmul.f32 $1.442695020e+00, v20;
	v9 =	vld [tilespmem:s20+$0xC0];
	v21 =	vsub.f32 $0.0e+00, v21;
	[tilespmem:s18+$0x80] =	vst v16  }
0x3df: {  	v23 =	vsub.f32 $0.0e+00, v23;
	v16 =	vld [tilespmem:s20+$0x60];
	v15 =	vsub.f32 $0.0e+00, v15;
	(erf) = vpow2.f32 v29;
	[tilespmem:s18+$0x110] =	vst v14  }
0x3e0: {  	v24 =	vmul.f32 $1.442695020e+00, v24;
	v22 =	vsub.f32 $0.0e+00, v22;
	v14 =	vld [tilespmem:s20+$0x50];
	v21 =	vmul.f32 $1.442695020e+00, v21;
	v26 =	vpop (erf);
	[tilespmem:s18+$0xE0] =	vst v19  }
0x3e1: {  	v11 =	vmul.f32 $1.442695020e+00, v11;
	v13 =	vsub.f32 $0.0e+00, v13;
	v19 =	vsub.f32 $0.0e+00, v25;
	v25 =	vld [tilespmem:s20+$0xE0];
	[tilespmem:s18+$0x1D0] =	vst v12  }
0x3e2: {  	v12 =	vsub.f32 $0.0e+00, v17;
	v17 =	vmul.f32 $1.442695020e+00, v23;
	v23 =	vld [tilespmem:s20+$0x1D0];
	(erf) = vpow2.f32 v20;
	[tilespmem:s18+$0x120] =	vst v10;
	s18 =	smov.u32 s20  }
0x3e3: {  	v31 =	vmul.f32 $1.442695020e+00, v13;
	v19 =	vmul.f32 $1.442695020e+00, v19;
	v20 =	vld [tilespmem:s18+$0x40];
	v9 =	vsub.f32 $0.0e+00, v9  }
0x3e4: {  	v18 =	vsub.f32 $0.0e+00, v18;
	v10 =	vmul.f32 $1.442695020e+00, v12;
	v12 =	vld [tilespmem:s18+$0x110];
	(erf) = vpow2.f32 v11;
	v28 =	vpop (erf)  }
0x3e5: {  	v22 =	vmul.f32 $1.442695020e+00, v22;
	v11 =	vsub.f32 $0.0e+00, v16;
	v16 =	vld [tilespmem:s18+$0x70];
	(erf) = vpow2.f32 v21;
	v21 =	vpop (erf)  }
0x3e6: {  	v30 =	vmul.f32 $1.442695020e+00, v9;
	v29 =	vld [tilespmem:s18+$0x20];
	v9 =	vsub.f32 $0.0e+00, v25;
	(erf) = vpow2.f32 v31;
	v13 =	vpop (erf)  }
0x3e7: {  	v27 =	vsub.f32 $0.0e+00, v27;
	v11 =	vmul.f32 $1.442695020e+00, v11;
	v25 =	vld [tilespmem:s18+$0xF0];
	v23 =	vsub.f32 $0.0e+00, v23  }
0x3e8: {  	v26 =	vmul.f32 $7.250000000e+01, v26;
	v21 =	vmul.f32 $7.250000000e+01, v21;
	v20 =	vsub.f32 $0.0e+00, v20;
	v31 =	vpop (erf)  }
0x3e9: {  	v14 =	vsub.f32 $0.0e+00, v14;
	v32 =	vmul.f32 $1.442695020e+00, v9;
	v12 =	vsub.f32 $0.0e+00, v12  }
0x3ea: {  	v26 =	vadd.f32 $6.500000000e+00, v26;
	v9 =	vmul.f32 $7.250000000e+01, v13;
	v13 =	vmul.f32 $1.442695020e+00, v27;
	v33 =	vld [tilespmem:s18+$0xA0]  }
0x3eb: {  	v14 =	vmul.f32 $1.442695020e+00, v14;
	v27 =	vsub.f32 $0.0e+00, v29;
	v29 =	vld [tilespmem:s18+$0x140];
	(erf) = vpow2.f32 v17;
	v17 =	vpop (erf)  }
0x3ec: {  	v16 =	vsub.f32 $0.0e+00, v16;
	v36 =	vsub.f32 $0.0e+00, v25;
	v17 =	vmul.f32 $7.250000000e+01, v17;
	[tilespmem:s18+$0x1F0] =	vst v26  }
0x3ed: {  	v15 =	vmul.f32 $1.442695020e+00, v15;
	v37 =	vadd.f32 $6.500000000e+00, v9;
	v26 =	vmul.f32 $1.442695020e+00, v27;
	v27 =	vld [tilespmem:s18+$0x120];
	v35 =	vpop (erf)  }
0x3ee: {  	v21 =	vadd.f32 $6.500000000e+00, v21;
	v16 =	vmul.f32 $1.442695020e+00, v16;
	v9 =	vmul.f32 $1.442695020e+00, v36;
	v25 =	vpop (erf)  }
0x3ef: {  	v17 =	vadd.f32 $6.500000000e+00, v17;
	v33 =	vsub.f32 $0.0e+00, v33;
	[tilespmem:s18+$0x180] =	vst v37;
	v34 =	vpop (erf);
	(erf) = vpow2.f32 v30  }
0x3f0: {  	v30 =	vld [tilespmem:s18+$0xD0];
	v29 =	vsub.f32 $0.0e+00, v29;
	[tilespmem:s18+$0x190] =	vst v21;
	v21 =	vmul.f32 $1.442695020e+00, v23;
	(erf) = vpow2.f32 v15  }
0x3f1: {  	v15 =	vmul.f32 $7.250000000e+01, v34;
	[tilespmem:s18+$0x170] =	vst v17;
	(erf) = vpow2.f32 v14  }
0x3f2: {  	v17 =	vmul.f32 $1.442695020e+00, v20;
	v14 =	vsub.f32 $0.0e+00, v27;
	(erf) = vpow2.f32 v19  }
0x3f3: {  	v18 =	vmul.f32 $1.442695020e+00, v18;
	v15 =	vadd.f32 $6.500000000e+00, v15;
	(erf) = vpow2.f32 v22  }
0x3f4: {  	v12 =	vmul.f32 $1.442695020e+00, v12;
	(erf) = vpow2.f32 v24;
	v19 =	vpop (erf)  }
0x3f5: {  	v14 =	vmul.f32 $1.442695020e+00, v14;
	[tilespmem:s18+$0x0] =	vst v15;
	v15 =	vld [tilespmem:s18+$0x80];
	v20 =	vsub.f32 $0.0e+00, v30;
	(erf) = vpow2.f32 v16  }
0x3f6: {  	v16 =	vmul.f32 $1.442695020e+00, v29;
	(erf) = vpow2.f32 v21  }
0x3f7: {  	v20 =	vmul.f32 $1.442695020e+00, v20;
	(erf) = vpow2.f32 v11  }
0x3f8: {  	v19 =	vmul.f32 $7.250000000e+01, v19;
	v11 =	vpop (erf);
	(erf) = vpow2.f32 v14  }
0x3f9: {  	v22 =	vmul.f32 $7.250000000e+01, v25;
	v21 =	vmul.f32 $7.250000000e+01, v11;
	v11 =	vpop (erf)  }
0x3fa: {  	v14 =	vmul.f32 $1.442695020e+00, v33;
	v23 =	vsub.f32 $0.0e+00, v15;
	v24 =	vpop (erf);
	(erf) = vpow2.f32 v16  }
0x3fb: {  	v25 =	vmul.f32 $7.250000000e+01, v28;
	v16 =	vadd.f32 $6.500000000e+00, v22;
	v15 =	vpop (erf);
	(erf) = vpow2.f32 v12  }
0x3fc: {  	v21 =	vadd.f32 $6.500000000e+00, v21;
	v12 =	vmul.f32 $7.250000000e+01, v15;
	(erf) = vpow2.f32 v17;
	v15 =	vpop (erf)  }
0x3fd: {  	v23 =	vmul.f32 $1.442695020e+00, v23;
	[tilespmem:s18+$0x100] =	vst v16;
	v16 =	vadd.f32 $6.500000000e+00, v25;
	v22 =	vpop (erf);
	(erf) = vpow2.f32 v18  }
0x3fe: {  	v12 =	vadd.f32 $6.500000000e+00, v12;
	[tilespmem:s18+$0xC0] =	vst v21;
	v21 =	vmul.f32 $7.250000000e+01, v22;
	(erf) = vpow2.f32 v26;
	v18 =	vpop (erf)  }
.Ltmp9:
0x3ff: {  	v18 =	vmul.f32 $7.250000000e+01, v18;
	(erf) = vpow2.f32 v23;
	v22 =	vpop (erf);
	(pc) =	sbr.rel @p0 .LBB2_20-.Ltmp9, $4  }
0x400: {  	v21 =	vadd.f32 $6.500000000e+00, v21;
	[tilespmem:s18+$0x1A0] =	vst v16;
	v16 =	vmul.f32 $7.250000000e+01, v31;
	v17 =	vpop (erf);
	(erf) = vpow2.f32 v13  }
0x401: {  	v19 =	vadd.f32 $6.500000000e+00, v19;
	v23 =	vmul.f32 $7.250000000e+01, v24;
	[tilespmem:s18+$0x90] =	vst v12;
	(erf) = vpow2.f32 v10;
	v10 =	vpop (erf)  }
0x402: {  	v12 =	vmul.f32 $7.250000000e+01, v22;
	[tilespmem:s18+$0x150] =	vst v21;
	v16 =	vadd.f32 $6.500000000e+00, v16;
	(erf) = vpow2.f32 v20  }
0x403: {  	v21 =	vmul.f32 $7.250000000e+01, v35;
	v20 =	vadd.f32 $6.500000000e+00, v23;
	(erf) = vpow2.f32 v32;
	v13 =	vpop (erf)  }
0x404: {  	[tilespmem:s18+$0x160] =	vst v19  }
0x405: {  	v18 =	vadd.f32 $6.500000000e+00, v18;
	(erf) = vpow2.f32 v14;
	v47 =	vpop (erf);
	[tilespmem:s18+$0x1B0] =	vst v16  }
0x406: {  	v11 =	vmul.f32 $7.250000000e+01, v11;
	v12 =	vadd.f32 $6.500000000e+00, v12;
	v48 =	vpop (erf);
	[tilespmem:s18+$0x50] =	vst v20  }
0x407: {  	v15 =	vmul.f32 $7.250000000e+01, v15;
	v49 =	vadd.f32 $6.500000000e+00, v21;
	(erf) = vpow2.f32 v9;
	[tilespmem:s18+$0x70] =	vst v18;
	v9 =	vpop (erf)  }
0x408: {  	v13 =	vmul.f32 $7.250000000e+01, v13;
	v11 =	vadd.f32 $6.500000000e+00, v11;
	[tilespmem:s18+$0x1D0] =	vst v12;
	v50 =	vpop (erf)  }
0x409: {  	v19 =	vmul.f32 $7.250000000e+01, v48;
	v15 =	vadd.f32 $6.500000000e+00, v15;
	[tilespmem:s18+$0x30] =	vst v49;
	v51 =	vpop (erf)  }
0x40a: {  	v13 =	vadd.f32 $6.500000000e+00, v13;
	v9 =	vmul.f32 $7.250000000e+01, v9;
	[tilespmem:s18+$0x130] =	vst v11;
	v53 =	vpop (erf)  }
0x40b: {  	v20 =	vmul.f32 $7.250000000e+01, v50;
	v52 =	vadd.f32 $6.500000000e+00, v19;
	[tilespmem:s18+$0xB0] =	vst v15;
	v54 =	vpop (erf)  }
0x40c: {  	v11 =	vmul.f32 $7.250000000e+01, v17;
	[tilespmem:s18+$0x140] =	vst v13;
	v9 =	vadd.f32 $6.500000000e+00, v9;
	v56 =	vpop (erf)  }
0x40d: {  	v16 =	vmul.f32 $7.250000000e+01, v51;
	v20 =	vadd.f32 $6.500000000e+00, v20;
	[tilespmem:s18+$0x40] =	vst v52;
	v57 =	vpop (erf)  }
0x40e: {  	v11 =	vadd.f32 $6.500000000e+00, v11;
	v55 =	vmul.f32 $7.250000000e+01, v54;
	[tilespmem:s18+$0x1C0] =	vst v9;
	v58 =	vpop (erf)  }
0x40f: {  	v63 =	vadd.f32 $6.500000000e+00, v16;
	[tilespmem:s18+$0x20] =	vst v20;
	v9 =	vmul.f32 $7.250000000e+01, v58  }
0x410: {  	[tilespmem:s18+$0x60] =	vst v11;
	v11 =	vmul.f32 $7.250000000e+01, v53;
	v15 =	vadd.f32 $6.500000000e+00, v55;
	v59 =	vpop (erf)  }
0x411: {  	[tilespmem:s18+$0x80] =	vst v63;
	v60 =	vmul.f32 $7.250000000e+01, v59;
	v9 =	vadd.f32 $6.500000000e+00, v9  }
0x412: {  	v17 =	vmul.f32 $7.250000000e+01, v56;
	v11 =	vadd.f32 $6.500000000e+00, v11;
	[tilespmem:s18+$0x10] =	vst v15  }
0x413: {  	v61 =	vmul.f32 $7.250000000e+01, v47;
	[tilespmem:s18+$0xA0] =	vst v9;
	v9 =	vadd.f32 $6.500000000e+00, v60  }
0x414: {  	v62 =	vmul.f32 $7.250000000e+01, v57;
	v17 =	vadd.f32 $6.500000000e+00, v17;
	[tilespmem:s18+$0x1E0] =	vst v11  }
0x415: {  	v11 =	vadd.f32 $6.500000000e+00, v61;
	[tilespmem:s18+$0xF0] =	vst v9;
	v9 =	vmul.f32 $7.250000000e+01, v10  }
0x416: {  	[tilespmem:s18+$0xD0] =	vst v17;
	v10 =	vadd.f32 $6.500000000e+00, v62  }
0x417: {  	s17 =	sadd.s32 $0x1, s17;
	[tilespmem:s18+$0x110] =	vst v11;
	v9 =	vadd.f32 $6.500000000e+00, v9  }
0x418: {  	p0 =	sne.s32 s17, s10;
	[tilespmem:s18+$0xE0] =	vst v10  }
.Ltmp10:
0x419: {  	[tilespmem:s18+$0x120] =	vst v9;
	(pc) =	sbr.rel @p0 .LBB2_1-.Ltmp10, $4  }
0x41a: {  	[hbm4b:s9+s3] =	stream.linear.scatter [tilespmem:s3], [sflag:$0x3], $0x1F400, $0x38;
	[tilespmem:$0x1FC80] =	vst v63  }
0x41b: {  	_ =	swait.ge [sflag:s12], $0x1F400  }
0x41c: {  	[sflag:s12] =	ssyncset.done $0x0  }
0x41d: {  	[sflag:s12] =	ssyncadd.s32 $0xFFFE0C00  }
0x41e: {  	_ =	sfence.sel $0x180000  }
0x41f: {  	[bflag:$0x0] =	sbarrier.arrive $0xFFFF  }
0x420: {  	p0 =	sne.s32 s1, $0x0;
	_ =	strace $0x90000047  }
0x421: {  	s0 =	sadd.s32 @!p0 $0x100000, s0;
	[bflag:$0x2] =	sbarrier.arrive $0xFFFF  }
0x422: {  	[sflag:s0] =	ssyncadd.tile.s32 @!p0 $0x1;
	_ =	shalt  }
.Lfunc_end2:
_tile_overlayer_lowered:
.L_overlay_start_2:
0x423: {  	(tag) =	ssettag $0x2  }
0x424: {  	s0 =	rddreg [dreg:$0x0];
	s2 =	stileid.u32  }
0x425: {  	s1 =	rddreg [dreg:$0x1];
	p0 =	sne.s32 s2, $0x0  }
0x426: {  	s3 =	rddreg [dreg:$0x2];
	[bflag:$0x3] =	sbarrier.arrive $0xFFFF;
	s2 =	simm.s32 @!p0 $0x1C03  }
0x427: {  	[timem:s3], [sflag:s2] =	dma.local @!p0 [hbm:s0], s1  }
0x428: {  	s0 =	simm.s32 @!p0 $0x3  }
0x429: {  	_ =	swait.ge @!p0 [sflag:s0], s1  }
0x42a: {  	s1 =	ssub.s32 @!p0 $0x0, s1;
	[sflag:s0] =	ssyncset.done @!p0 $0x0  }
0x42b: {  	[sflag:s0] =	ssyncadd.s32 @!p0 s1  }
0x42c: {  	[bflag:$0x3] =	sbarrier.arrive $0xFFFF  }
0x42d: {  	_ =	shalt  }

</sc_bundles>
